<compile_context>
chip_gen: v7x
topology: tpu7x:2x2x1
jax: 0.10.2.dev20260603
libtpu: 0.0.44.dev20260713+nightly
codegen_flags: <defaults>
</compile_context>

<pallas_src>
import numpy as np

import jax
import jax.numpy as jnp
from jax import lax
from jax.experimental import pallas as pl
from jax.experimental.pallas import tpu as pltpu
from jax.experimental.pallas import tpu_sc as plsc

B, N, D_FEAT = 16, 4096, 6
NPOINT, RADIUS, NSAMPLE = 1024, 0.2, 32
MLP_DIMS = [32, 32, 64]
EPS = 1e-5
ALPHA = 0.2
R2 = np.float32(RADIUS ** 2)

ROWS_W = NPOINT // 2
CH = 128
NPROW = NSAMPLE * 9
NWORD = N // 16


def _fps_body(xs_ref, ys_ref, zs_ref, start_ref, out_ref):
    col_iota = lax.broadcasted_iota(jnp.int32, (B, N), 1)
    lane_iota = lax.broadcasted_iota(jnp.int32, (B, NPOINT), 1)

    def step(t, carry):
        dist, far, out = carry
        out = jnp.where(lane_iota == t, far, out)
        oh = (col_iota == far).astype(jnp.float32)
        cx = jnp.sum(xs_ref[...] * oh, axis=1, keepdims=True)
        cy = jnp.sum(ys_ref[...] * oh, axis=1, keepdims=True)
        cz = jnp.sum(zs_ref[...] * oh, axis=1, keepdims=True)
        d = (xs_ref[...] - cx) ** 2 + (ys_ref[...] - cy) ** 2
        d = d + (zs_ref[...] - cz) ** 2
        dist = jnp.minimum(dist, d)
        m = jnp.max(dist, axis=1, keepdims=True)
        far = jnp.min(jnp.where(dist == m, col_iota, N), axis=1, keepdims=True)
        return dist, far, out

    dist0 = jnp.full((B, N), 1e10, jnp.float32)
    out0 = jnp.zeros((B, NPOINT), jnp.int32)
    _, _, out = lax.fori_loop(0, NPOINT, step, (dist0, start_ref[...], out0))
    out_ref[...] = out


def _run_fps(xyz, start):
    return pl.pallas_call(
        _fps_body,
        out_shape=jax.ShapeDtypeStruct((B, NPOINT), jnp.int32),
    )(xyz[:, 0, :], xyz[:, 1, :], xyz[:, 2, :], start.reshape(B, 1))


def _sc_gather_body(xyz_hbm, pts_hbm, tgt_hbm, fidx_hbm,
                    nxyz_out, ntgt_out, fp_out,
                    xv, yv, zv, p0, p1, p2, p3, p4, p5,
                    tg, fidx, ntst, fpst):
    wid = lax.axis_index("s") * 2 + lax.axis_index("c")
    b = wid // 2
    h = wid % 2
    io = lax.iota(jnp.int32, 16)
    pv = (p0, p1, p2, p3, p4, p5)

    pltpu.sync_copy(xyz_hbm.at[pl.ds((b * 3 + 0) * N, N)], xv)
    pltpu.sync_copy(xyz_hbm.at[pl.ds((b * 3 + 1) * N, N)], yv)
    pltpu.sync_copy(xyz_hbm.at[pl.ds((b * 3 + 2) * N, N)], zv)
    for c in range(6):
        pltpu.sync_copy(pts_hbm.at[pl.ds((b * 6 + c) * N, N)], pv[c])
    pltpu.sync_copy(tgt_hbm.at[pl.ds(b * N, N)], tg)
    pltpu.sync_copy(fidx_hbm.at[pl.ds(b * NPOINT + h * ROWS_W, ROWS_W)], fidx)

    def fp_body(v, _):
        idx = fidx[pl.ds(v * 16, 16)]
        fpst[pl.ds(v * 16, 16)] = plsc.load_gather(xv, [idx])
        fpst[pl.ds(ROWS_W + v * 16, 16)] = plsc.load_gather(yv, [idx])
        fpst[pl.ds(2 * ROWS_W + v * 16, 16)] = plsc.load_gather(zv, [idx])
        ntst[pl.ds(v * 16, 16)] = plsc.load_gather(tg, [idx])
        for c in range(6):
            fpst[pl.ds((3 + c) * ROWS_W + v * 16, 16)] = \
                plsc.load_gather(pv[c], [idx])
        return 0

    lax.fori_loop(0, ROWS_W // 16, fp_body, 0)

    for c in range(3):
        pltpu.sync_copy(
            fpst.at[pl.ds(c * ROWS_W, ROWS_W)],
            nxyz_out.at[pl.ds((b * 3 + c) * NPOINT + h * ROWS_W, ROWS_W)])
    pltpu.sync_copy(ntst, ntgt_out.at[pl.ds(b * NPOINT + h * ROWS_W, ROWS_W)])
    for c in range(9):
        pltpu.sync_copy(
            fpst.at[pl.ds(c * ROWS_W, ROWS_W)],
            fp_out.at[pl.ds((b * 9 + c) * NPOINT + h * ROWS_W, ROWS_W)])


def _run_sc_gather(xyz, points, targets, fps_idx):
    mesh = plsc.VectorSubcoreMesh(core_axis_name="c", subcore_axis_name="s")
    f32, i32 = jnp.float32, jnp.int32
    out_type = (
        jax.ShapeDtypeStruct((B * 3 * NPOINT,), f32),
        jax.ShapeDtypeStruct((B * NPOINT,), i32),
        jax.ShapeDtypeStruct((B * 9 * NPOINT,), f32),
    )
    scratch = (
        [pltpu.VMEM((N,), f32) for _ in range(3)]
        + [pltpu.VMEM((N,), f32) for _ in range(6)]
        + [pltpu.VMEM((N,), i32),
           pltpu.VMEM((ROWS_W,), i32),
           pltpu.VMEM((ROWS_W,), i32),
           pltpu.VMEM((ROWS_W * 9,), f32)]
    )
    fn = pl.kernel(_sc_gather_body, out_type=out_type, mesh=mesh,
                   scratch_types=scratch,
                   compiler_params=pltpu.CompilerParams(
                       needs_layout_passes=False))
    return fn(xyz.reshape(-1), points.reshape(-1), targets.reshape(-1),
              fps_idx.reshape(-1))


def _sqmask_body(fp_ref, xyz_ref, pw_ref, out_ref):
    src = jnp.transpose(fp_ref[0][0:3, :])
    xr = xyz_ref[0]
    mm = lax.dot_general(src, xr, (((1,), (0,)), ((), ())),
                         preferred_element_type=jnp.float32)
    s2 = src * src
    sn = (s2[:, 0:1] + s2[:, 1:2]) + s2[:, 2:3]
    x2 = xr * xr
    dn = (x2[0:1, :] + x2[1:2, :]) + x2[2:3, :]
    sq = -2.0 * mm
    sq = sq + sn
    sq = sq + dn
    inr = jnp.logical_not(sq > R2).astype(jnp.float32)
    out_ref[0] = jnp.dot(inr, pw_ref[...],
                         preferred_element_type=jnp.float32)


def _run_sqmask(fp_flat, xyz):
    ts = 256
    grid = (B, NPOINT // ts)
    fp_feat = fp_flat.reshape(B, 9, NPOINT)
    jr = np.arange(N)
    pw = np.where((jr[:, None] // 16) == np.arange(NWORD)[None, :],
                  (1 << (jr[:, None] % 16)).astype(np.float32), 0.0)
    pw = jnp.asarray(pw, jnp.float32)
    return pl.pallas_call(
        _sqmask_body,
        grid=grid,
        in_specs=[pl.BlockSpec((1, 9, ts), lambda b, r: (b, 0, r)),
                  pl.BlockSpec((1, 3, N), lambda b, r: (b, 0, 0)),
                  pl.BlockSpec((N, NWORD), lambda b, r: (0, 0))],
        out_specs=pl.BlockSpec((1, ts, NWORD), lambda b, r: (b, r, 0)),
        out_shape=jax.ShapeDtypeStruct((B, NPOINT, NWORD), jnp.float32),
    )(fp_feat, xyz, pw)


def _sc_select_body(xyz_hbm, pts_hbm, nxyz_hbm, hw_hbm, np_out,
                    xv, yv, zv, p0, p1, p2, p3, p4, p5,
                    nx, ny, nz, npst, selbuf, hwbuf, sems):
    wid = lax.axis_index("s") * 2 + lax.axis_index("c")
    b = wid // 2
    h = wid % 2
    io = lax.iota(jnp.int32, 16)
    pv = (p0, p1, p2, p3, p4, p5)
    rowbase = b * NPOINT + h * ROWS_W

    pltpu.sync_copy(xyz_hbm.at[pl.ds((b * 3 + 0) * N, N)], xv)
    pltpu.sync_copy(xyz_hbm.at[pl.ds((b * 3 + 1) * N, N)], yv)
    pltpu.sync_copy(xyz_hbm.at[pl.ds((b * 3 + 2) * N, N)], zv)
    for c in range(6):
        pltpu.sync_copy(pts_hbm.at[pl.ds((b * 6 + c) * N, N)], pv[c])
    pltpu.sync_copy(nxyz_hbm.at[pl.ds((b * 3 + 0) * NPOINT + h * ROWS_W,
                                      ROWS_W)], nx)
    pltpu.sync_copy(nxyz_hbm.at[pl.ds((b * 3 + 1) * NPOINT + h * ROWS_W,
                                      ROWS_W)], ny)
    pltpu.sync_copy(nxyz_hbm.at[pl.ds((b * 3 + 2) * NPOINT + h * ROWS_W,
                                      ROWS_W)], nz)

    RC = 8
    pltpu.async_copy(hw_hbm.at[pl.ds(rowbase * NWORD, RC * NWORD)],
                     hwbuf.at[pl.ds(0, RC * NWORD)], sems.at[0])

    def chunk_body(ck, _):
        par = lax.rem(ck, 2)
        nxt = lax.rem(ck + 1, 2)

        @pl.when(ck + 1 < ROWS_W // RC)
        def _prefetch():
            pltpu.async_copy(
                hw_hbm.at[pl.ds((rowbase + (ck + 1) * RC) * NWORD,
                                RC * NWORD)],
                hwbuf.at[pl.ds(nxt * RC * NWORD, RC * NWORD)], sems.at[nxt])

        pltpu.make_async_copy(
            hw_hbm.at[pl.ds((rowbase + ck * RC) * NWORD, RC * NWORD)],
            hwbuf.at[pl.ds(par * RC * NWORD, RC * NWORD)], sems.at[par]).wait()

        def row_body(ri, _):
            r = ck * RC + ri
            hwoff = par * RC * NWORD + ri * NWORD

            def sel_cond(c):
                pos_v, j = c
                return jnp.logical_and(jnp.max(pos_v) < NSAMPLE,
                                       j < NWORD // 8)

            def sel_body(c):
                pos_v, j = c
                ms = []
                pcs = []
                for k in range(8):
                    wf = plsc.load_gather(
                        hwbuf,
                        [jnp.broadcast_to(hwoff + j * 8 + k,
                                          (16,)).astype(jnp.int32)])
                    w = wf.astype(jnp.int32)
                    m = ((w >> io) & 1) == 1
                    ms.append(m)
                    pcs.append(plsc.all_reduce_population_count(m))
                off = pos_v
                for k in range(8):
                    rank = plsc.cumsum(ms[k].astype(jnp.int32))
                    plsc.store_scatter(selbuf, [off + (rank - 1)],
                                       io + (j * 8 + k) * 16, mask=ms[k])
                    off = off + pcs[k]
                return off, j + 1

            pos_v, _ = lax.while_loop(
                sel_cond, sel_body,
                (jnp.zeros((16,), jnp.int32), jnp.int32(0)))
            pos = jnp.max(pos_v)
            s0 = selbuf[pl.ds(0, 16)]
            s1 = selbuf[pl.ds(16, 16)]
            first = jnp.broadcast_to(s0[0], (16,))
            idx0 = jnp.where(io < pos, s0, first)
            idx1 = jnp.where(io + 16 < pos, s1, first)

            rsplat = jnp.broadcast_to(r, (16,)).astype(jnp.int32)
            cx = plsc.load_gather(nx, [rsplat])
            cy = plsc.load_gather(ny, [rsplat])
            cz = plsc.load_gather(nz, [rsplat])
            ro = lax.rem(r, CH) * NSAMPLE
            CW = CH * NSAMPLE
            for half, idxh in ((0, idx0), (1, idx1)):
                sb = ro + half * 16
                npst[pl.ds(sb, 16)] = plsc.load_gather(xv, [idxh]) - cx
                npst[pl.ds(CW + sb, 16)] = plsc.load_gather(yv, [idxh]) - cy
                npst[pl.ds(2 * CW + sb, 16)] = \
                    plsc.load_gather(zv, [idxh]) - cz
                for c in range(6):
                    npst[pl.ds((3 + c) * CW + sb, 16)] = \
                        plsc.load_gather(pv[c], [idxh])

            @pl.when(lax.rem(r, CH) == CH - 1)
            def _flush():
                colbase = (h * ROWS_W + (r - (CH - 1))) * NSAMPLE
                for c in range(9):
                    pltpu.sync_copy(
                        npst.at[pl.ds(c * CW, CW)],
                        np_out.at[pl.ds((b * 9 + c) * NPOINT * NSAMPLE
                                        + colbase, CW)])

            return 0

        lax.fori_loop(0, RC, row_body, 0)
        return 0

    lax.fori_loop(0, ROWS_W // RC, chunk_body, 0)


def _run_sc_select(xyz, points, nxyz_flat, hw):
    mesh = plsc.VectorSubcoreMesh(core_axis_name="c", subcore_axis_name="s")
    f32 = jnp.float32
    out_type = jax.ShapeDtypeStruct((B * NPOINT * NPROW,), f32)
    scratch = (
        [pltpu.VMEM((N,), f32) for _ in range(3)]
        + [pltpu.VMEM((N,), f32) for _ in range(6)]
        + [pltpu.VMEM((ROWS_W,), f32) for _ in range(3)]
        + [pltpu.VMEM((CH * NPROW,), f32),
           pltpu.VMEM((192,), jnp.int32),
           pltpu.VMEM((2 * 8 * NWORD,), f32),
           pltpu.SemaphoreType.DMA((2,))]
    )
    fn = pl.kernel(_sc_select_body, out_type=out_type, mesh=mesh,
                   scratch_types=scratch,
                   compiler_params=pltpu.CompilerParams(
                       needs_layout_passes=False))
    return fn(xyz.reshape(-1), points.reshape(-1), nxyz_flat, hw.reshape(-1))


def _mlp_att_body(np_ref, fp_ref, wt_refs, b_refs, sc_refs, be_refs,
                  attp_ref, atth_ref, out_ref, *, rows):
    h0 = jnp.transpose(np_ref[0])
    g = jnp.transpose(fp_ref[0])
    h = h0
    for i in range(3):
        wt = wt_refs[i][...]
        bb = b_refs[i][...]
        sc = sc_refs[i][...]
        be = be_refs[i][...]
        h = jax.nn.relu((jnp.dot(h, wt, preferred_element_type=jnp.float32)
                         + bb) * sc + be)
        g = jax.nn.relu((jnp.dot(g, wt, preferred_element_type=jnp.float32)
                         + bb) * sc + be)
    delta_p = -h0[:, 0:3]
    e_p = jnp.dot(delta_p, attp_ref[...], preferred_element_type=jnp.float32)
    e_h = jnp.dot(h, atth_ref[...], preferred_element_type=jnp.float32)
    e_g = jnp.dot(g, atth_ref[...], preferred_element_type=jnp.float32)
    e = (e_p - e_h).reshape(rows, NSAMPLE, MLP_DIMS[2])
    e = e + e_g.reshape(rows, 1, MLP_DIMS[2])
    e = jnp.where(e >= 0, e, ALPHA * e)
    m = jnp.max(e, axis=1, keepdims=True)
    p = jnp.exp(e - m)
    att = p / jnp.sum(p, axis=1, keepdims=True)
    hn = h.reshape(rows, NSAMPLE, MLP_DIMS[2])
    out_ref[0] = jnp.sum(att * hn, axis=1)


def _run_mlp_att(np_feat, fp_feat, params):
    rows = 128
    grid = (B, NPOINT // rows)
    wts = [jnp.transpose(params['w%d' % i]) for i in range(3)]
    bs = [params['b%d' % i].reshape(1, -1) for i in range(3)]
    scs = [(params['g%d' % i] / jnp.sqrt(1.0 + EPS)).reshape(1, -1)
           for i in range(3)]
    bes = [params['be%d' % i].reshape(1, -1) for i in range(3)]
    att_p = params['att_a'][0:3]
    att_h = params['att_a'][3:]

    def fixed(shape):
        return pl.BlockSpec(shape, lambda b, r: (0,) * len(shape))

    in_specs = (
        [pl.BlockSpec((1, 9, rows * NSAMPLE), lambda b, r: (b, 0, r)),
         pl.BlockSpec((1, 9, rows), lambda b, r: (b, 0, r))]
        + [fixed(w.shape) for w in wts]
        + [fixed(x.shape) for x in bs]
        + [fixed(x.shape) for x in scs]
        + [fixed(x.shape) for x in bes]
        + [fixed(att_p.shape), fixed(att_h.shape)]
    )

    def body(np_r, fp_r, w0r, w1r, w2r, b0r, b1r, b2r, s0r, s1r, s2r,
             e0r, e1r, e2r, apr, ahr, out_r):
        _mlp_att_body(np_r, fp_r, (w0r, w1r, w2r), (b0r, b1r, b2r),
                      (s0r, s1r, s2r), (e0r, e1r, e2r), apr, ahr, out_r,
                      rows=rows)

    return pl.pallas_call(
        body,
        grid=grid,
        in_specs=in_specs,
        out_specs=pl.BlockSpec((1, rows, MLP_DIMS[2]), lambda b, r: (b, r, 0)),
        out_shape=jax.ShapeDtypeStruct((B, NPOINT, MLP_DIMS[2]), jnp.float32),
    )(np_feat, fp_feat, *wts, *bs, *scs, *bes, att_p, att_h)


def kernel(xyz, points, targets, w0, b0, g0, be0, w1, b1, g1, be1,
           w2, b2, g2, be2, att_a):
    params = {'w0': w0, 'b0': b0, 'g0': g0, 'be0': be0,
              'w1': w1, 'b1': b1, 'g1': g1, 'be1': be1,
              'w2': w2, 'b2': b2, 'g2': g2, 'be2': be2, 'att_a': att_a}
    start = jax.random.randint(jax.random.key(1), (B,), 0, N, dtype=jnp.int32)

    fps_idx = _run_fps(xyz, start)
    nxyz_flat, ntgt_flat, fp_flat = _run_sc_gather(
        xyz, points, targets, fps_idx)
    hw = _run_sqmask(fp_flat, xyz)
    np_flat = _run_sc_select(xyz, points, nxyz_flat, hw)

    new_xyz = nxyz_flat.reshape(B, 3, NPOINT)
    new_targets = ntgt_flat.reshape(B, NPOINT)
    np_feat = np_flat.reshape(B, 9, NPOINT * NSAMPLE)
    fp_feat = fp_flat.reshape(B, 9, NPOINT)

    pooled = _run_mlp_att(np_feat, fp_feat, params)

    return (new_xyz, jnp.swapaxes(pooled, 1, 2), new_targets)

# --- scband reference (transcript-rebuilt; emitter-appended) ---
"""Pipeline reference for scband-graph-attention-conv-layer-2946347565085 (READ-ONLY COPY).

The authoritative reference and input builder live on the scoring server;
editing this copy changes nothing except your own understanding.
"""

import jax, jax.numpy as jnp
import numpy as np

B, N, D_FEAT = 16, 4096, 6
NPOINT, RADIUS, NSAMPLE = 1024, 0.2, 32
MLP = [32, 32, 64]
EPS = 1e-5
ALPHA = 0.2


def setup_inputs(seed: int = 0):
    key = jax.random.key(seed)
    ks = jax.random.split(key, 16)
    inp = {}
    inp['xyz'] = jax.random.uniform(ks[0], (B, 3, N), dtype=jnp.float32)
    inp['points'] = jax.random.normal(ks[1], (B, D_FEAT, N), dtype=jnp.float32)
    inp['targets'] = jax.random.randint(ks[2], (B, N), 0, 13, dtype=jnp.int32)
    last = 3 + D_FEAT
    for i, out in enumerate(MLP):
        bound = 1.0 / np.sqrt(last)
        inp['w%d' % i] = jax.random.uniform(ks[3 + 2 * i], (out, last), minval=-bound, maxval=bound, dtype=jnp.float32)
        inp['b%d' % i] = jax.random.uniform(ks[4 + 2 * i], (out,), minval=-bound, maxval=bound, dtype=jnp.float32)
        inp['g%d' % i] = jnp.ones((out,), jnp.float32)
        inp['be%d' % i] = jnp.zeros((out,), jnp.float32)
        last = out
    lim = 1.414 * np.sqrt(6.0 / (3 + MLP[-1] + MLP[-1]))
    inp['att_a'] = jax.random.uniform(ks[15], (3 + MLP[-1], MLP[-1]), minval=-lim, maxval=lim, dtype=jnp.float32)
    return inp


def _index_points(points, idx):
    return jax.vmap(lambda p, i: p[i])(points, idx)


def _square_distance(src, dst):
    dist = -2.0 * jnp.matmul(src, jnp.swapaxes(dst, 1, 2))
    dist = dist + jnp.sum(src ** 2, -1)[:, :, None]
    dist = dist + jnp.sum(dst ** 2, -1)[:, None, :]
    return dist


def _fps(xyz, npoint, start):
    Bb, Nn, _ = xyz.shape
    distance = jnp.full((Bb, Nn), 1e10, jnp.float32)

    def step(carry, _):
        dist, far = carry
        centroid = jnp.take_along_axis(xyz, far[:, None, None], axis=1)
        d = jnp.sum((xyz - centroid) ** 2, -1)
        dist = jnp.minimum(dist, d)
        nfar = jnp.argmax(dist, -1).astype(jnp.int32)
        return (dist, nfar), far

    _, cents = jax.lax.scan(step, (distance, start), None, length=npoint)
    return jnp.swapaxes(cents, 0, 1)


def _query_ball(radius, nsample, xyz, new_xyz):
    Bb, Nn, _ = xyz.shape
    S = new_xyz.shape[1]
    gi = jnp.broadcast_to(jnp.arange(Nn, dtype=jnp.int32), (Bb, S, Nn))
    sq = _square_distance(new_xyz, xyz)
    gi = jnp.where(sq > radius ** 2, Nn, gi)
    gi = jnp.sort(gi, axis=-1)[:, :, :nsample]
    first = jnp.broadcast_to(gi[:, :, :1], gi.shape)
    return jnp.where(gi == Nn, first, gi)


def _forward(xyz, points, targets, params):
    sg = jax.lax.stop_gradient
    xyz_t = jnp.swapaxes(xyz, 1, 2)
    pts_t = jnp.swapaxes(points, 1, 2)
    Bb = xyz_t.shape[0]
    start = jax.random.randint(jax.random.key(1), (Bb,), 0, xyz_t.shape[1], dtype=jnp.int32)
    fps_idx = _fps(sg(xyz_t), NPOINT, start)
    new_targets = _index_points(targets, fps_idx)
    new_xyz = _index_points(xyz_t, fps_idx)
    idx = _query_ball(RADIUS, NSAMPLE, sg(xyz_t), sg(new_xyz))
    grouped_xyz = _index_points(xyz_t, idx)
    grouped_xyz_norm = grouped_xyz - new_xyz[:, :, None, :]
    grouped_points = _index_points(pts_t, idx)
    fp_feat = jnp.concatenate([new_xyz, _index_points(pts_t, fps_idx)], axis=-1)
    np_feat = jnp.concatenate([grouped_xyz_norm, grouped_points], axis=-1)
    for i in range(len(MLP)):
        w = params['w%d' % i]
        b = params['b%d' % i]
        g = params['g%d' % i]
        be = params['be%d' % i]
        scale = g / jnp.sqrt(1.0 + EPS)
        np_feat = jax.nn.relu((jnp.matmul(np_feat, w.T) + b) * scale + be)
        fp_feat = jax.nn.relu((jnp.matmul(fp_feat, w.T) + b) * scale + be)
    delta_p = new_xyz[:, :, None, :] - grouped_xyz
    delta_h = fp_feat[:, :, None, :] - np_feat
    e = jax.nn.leaky_relu(jnp.matmul(jnp.concatenate([delta_p, delta_h], axis=-1), params['att_a']), negative_slope=ALPHA)
    att = jax.nn.softmax(e, axis=2)
    pooled = jnp.sum(att * np_feat, axis=2)
    return jnp.swapaxes(new_xyz, 1, 2), jnp.swapaxes(pooled, 1, 2), new_targets


def reference(xyz, points, targets, w0, b0, g0, be0, w1, b1, g1, be1, w2, b2, g2, be2, att_a):
    params = {'w0': w0, 'b0': b0, 'g0': g0, 'be0': be0, 'w1': w1, 'b1': b1, 'g1': g1, 'be1': be1, 'w2': w2, 'b2': b2, 'g2': g2, 'be2': be2, 'att_a': att_a}
    return _forward(xyz, points, targets, params)

if __name__ == "__main__":
    import jax
    _d = setup_inputs()
    print(jax.jit(kernel)(*tuple(_d.values())))

</pallas_src>

<mosaic_0001>
#map = affine_map<(d0, d1) -> (0)>
module attributes {stable_mosaic.version = 14 : i64} {
  func.func @_sc_gather_body(%arg0: i32, %arg1: i32, %arg2: memref<196608xf32, #tpu.memory_space<hbm>>, %arg3: memref<393216xf32, #tpu.memory_space<hbm>>, %arg4: memref<65536xi32, #tpu.memory_space<hbm>>, %arg5: memref<16384xi32, #tpu.memory_space<hbm>>, %arg6: memref<49152xf32, #tpu.memory_space<hbm>>, %arg7: memref<16384xi32, #tpu.memory_space<hbm>>, %arg8: memref<147456xf32, #tpu.memory_space<hbm>>, %arg9: memref<4096xf32, #tpu.memory_space<vmem>>, %arg10: memref<4096xf32, #tpu.memory_space<vmem>>, %arg11: memref<4096xf32, #tpu.memory_space<vmem>>, %arg12: memref<4096xf32, #tpu.memory_space<vmem>>, %arg13: memref<4096xf32, #tpu.memory_space<vmem>>, %arg14: memref<4096xf32, #tpu.memory_space<vmem>>, %arg15: memref<4096xf32, #tpu.memory_space<vmem>>, %arg16: memref<4096xf32, #tpu.memory_space<vmem>>, %arg17: memref<4096xf32, #tpu.memory_space<vmem>>, %arg18: memref<4096xi32, #tpu.memory_space<vmem>>, %arg19: memref<512xi32, #tpu.memory_space<vmem>>, %arg20: memref<512xi32, #tpu.memory_space<vmem>>, %arg21: memref<4608xf32, #tpu.memory_space<vmem>>) attributes {dimension_semantics = [#tpu.dimension_semantics<core_parallel>, #tpu.dimension_semantics<subcore_parallel>], iteration_bounds = array<i64: 2, 16>, scalar_prefetch = 0 : i64, scratch_operands = 13 : i64, tpu.core_type = #tpu.core_type<sc_vector_subcore>, window_params = [{transform_indices = #map}, {transform_indices = #map}, {transform_indices = #map}, {transform_indices = #map}, {transform_indices = #map}, {transform_indices = #map}, {transform_indices = #map}]} {
    %mul3A = arith.constant 2 : i32
    %mul3A_0 = arith.muli %arg1, %mul3A : i32
    %add3A = arith.addi %mul3A_0, %arg0 : i32
    %jit3A = arith.constant 2 : i32
    %div3A = arith.divsi %add3A, %jit3A : i32
    %sign3A = arith.constant 0 : i32
    %sign3A_1 = arith.cmpi sgt, %add3A, %sign3A : i32
    %sign3A_2 = arith.extui %sign3A_1 : i1 to i32
    %sign3A_3 = arith.constant 0 : i32
    %sign3A_4 = arith.cmpi slt, %add3A, %sign3A_3 : i32
    %sign3A_5 = arith.extui %sign3A_4 : i1 to i32
    %sign3A_6 = arith.subi %sign3A_2, %sign3A_5 : i32
    %sign3A_7 = arith.constant 0 : i32
    %sign3A_8 = arith.cmpi sgt, %jit3A, %sign3A_7 : i32
    %sign3A_9 = arith.extui %sign3A_8 : i1 to i32
    %sign3A_10 = arith.constant 0 : i32
    %sign3A_11 = arith.cmpi slt, %jit3A, %sign3A_10 : i32
    %sign3A_12 = arith.extui %sign3A_11 : i1 to i32
    %sign3A_13 = arith.subi %sign3A_9, %sign3A_12 : i32
    %ne3A = arith.cmpi ne, %sign3A_6, %sign3A_13 : i32
    %rem3A = arith.remsi %add3A, %jit3A : i32
    %ne3A_14 = arith.constant 0 : i32
    %ne3A_15 = arith.cmpi ne, %rem3A, %ne3A_14 : i32
    %and3A = arith.andi %ne3A, %ne3A_15 : i1
    %sub3A = arith.constant 1 : i32
    %sub3A_16 = arith.subi %div3A, %sub3A : i32
    %select_n3A = arith.select %and3A, %sub3A_16, %div3A : i32
    %jit3A_17 = arith.constant 2 : i32
    %eq3A = arith.constant 0 : i32
    %eq3A_18 = arith.cmpi eq, %jit3A_17, %eq3A : i32
    %jit3A_19 = arith.constant 1 : i32
    %select_n3A_20 = arith.select %eq3A_18, %jit3A_19, %jit3A_17 : i32
    %rem3A_21 = arith.remsi %add3A, %select_n3A_20 : i32
    %ne3A_22 = arith.constant 0 : i32
    %ne3A_23 = arith.cmpi ne, %rem3A_21, %ne3A_22 : i32
    %lt3A = arith.constant 0 : i32
    %lt3A_24 = arith.cmpi slt, %rem3A_21, %lt3A : i32
    %lt3A_25 = arith.constant 0 : i32
    %lt3A_26 = arith.cmpi slt, %select_n3A_20, %lt3A_25 : i32
    %ne3A_27 = arith.xori %lt3A_24, %lt3A_26 : i1
    %and3A_28 = arith.andi %ne3A_27, %ne3A_23 : i1
    %add3A_29 = arith.addi %rem3A_21, %select_n3A_20 : i32
    %select_n3A_30 = arith.select %and3A_28, %add3A_29, %rem3A_21 : i32
    %iota3A = tpu.iota {dimensions = array<i32: 0>} : vector<16xi32>
    %mul3A_31 = arith.constant 3 : i32
    %mul3A_32 = arith.muli %select_n3A, %mul3A_31 : i32
    %add3A_33 = arith.constant 0 : i32
    %add3A_34 = arith.addi %mul3A_32, %add3A_33 : i32
    %mul3A_35 = arith.constant 4096 : i32
    %mul3A_36 = arith.muli %add3A_34, %mul3A_35 : i32
    "tpu.region"() ({
      %run_scoped3A = tpu.sem_alloc : memref<!tpu.dma_semaphore, #tpu.memory_space<semaphore_mem>>
      %dma_start3A = tpu.memref_slice %arg2[%mul3A_36] : memref<196608xf32, #tpu.memory_space<hbm>> -> memref<4096xf32, #tpu.memory_space<hbm>>
      %dma_start3A_211 = tpu.memref_slice %arg2[%mul3A_36] : memref<196608xf32, #tpu.memory_space<hbm>> -> memref<4096xf32, #tpu.memory_space<hbm>>
      tpu.enqueue_dma source(%dma_start3A_211 : memref<4096xf32, #tpu.memory_space<hbm>>) target(%arg9 : memref<4096xf32, #tpu.memory_space<vmem>>) target_semaphore(%run_scoped3A : memref<!tpu.dma_semaphore, #tpu.memory_space<semaphore_mem>>)
      %dma_wait3A = tpu.memref_slice %arg2[%mul3A_36] : memref<196608xf32, #tpu.memory_space<hbm>> -> memref<4096xf32, #tpu.memory_space<hbm>>
      %dma_wait3A_212 = tpu.memref_slice %arg2[%mul3A_36] : memref<196608xf32, #tpu.memory_space<hbm>> -> memref<4096xf32, #tpu.memory_space<hbm>>
      tpu.wait_dma2 semaphore(%run_scoped3A : memref<!tpu.dma_semaphore, #tpu.memory_space<semaphore_mem>>) src(%dma_wait3A_212 : memref<4096xf32, #tpu.memory_space<hbm>>) dst(%arg9 : memref<4096xf32, #tpu.memory_space<vmem>>)
      tpu.yield
    }) : () -> ()
    %mul3A_37 = arith.constant 3 : i32
    %mul3A_38 = arith.muli %select_n3A, %mul3A_37 : i32
    %add3A_39 = arith.constant 1 : i32
    %add3A_40 = arith.addi %mul3A_38, %add3A_39 : i32
    %mul3A_41 = arith.constant 4096 : i32
    %mul3A_42 = arith.muli %add3A_40, %mul3A_41 : i32
    "tpu.region"() ({
      %run_scoped3A = tpu.sem_alloc : memref<!tpu.dma_semaphore, #tpu.memory_space<semaphore_mem>>
      %dma_start3A = tpu.memref_slice %arg2[%mul3A_42] : memref<196608xf32, #tpu.memory_space<hbm>> -> memref<4096xf32, #tpu.memory_space<hbm>>
      %dma_start3A_211 = tpu.memref_slice %arg2[%mul3A_42] : memref<196608xf32, #tpu.memory_space<hbm>> -> memref<4096xf32, #tpu.memory_space<hbm>>
      tpu.enqueue_dma source(%dma_start3A_211 : memref<4096xf32, #tpu.memory_space<hbm>>) target(%arg10 : memref<4096xf32, #tpu.memory_space<vmem>>) target_semaphore(%run_scoped3A : memref<!tpu.dma_semaphore, #tpu.memory_space<semaphore_mem>>)
      %dma_wait3A = tpu.memref_slice %arg2[%mul3A_42] : memref<196608xf32, #tpu.memory_space<hbm>> -> memref<4096xf32, #tpu.memory_space<hbm>>
      %dma_wait3A_212 = tpu.memref_slice %arg2[%mul3A_42] : memref<196608xf32, #tpu.memory_space<hbm>> -> memref<4096xf32, #tpu.memory_space<hbm>>
      tpu.wait_dma2 semaphore(%run_scoped3A : memref<!tpu.dma_semaphore, #tpu.memory_space<semaphore_mem>>) src(%dma_wait3A_212 : memref<4096xf32, #tpu.memory_space<hbm>>) dst(%arg10 : memref<4096xf32, #tpu.memory_space<vmem>>)
      tpu.yield
    }) : () -> ()
    %mul3A_43 = arith.constant 3 : i32
    %mul3A_44 = arith.muli %select_n3A, %mul3A_43 : i32
    %add3A_45 = arith.constant 2 : i32
    %add3A_46 = arith.addi %mul3A_44, %add3A_45 : i32
    %mul3A_47 = arith.constant 4096 : i32
    %mul3A_48 = arith.muli %add3A_46, %mul3A_47 : i32
    "tpu.region"() ({
      %run_scoped3A = tpu.sem_alloc : memref<!tpu.dma_semaphore, #tpu.memory_space<semaphore_mem>>
      %dma_start3A = tpu.memref_slice %arg2[%mul3A_48] : memref<196608xf32, #tpu.memory_space<hbm>> -> memref<4096xf32, #tpu.memory_space<hbm>>
      %dma_start3A_211 = tpu.memref_slice %arg2[%mul3A_48] : memref<196608xf32, #tpu.memory_space<hbm>> -> memref<4096xf32, #tpu.memory_space<hbm>>
      tpu.enqueue_dma source(%dma_start3A_211 : memref<4096xf32, #tpu.memory_space<hbm>>) target(%arg11 : memref<4096xf32, #tpu.memory_space<vmem>>) target_semaphore(%run_scoped3A : memref<!tpu.dma_semaphore, #tpu.memory_space<semaphore_mem>>)
      %dma_wait3A = tpu.memref_slice %arg2[%mul3A_48] : memref<196608xf32, #tpu.memory_space<hbm>> -> memref<4096xf32, #tpu.memory_space<hbm>>
      %dma_wait3A_212 = tpu.memref_slice %arg2[%mul3A_48] : memref<196608xf32, #tpu.memory_space<hbm>> -> memref<4096xf32, #tpu.memory_space<hbm>>
      tpu.wait_dma2 semaphore(%run_scoped3A : memref<!tpu.dma_semaphore, #tpu.memory_space<semaphore_mem>>) src(%dma_wait3A_212 : memref<4096xf32, #tpu.memory_space<hbm>>) dst(%arg11 : memref<4096xf32, #tpu.memory_space<vmem>>)
      tpu.yield
    }) : () -> ()
    %mul3A_49 = arith.constant 6 : i32
    %mul3A_50 = arith.muli %select_n3A, %mul3A_49 : i32
    %add3A_51 = arith.constant 0 : i32
    %add3A_52 = arith.addi %mul3A_50, %add3A_51 : i32
    %mul3A_53 = arith.constant 4096 : i32
    %mul3A_54 = arith.muli %add3A_52, %mul3A_53 : i32
    "tpu.region"() ({
      %run_scoped3A = tpu.sem_alloc : memref<!tpu.dma_semaphore, #tpu.memory_space<semaphore_mem>>
      %dma_start3A = tpu.memref_slice %arg3[%mul3A_54] : memref<393216xf32, #tpu.memory_space<hbm>> -> memref<4096xf32, #tpu.memory_space<hbm>>
      %dma_start3A_211 = tpu.memref_slice %arg3[%mul3A_54] : memref<393216xf32, #tpu.memory_space<hbm>> -> memref<4096xf32, #tpu.memory_space<hbm>>
      tpu.enqueue_dma source(%dma_start3A_211 : memref<4096xf32, #tpu.memory_space<hbm>>) target(%arg12 : memref<4096xf32, #tpu.memory_space<vmem>>) target_semaphore(%run_scoped3A : memref<!tpu.dma_semaphore, #tpu.memory_space<semaphore_mem>>)
      %dma_wait3A = tpu.memref_slice %arg3[%mul3A_54] : memref<393216xf32, #tpu.memory_space<hbm>> -> memref<4096xf32, #tpu.memory_space<hbm>>
      %dma_wait3A_212 = tpu.memref_slice %arg3[%mul3A_54] : memref<393216xf32, #tpu.memory_space<hbm>> -> memref<4096xf32, #tpu.memory_space<hbm>>
      tpu.wait_dma2 semaphore(%run_scoped3A : memref<!tpu.dma_semaphore, #tpu.memory_space<semaphore_mem>>) src(%dma_wait3A_212 : memref<4096xf32, #tpu.memory_space<hbm>>) dst(%arg12 : memref<4096xf32, #tpu.memory_space<vmem>>)
      tpu.yield
    }) : () -> ()
    %mul3A_55 = arith.constant 6 : i32
    %mul3A_56 = arith.muli %select_n3A, %mul3A_55 : i32
    %add3A_57 = arith.constant 1 : i32
    %add3A_58 = arith.addi %mul3A_56, %add3A_57 : i32
    %mul3A_59 = arith.constant 4096 : i32
    %mul3A_60 = arith.muli %add3A_58, %mul3A_59 : i32
    "tpu.region"() ({
      %run_scoped3A = tpu.sem_alloc : memref<!tpu.dma_semaphore, #tpu.memory_space<semaphore_mem>>
      %dma_start3A = tpu.memref_slice %arg3[%mul3A_60] : memref<393216xf32, #tpu.memory_space<hbm>> -> memref<4096xf32, #tpu.memory_space<hbm>>
      %dma_start3A_211 = tpu.memref_slice %arg3[%mul3A_60] : memref<393216xf32, #tpu.memory_space<hbm>> -> memref<4096xf32, #tpu.memory_space<hbm>>
      tpu.enqueue_dma source(%dma_start3A_211 : memref<4096xf32, #tpu.memory_space<hbm>>) target(%arg13 : memref<4096xf32, #tpu.memory_space<vmem>>) target_semaphore(%run_scoped3A : memref<!tpu.dma_semaphore, #tpu.memory_space<semaphore_mem>>)
      %dma_wait3A = tpu.memref_slice %arg3[%mul3A_60] : memref<393216xf32, #tpu.memory_space<hbm>> -> memref<4096xf32, #tpu.memory_space<hbm>>
      %dma_wait3A_212 = tpu.memref_slice %arg3[%mul3A_60] : memref<393216xf32, #tpu.memory_space<hbm>> -> memref<4096xf32, #tpu.memory_space<hbm>>
      tpu.wait_dma2 semaphore(%run_scoped3A : memref<!tpu.dma_semaphore, #tpu.memory_space<semaphore_mem>>) src(%dma_wait3A_212 : memref<4096xf32, #tpu.memory_space<hbm>>) dst(%arg13 : memref<4096xf32, #tpu.memory_space<vmem>>)
      tpu.yield
    }) : () -> ()
    %mul3A_61 = arith.constant 6 : i32
    %mul3A_62 = arith.muli %select_n3A, %mul3A_61 : i32
    %add3A_63 = arith.constant 2 : i32
    %add3A_64 = arith.addi %mul3A_62, %add3A_63 : i32
    %mul3A_65 = arith.constant 4096 : i32
    %mul3A_66 = arith.muli %add3A_64, %mul3A_65 : i32
    "tpu.region"() ({
      %run_scoped3A = tpu.sem_alloc : memref<!tpu.dma_semaphore, #tpu.memory_space<semaphore_mem>>
      %dma_start3A = tpu.memref_slice %arg3[%mul3A_66] : memref<393216xf32, #tpu.memory_space<hbm>> -> memref<4096xf32, #tpu.memory_space<hbm>>
      %dma_start3A_211 = tpu.memref_slice %arg3[%mul3A_66] : memref<393216xf32, #tpu.memory_space<hbm>> -> memref<4096xf32, #tpu.memory_space<hbm>>
      tpu.enqueue_dma source(%dma_start3A_211 : memref<4096xf32, #tpu.memory_space<hbm>>) target(%arg14 : memref<4096xf32, #tpu.memory_space<vmem>>) target_semaphore(%run_scoped3A : memref<!tpu.dma_semaphore, #tpu.memory_space<semaphore_mem>>)
      %dma_wait3A = tpu.memref_slice %arg3[%mul3A_66] : memref<393216xf32, #tpu.memory_space<hbm>> -> memref<4096xf32, #tpu.memory_space<hbm>>
      %dma_wait3A_212 = tpu.memref_slice %arg3[%mul3A_66] : memref<393216xf32, #tpu.memory_space<hbm>> -> memref<4096xf32, #tpu.memory_space<hbm>>
      tpu.wait_dma2 semaphore(%run_scoped3A : memref<!tpu.dma_semaphore, #tpu.memory_space<semaphore_mem>>) src(%dma_wait3A_212 : memref<4096xf32, #tpu.memory_space<hbm>>) dst(%arg14 : memref<4096xf32, #tpu.memory_space<vmem>>)
      tpu.yield
    }) : () -> ()
    %mul3A_67 = arith.constant 6 : i32
    %mul3A_68 = arith.muli %select_n3A, %mul3A_67 : i32
    %add3A_69 = arith.constant 3 : i32
    %add3A_70 = arith.addi %mul3A_68, %add3A_69 : i32
    %mul3A_71 = arith.constant 4096 : i32
    %mul3A_72 = arith.muli %add3A_70, %mul3A_71 : i32
    "tpu.region"() ({
      %run_scoped3A = tpu.sem_alloc : memref<!tpu.dma_semaphore, #tpu.memory_space<semaphore_mem>>
      %dma_start3A = tpu.memref_slice %arg3[%mul3A_72] : memref<393216xf32, #tpu.memory_space<hbm>> -> memref<4096xf32, #tpu.memory_space<hbm>>
      %dma_start3A_211 = tpu.memref_slice %arg3[%mul3A_72] : memref<393216xf32, #tpu.memory_space<hbm>> -> memref<4096xf32, #tpu.memory_space<hbm>>
      tpu.enqueue_dma source(%dma_start3A_211 : memref<4096xf32, #tpu.memory_space<hbm>>) target(%arg15 : memref<4096xf32, #tpu.memory_space<vmem>>) target_semaphore(%run_scoped3A : memref<!tpu.dma_semaphore, #tpu.memory_space<semaphore_mem>>)
      %dma_wait3A = tpu.memref_slice %arg3[%mul3A_72] : memref<393216xf32, #tpu.memory_space<hbm>> -> memref<4096xf32, #tpu.memory_space<hbm>>
      %dma_wait3A_212 = tpu.memref_slice %arg3[%mul3A_72] : memref<393216xf32, #tpu.memory_space<hbm>> -> memref<4096xf32, #tpu.memory_space<hbm>>
      tpu.wait_dma2 semaphore(%run_scoped3A : memref<!tpu.dma_semaphore, #tpu.memory_space<semaphore_mem>>) src(%dma_wait3A_212 : memref<4096xf32, #tpu.memory_space<hbm>>) dst(%arg15 : memref<4096xf32, #tpu.memory_space<vmem>>)
      tpu.yield
    }) : () -> ()
    %mul3A_73 = arith.constant 6 : i32
    %mul3A_74 = arith.muli %select_n3A, %mul3A_73 : i32
    %add3A_75 = arith.constant 4 : i32
    %add3A_76 = arith.addi %mul3A_74, %add3A_75 : i32
    %mul3A_77 = arith.constant 4096 : i32
    %mul3A_78 = arith.muli %add3A_76, %mul3A_77 : i32
    "tpu.region"() ({
      %run_scoped3A = tpu.sem_alloc : memref<!tpu.dma_semaphore, #tpu.memory_space<semaphore_mem>>
      %dma_start3A = tpu.memref_slice %arg3[%mul3A_78] : memref<393216xf32, #tpu.memory_space<hbm>> -> memref<4096xf32, #tpu.memory_space<hbm>>
      %dma_start3A_211 = tpu.memref_slice %arg3[%mul3A_78] : memref<393216xf32, #tpu.memory_space<hbm>> -> memref<4096xf32, #tpu.memory_space<hbm>>
      tpu.enqueue_dma source(%dma_start3A_211 : memref<4096xf32, #tpu.memory_space<hbm>>) target(%arg16 : memref<4096xf32, #tpu.memory_space<vmem>>) target_semaphore(%run_scoped3A : memref<!tpu.dma_semaphore, #tpu.memory_space<semaphore_mem>>)
      %dma_wait3A = tpu.memref_slice %arg3[%mul3A_78] : memref<393216xf32, #tpu.memory_space<hbm>> -> memref<4096xf32, #tpu.memory_space<hbm>>
      %dma_wait3A_212 = tpu.memref_slice %arg3[%mul3A_78] : memref<393216xf32, #tpu.memory_space<hbm>> -> memref<4096xf32, #tpu.memory_space<hbm>>
      tpu.wait_dma2 semaphore(%run_scoped3A : memref<!tpu.dma_semaphore, #tpu.memory_space<semaphore_mem>>) src(%dma_wait3A_212 : memref<4096xf32, #tpu.memory_space<hbm>>) dst(%arg16 : memref<4096xf32, #tpu.memory_space<vmem>>)
      tpu.yield
    }) : () -> ()
    %mul3A_79 = arith.constant 6 : i32
    %mul3A_80 = arith.muli %select_n3A, %mul3A_79 : i32
    %add3A_81 = arith.constant 5 : i32
    %add3A_82 = arith.addi %mul3A_80, %add3A_81 : i32
    %mul3A_83 = arith.constant 4096 : i32
    %mul3A_84 = arith.muli %add3A_82, %mul3A_83 : i32
    "tpu.region"() ({
      %run_scoped3A = tpu.sem_alloc : memref<!tpu.dma_semaphore, #tpu.memory_space<semaphore_mem>>
      %dma_start3A = tpu.memref_slice %arg3[%mul3A_84] : memref<393216xf32, #tpu.memory_space<hbm>> -> memref<4096xf32, #tpu.memory_space<hbm>>
      %dma_start3A_211 = tpu.memref_slice %arg3[%mul3A_84] : memref<393216xf32, #tpu.memory_space<hbm>> -> memref<4096xf32, #tpu.memory_space<hbm>>
      tpu.enqueue_dma source(%dma_start3A_211 : memref<4096xf32, #tpu.memory_space<hbm>>) target(%arg17 : memref<4096xf32, #tpu.memory_space<vmem>>) target_semaphore(%run_scoped3A : memref<!tpu.dma_semaphore, #tpu.memory_space<semaphore_mem>>)
      %dma_wait3A = tpu.memref_slice %arg3[%mul3A_84] : memref<393216xf32, #tpu.memory_space<hbm>> -> memref<4096xf32, #tpu.memory_space<hbm>>
      %dma_wait3A_212 = tpu.memref_slice %arg3[%mul3A_84] : memref<393216xf32, #tpu.memory_space<hbm>> -> memref<4096xf32, #tpu.memory_space<hbm>>
      tpu.wait_dma2 semaphore(%run_scoped3A : memref<!tpu.dma_semaphore, #tpu.memory_space<semaphore_mem>>) src(%dma_wait3A_212 : memref<4096xf32, #tpu.memory_space<hbm>>) dst(%arg17 : memref<4096xf32, #tpu.memory_space<vmem>>)
      tpu.yield
    }) : () -> ()
    %mul3A_85 = arith.constant 4096 : i32
    %mul3A_86 = arith.muli %select_n3A, %mul3A_85 : i32
    "tpu.region"() ({
      %run_scoped3A = tpu.sem_alloc : memref<!tpu.dma_semaphore, #tpu.memory_space<semaphore_mem>>
      %dma_start3A = tpu.memref_slice %arg4[%mul3A_86] : memref<65536xi32, #tpu.memory_space<hbm>> -> memref<4096xi32, #tpu.memory_space<hbm>>
      %dma_start3A_211 = tpu.memref_slice %arg4[%mul3A_86] : memref<65536xi32, #tpu.memory_space<hbm>> -> memref<4096xi32, #tpu.memory_space<hbm>>
      tpu.enqueue_dma source(%dma_start3A_211 : memref<4096xi32, #tpu.memory_space<hbm>>) target(%arg18 : memref<4096xi32, #tpu.memory_space<vmem>>) target_semaphore(%run_scoped3A : memref<!tpu.dma_semaphore, #tpu.memory_space<semaphore_mem>>)
      %dma_wait3A = tpu.memref_slice %arg4[%mul3A_86] : memref<65536xi32, #tpu.memory_space<hbm>> -> memref<4096xi32, #tpu.memory_space<hbm>>
      %dma_wait3A_212 = tpu.memref_slice %arg4[%mul3A_86] : memref<65536xi32, #tpu.memory_space<hbm>> -> memref<4096xi32, #tpu.memory_space<hbm>>
      tpu.wait_dma2 semaphore(%run_scoped3A : memref<!tpu.dma_semaphore, #tpu.memory_space<semaphore_mem>>) src(%dma_wait3A_212 : memref<4096xi32, #tpu.memory_space<hbm>>) dst(%arg18 : memref<4096xi32, #tpu.memory_space<vmem>>)
      tpu.yield
    }) : () -> ()
    %mul3A_87 = arith.constant 1024 : i32
    %mul3A_88 = arith.muli %select_n3A, %mul3A_87 : i32
    %mul3A_89 = arith.constant 512 : i32
    %mul3A_90 = arith.muli %select_n3A_30, %mul3A_89 : i32
    %add3A_91 = arith.addi %mul3A_88, %mul3A_90 : i32
    "tpu.region"() ({
      %run_scoped3A = tpu.sem_alloc : memref<!tpu.dma_semaphore, #tpu.memory_space<semaphore_mem>>
      %dma_start3A = tpu.memref_slice %arg5[%add3A_91] : memref<16384xi32, #tpu.memory_space<hbm>> -> memref<512xi32, #tpu.memory_space<hbm>>
      %dma_start3A_211 = tpu.memref_slice %arg5[%add3A_91] : memref<16384xi32, #tpu.memory_space<hbm>> -> memref<512xi32, #tpu.memory_space<hbm>>
      tpu.enqueue_dma source(%dma_start3A_211 : memref<512xi32, #tpu.memory_space<hbm>>) target(%arg19 : memref<512xi32, #tpu.memory_space<vmem>>) target_semaphore(%run_scoped3A : memref<!tpu.dma_semaphore, #tpu.memory_space<semaphore_mem>>)
      %dma_wait3A = tpu.memref_slice %arg5[%add3A_91] : memref<16384xi32, #tpu.memory_space<hbm>> -> memref<512xi32, #tpu.memory_space<hbm>>
      %dma_wait3A_212 = tpu.memref_slice %arg5[%add3A_91] : memref<16384xi32, #tpu.memory_space<hbm>> -> memref<512xi32, #tpu.memory_space<hbm>>
      tpu.wait_dma2 semaphore(%run_scoped3A : memref<!tpu.dma_semaphore, #tpu.memory_space<semaphore_mem>>) src(%dma_wait3A_212 : memref<512xi32, #tpu.memory_space<hbm>>) dst(%arg19 : memref<512xi32, #tpu.memory_space<vmem>>)
      tpu.yield
    }) : () -> ()
    %scan3A = arith.constant 0 : i32
    %scan3A_92 = arith.constant 0 : i32
    %scan3A_93 = arith.constant 32 : i32
    %scan3A_94 = arith.addi %scan3A_92, %scan3A_93 : i32
    %scan3A_95 = arith.constant 1 : i32
    %scan3A_96 = scf.for %scan3A_211 = %scan3A_92 to %scan3A_94 step %scan3A_95 iter_args(%scan3A_212 = %scan3A) -> (i32)  : i32 {
      %mul3A_213 = arith.constant 16 : i32
      %mul3A_214 = arith.muli %scan3A_211, %mul3A_213 : i32
      %get3A = arith.index_cast %mul3A_214 : i32 to index
      %get3A_215 = tpu.vector_load %arg19[%get3A] {strides = array<i32>} : memref<512xi32, #tpu.memory_space<vmem>>, vector<16xi32>,
      %gather3A = tpu.vector_load_idx %arg9[%get3A_215] : memref<4096xf32, #tpu.memory_space<vmem>>[vector<16xi32>], vector<16xf32>,
      %mul3A_216 = arith.constant 16 : i32
      %mul3A_217 = arith.muli %scan3A_211, %mul3A_216 : i32
      %swap3A = arith.index_cast %mul3A_217 : i32 to index
      %swap3A_218 = tpu.vector_load %arg21[%swap3A] {strides = array<i32>} : memref<4608xf32, #tpu.memory_space<vmem>>, vector<16xf32>,
      tpu.vector_store %arg21[%swap3A], %gather3A {strides = array<i32>} : memref<4608xf32, #tpu.memory_space<vmem>>, vector<16xf32>,
      %gather3A_219 = tpu.vector_load_idx %arg10[%get3A_215] : memref<4096xf32, #tpu.memory_space<vmem>>[vector<16xi32>], vector<16xf32>,
      %mul3A_220 = arith.constant 16 : i32
      %mul3A_221 = arith.muli %scan3A_211, %mul3A_220 : i32
      %add3A_222 = arith.constant 512 : i32
      %add3A_223 = arith.addi %add3A_222, %mul3A_221 : i32
      %swap3A_224 = arith.index_cast %add3A_223 : i32 to index
      %swap3A_225 = tpu.vector_load %arg21[%swap3A_224] {strides = array<i32>} : memref<4608xf32, #tpu.memory_space<vmem>>, vector<16xf32>,
      tpu.vector_store %arg21[%swap3A_224], %gather3A_219 {strides = array<i32>} : memref<4608xf32, #tpu.memory_space<vmem>>, vector<16xf32>,
      %gather3A_226 = tpu.vector_load_idx %arg11[%get3A_215] : memref<4096xf32, #tpu.memory_space<vmem>>[vector<16xi32>], vector<16xf32>,
      %mul3A_227 = arith.constant 16 : i32
      %mul3A_228 = arith.muli %scan3A_211, %mul3A_227 : i32
      %add3A_229 = arith.constant 1024 : i32
      %add3A_230 = arith.addi %add3A_229, %mul3A_228 : i32
      %swap3A_231 = arith.index_cast %add3A_230 : i32 to index
      %swap3A_232 = tpu.vector_load %arg21[%swap3A_231] {strides = array<i32>} : memref<4608xf32, #tpu.memory_space<vmem>>, vector<16xf32>,
      tpu.vector_store %arg21[%swap3A_231], %gather3A_226 {strides = array<i32>} : memref<4608xf32, #tpu.memory_space<vmem>>, vector<16xf32>,
      %gather3A_233 = tpu.vector_load_idx %arg18[%get3A_215] : memref<4096xi32, #tpu.memory_space<vmem>>[vector<16xi32>], vector<16xi32>,
      %mul3A_234 = arith.constant 16 : i32
      %mul3A_235 = arith.muli %scan3A_211, %mul3A_234 : i32
      %swap3A_236 = arith.index_cast %mul3A_235 : i32 to index
      %swap3A_237 = tpu.vector_load %arg20[%swap3A_236] {strides = array<i32>} : memref<512xi32, #tpu.memory_space<vmem>>, vector<16xi32>,
      tpu.vector_store %arg20[%swap3A_236], %gather3A_233 {strides = array<i32>} : memref<512xi32, #tpu.memory_space<vmem>>, vector<16xi32>,
      %gather3A_238 = tpu.vector_load_idx %arg12[%get3A_215] : memref<4096xf32, #tpu.memory_space<vmem>>[vector<16xi32>], vector<16xf32>,
      %mul3A_239 = arith.constant 16 : i32
      %mul3A_240 = arith.muli %scan3A_211, %mul3A_239 : i32
      %add3A_241 = arith.constant 1536 : i32
      %add3A_242 = arith.addi %add3A_241, %mul3A_240 : i32
      %swap3A_243 = arith.index_cast %add3A_242 : i32 to index
      %swap3A_244 = tpu.vector_load %arg21[%swap3A_243] {strides = array<i32>} : memref<4608xf32, #tpu.memory_space<vmem>>, vector<16xf32>,
      tpu.vector_store %arg21[%swap3A_243], %gather3A_238 {strides = array<i32>} : memref<4608xf32, #tpu.memory_space<vmem>>, vector<16xf32>,
      %gather3A_245 = tpu.vector_load_idx %arg13[%get3A_215] : memref<4096xf32, #tpu.memory_space<vmem>>[vector<16xi32>], vector<16xf32>,
      %mul3A_246 = arith.constant 16 : i32
      %mul3A_247 = arith.muli %scan3A_211, %mul3A_246 : i32
      %add3A_248 = arith.constant 2048 : i32
      %add3A_249 = arith.addi %add3A_248, %mul3A_247 : i32
      %swap3A_250 = arith.index_cast %add3A_249 : i32 to index
      %swap3A_251 = tpu.vector_load %arg21[%swap3A_250] {strides = array<i32>} : memref<4608xf32, #tpu.memory_space<vmem>>, vector<16xf32>,
      tpu.vector_store %arg21[%swap3A_250], %gather3A_245 {strides = array<i32>} : memref<4608xf32, #tpu.memory_space<vmem>>, vector<16xf32>,
      %gather3A_252 = tpu.vector_load_idx %arg14[%get3A_215] : memref<4096xf32, #tpu.memory_space<vmem>>[vector<16xi32>], vector<16xf32>,
      %mul3A_253 = arith.constant 16 : i32
      %mul3A_254 = arith.muli %scan3A_211, %mul3A_253 : i32
      %add3A_255 = arith.constant 2560 : i32
      %add3A_256 = arith.addi %add3A_255, %mul3A_254 : i32
      %swap3A_257 = arith.index_cast %add3A_256 : i32 to index
      %swap3A_258 = tpu.vector_load %arg21[%swap3A_257] {strides = array<i32>} : memref<4608xf32, #tpu.memory_space<vmem>>, vector<16xf32>,
      tpu.vector_store %arg21[%swap3A_257], %gather3A_252 {strides = array<i32>} : memref<4608xf32, #tpu.memory_space<vmem>>, vector<16xf32>,
      %gather3A_259 = tpu.vector_load_idx %arg15[%get3A_215] : memref<4096xf32, #tpu.memory_space<vmem>>[vector<16xi32>], vector<16xf32>,
      %mul3A_260 = arith.constant 16 : i32
      %mul3A_261 = arith.muli %scan3A_211, %mul3A_260 : i32
      %add3A_262 = arith.constant 3072 : i32
      %add3A_263 = arith.addi %add3A_262, %mul3A_261 : i32
      %swap3A_264 = arith.index_cast %add3A_263 : i32 to index
      %swap3A_265 = tpu.vector_load %arg21[%swap3A_264] {strides = array<i32>} : memref<4608xf32, #tpu.memory_space<vmem>>, vector<16xf32>,
      tpu.vector_store %arg21[%swap3A_264], %gather3A_259 {strides = array<i32>} : memref<4608xf32, #tpu.memory_space<vmem>>, vector<16xf32>,
      %gather3A_266 = tpu.vector_load_idx %arg16[%get3A_215] : memref<4096xf32, #tpu.memory_space<vmem>>[vector<16xi32>], vector<16xf32>,
      %mul3A_267 = arith.constant 16 : i32
      %mul3A_268 = arith.muli %scan3A_211, %mul3A_267 : i32
      %add3A_269 = arith.constant 3584 : i32
      %add3A_270 = arith.addi %add3A_269, %mul3A_268 : i32
      %swap3A_271 = arith.index_cast %add3A_270 : i32 to index
      %swap3A_272 = tpu.vector_load %arg21[%swap3A_271] {strides = array<i32>} : memref<4608xf32, #tpu.memory_space<vmem>>, vector<16xf32>,
      tpu.vector_store %arg21[%swap3A_271], %gather3A_266 {strides = array<i32>} : memref<4608xf32, #tpu.memory_space<vmem>>, vector<16xf32>,
      %gather3A_273 = tpu.vector_load_idx %arg17[%get3A_215] : memref<4096xf32, #tpu.memory_space<vmem>>[vector<16xi32>], vector<16xf32>,
      %mul3A_274 = arith.constant 16 : i32
      %mul3A_275 = arith.muli %scan3A_211, %mul3A_274 : i32
      %add3A_276 = arith.constant 4096 : i32
      %add3A_277 = arith.addi %add3A_276, %mul3A_275 : i32
      %swap3A_278 = arith.index_cast %add3A_277 : i32 to index
      %swap3A_279 = tpu.vector_load %arg21[%swap3A_278] {strides = array<i32>} : memref<4608xf32, #tpu.memory_space<vmem>>, vector<16xf32>,
      tpu.vector_store %arg21[%swap3A_278], %gather3A_273 {strides = array<i32>} : memref<4608xf32, #tpu.memory_space<vmem>>, vector<16xf32>,
      %scan3A_280 = arith.constant 0 : i32
      scf.yield %scan3A_280 : i32
    }
    %scan3A_97 = arith.constant 32 : i32
    %mul3A_98 = arith.constant 3 : i32
    %mul3A_99 = arith.muli %select_n3A, %mul3A_98 : i32
    %add3A_100 = arith.constant 0 : i32
    %add3A_101 = arith.addi %mul3A_99, %add3A_100 : i32
    %mul3A_102 = arith.constant 1024 : i32
    %mul3A_103 = arith.muli %add3A_101, %mul3A_102 : i32
    %mul3A_104 = arith.constant 512 : i32
    %mul3A_105 = arith.muli %select_n3A_30, %mul3A_104 : i32
    %add3A_106 = arith.addi %mul3A_103, %mul3A_105 : i32
    "tpu.region"() ({
      %run_scoped3A = tpu.sem_alloc : memref<!tpu.dma_semaphore, #tpu.memory_space<semaphore_mem>>
      %dma_start3A = arith.constant 0 : i32
      %dma_start3A_211 = tpu.memref_slice %arg21[%dma_start3A] : memref<4608xf32, #tpu.memory_space<vmem>> -> memref<512xf32, #tpu.memory_space<vmem>>
      %dma_start3A_212 = tpu.memref_slice %arg6[%add3A_106] : memref<49152xf32, #tpu.memory_space<hbm>> -> memref<512xf32, #tpu.memory_space<hbm>>
      %dma_start3A_213 = tpu.memref_slice %arg6[%add3A_106] : memref<49152xf32, #tpu.memory_space<hbm>> -> memref<512xf32, #tpu.memory_space<hbm>>
      %dma_start3A_214 = arith.constant 0 : i32
      %dma_start3A_215 = tpu.memref_slice %arg21[%dma_start3A_214] : memref<4608xf32, #tpu.memory_space<vmem>> -> memref<512xf32, #tpu.memory_space<vmem>>
      tpu.enqueue_dma source(%dma_start3A_215 : memref<512xf32, #tpu.memory_space<vmem>>) target(%dma_start3A_213 : memref<512xf32, #tpu.memory_space<hbm>>) target_semaphore(%run_scoped3A : memref<!tpu.dma_semaphore, #tpu.memory_space<semaphore_mem>>)
      %dma_wait3A = arith.constant 0 : i32
      %dma_wait3A_216 = tpu.memref_slice %arg21[%dma_wait3A] : memref<4608xf32, #tpu.memory_space<vmem>> -> memref<512xf32, #tpu.memory_space<vmem>>
      %dma_wait3A_217 = tpu.memref_slice %arg6[%add3A_106] : memref<49152xf32, #tpu.memory_space<hbm>> -> memref<512xf32, #tpu.memory_space<hbm>>
      %dma_wait3A_218 = tpu.memref_slice %arg6[%add3A_106] : memref<49152xf32, #tpu.memory_space<hbm>> -> memref<512xf32, #tpu.memory_space<hbm>>
      %dma_wait3A_219 = arith.constant 0 : i32
      %dma_wait3A_220 = tpu.memref_slice %arg21[%dma_wait3A_219] : memref<4608xf32, #tpu.memory_space<vmem>> -> memref<512xf32, #tpu.memory_space<vmem>>
      tpu.wait_dma2 semaphore(%run_scoped3A : memref<!tpu.dma_semaphore, #tpu.memory_space<semaphore_mem>>) src(%dma_wait3A_220 : memref<512xf32, #tpu.memory_space<vmem>>) dst(%dma_wait3A_218 : memref<512xf32, #tpu.memory_space<hbm>>)
      tpu.yield
    }) : () -> ()
    %mul3A_107 = arith.constant 3 : i32
    %mul3A_108 = arith.muli %select_n3A, %mul3A_107 : i32
    %add3A_109 = arith.constant 1 : i32
    %add3A_110 = arith.addi %mul3A_108, %add3A_109 : i32
    %mul3A_111 = arith.constant 1024 : i32
    %mul3A_112 = arith.muli %add3A_110, %mul3A_111 : i32
    %mul3A_113 = arith.constant 512 : i32
    %mul3A_114 = arith.muli %select_n3A_30, %mul3A_113 : i32
    %add3A_115 = arith.addi %mul3A_112, %mul3A_114 : i32
    "tpu.region"() ({
      %run_scoped3A = tpu.sem_alloc : memref<!tpu.dma_semaphore, #tpu.memory_space<semaphore_mem>>
      %dma_start3A = arith.constant 512 : i32
      %dma_start3A_211 = tpu.memref_slice %arg21[%dma_start3A] : memref<4608xf32, #tpu.memory_space<vmem>> -> memref<512xf32, #tpu.memory_space<vmem>>
      %dma_start3A_212 = tpu.memref_slice %arg6[%add3A_115] : memref<49152xf32, #tpu.memory_space<hbm>> -> memref<512xf32, #tpu.memory_space<hbm>>
      %dma_start3A_213 = tpu.memref_slice %arg6[%add3A_115] : memref<49152xf32, #tpu.memory_space<hbm>> -> memref<512xf32, #tpu.memory_space<hbm>>
      %dma_start3A_214 = arith.constant 512 : i32
      %dma_start3A_215 = tpu.memref_slice %arg21[%dma_start3A_214] : memref<4608xf32, #tpu.memory_space<vmem>> -> memref<512xf32, #tpu.memory_space<vmem>>
      tpu.enqueue_dma source(%dma_start3A_215 : memref<512xf32, #tpu.memory_space<vmem>>) target(%dma_start3A_213 : memref<512xf32, #tpu.memory_space<hbm>>) target_semaphore(%run_scoped3A : memref<!tpu.dma_semaphore, #tpu.memory_space<semaphore_mem>>)
      %dma_wait3A = arith.constant 512 : i32
      %dma_wait3A_216 = tpu.memref_slice %arg21[%dma_wait3A] : memref<4608xf32, #tpu.memory_space<vmem>> -> memref<512xf32, #tpu.memory_space<vmem>>
      %dma_wait3A_217 = tpu.memref_slice %arg6[%add3A_115] : memref<49152xf32, #tpu.memory_space<hbm>> -> memref<512xf32, #tpu.memory_space<hbm>>
      %dma_wait3A_218 = tpu.memref_slice %arg6[%add3A_115] : memref<49152xf32, #tpu.memory_space<hbm>> -> memref<512xf32, #tpu.memory_space<hbm>>
      %dma_wait3A_219 = arith.constant 512 : i32
      %dma_wait3A_220 = tpu.memref_slice %arg21[%dma_wait3A_219] : memref<4608xf32, #tpu.memory_space<vmem>> -> memref<512xf32, #tpu.memory_space<vmem>>
      tpu.wait_dma2 semaphore(%run_scoped3A : memref<!tpu.dma_semaphore, #tpu.memory_space<semaphore_mem>>) src(%dma_wait3A_220 : memref<512xf32, #tpu.memory_space<vmem>>) dst(%dma_wait3A_218 : memref<512xf32, #tpu.memory_space<hbm>>)
      tpu.yield
    }) : () -> ()
    %mul3A_116 = arith.constant 3 : i32
    %mul3A_117 = arith.muli %select_n3A, %mul3A_116 : i32
    %add3A_118 = arith.constant 2 : i32
    %add3A_119 = arith.addi %mul3A_117, %add3A_118 : i32
    %mul3A_120 = arith.constant 1024 : i32
    %mul3A_121 = arith.muli %add3A_119, %mul3A_120 : i32
    %mul3A_122 = arith.constant 512 : i32
    %mul3A_123 = arith.muli %select_n3A_30, %mul3A_122 : i32
    %add3A_124 = arith.addi %mul3A_121, %mul3A_123 : i32
    "tpu.region"() ({
      %run_scoped3A = tpu.sem_alloc : memref<!tpu.dma_semaphore, #tpu.memory_space<semaphore_mem>>
      %dma_start3A = arith.constant 1024 : i32
      %dma_start3A_211 = tpu.memref_slice %arg21[%dma_start3A] : memref<4608xf32, #tpu.memory_space<vmem>> -> memref<512xf32, #tpu.memory_space<vmem>>
      %dma_start3A_212 = tpu.memref_slice %arg6[%add3A_124] : memref<49152xf32, #tpu.memory_space<hbm>> -> memref<512xf32, #tpu.memory_space<hbm>>
      %dma_start3A_213 = tpu.memref_slice %arg6[%add3A_124] : memref<49152xf32, #tpu.memory_space<hbm>> -> memref<512xf32, #tpu.memory_space<hbm>>
      %dma_start3A_214 = arith.constant 1024 : i32
      %dma_start3A_215 = tpu.memref_slice %arg21[%dma_start3A_214] : memref<4608xf32, #tpu.memory_space<vmem>> -> memref<512xf32, #tpu.memory_space<vmem>>
      tpu.enqueue_dma source(%dma_start3A_215 : memref<512xf32, #tpu.memory_space<vmem>>) target(%dma_start3A_213 : memref<512xf32, #tpu.memory_space<hbm>>) target_semaphore(%run_scoped3A : memref<!tpu.dma_semaphore, #tpu.memory_space<semaphore_mem>>)
      %dma_wait3A = arith.constant 1024 : i32
      %dma_wait3A_216 = tpu.memref_slice %arg21[%dma_wait3A] : memref<4608xf32, #tpu.memory_space<vmem>> -> memref<512xf32, #tpu.memory_space<vmem>>
      %dma_wait3A_217 = tpu.memref_slice %arg6[%add3A_124] : memref<49152xf32, #tpu.memory_space<hbm>> -> memref<512xf32, #tpu.memory_space<hbm>>
      %dma_wait3A_218 = tpu.memref_slice %arg6[%add3A_124] : memref<49152xf32, #tpu.memory_space<hbm>> -> memref<512xf32, #tpu.memory_space<hbm>>
      %dma_wait3A_219 = arith.constant 1024 : i32
      %dma_wait3A_220 = tpu.memref_slice %arg21[%dma_wait3A_219] : memref<4608xf32, #tpu.memory_space<vmem>> -> memref<512xf32, #tpu.memory_space<vmem>>
      tpu.wait_dma2 semaphore(%run_scoped3A : memref<!tpu.dma_semaphore, #tpu.memory_space<semaphore_mem>>) src(%dma_wait3A_220 : memref<512xf32, #tpu.memory_space<vmem>>) dst(%dma_wait3A_218 : memref<512xf32, #tpu.memory_space<hbm>>)
      tpu.yield
    }) : () -> ()
    %mul3A_125 = arith.constant 1024 : i32
    %mul3A_126 = arith.muli %select_n3A, %mul3A_125 : i32
    %mul3A_127 = arith.constant 512 : i32
    %mul3A_128 = arith.muli %select_n3A_30, %mul3A_127 : i32
    %add3A_129 = arith.addi %mul3A_126, %mul3A_128 : i32
    "tpu.region"() ({
      %run_scoped3A = tpu.sem_alloc : memref<!tpu.dma_semaphore, #tpu.memory_space<semaphore_mem>>
      %dma_start3A = tpu.memref_slice %arg7[%add3A_129] : memref<16384xi32, #tpu.memory_space<hbm>> -> memref<512xi32, #tpu.memory_space<hbm>>
      %dma_start3A_211 = tpu.memref_slice %arg7[%add3A_129] : memref<16384xi32, #tpu.memory_space<hbm>> -> memref<512xi32, #tpu.memory_space<hbm>>
      tpu.enqueue_dma source(%arg20 : memref<512xi32, #tpu.memory_space<vmem>>) target(%dma_start3A_211 : memref<512xi32, #tpu.memory_space<hbm>>) target_semaphore(%run_scoped3A : memref<!tpu.dma_semaphore, #tpu.memory_space<semaphore_mem>>)
      %dma_wait3A = tpu.memref_slice %arg7[%add3A_129] : memref<16384xi32, #tpu.memory_space<hbm>> -> memref<512xi32, #tpu.memory_space<hbm>>
      %dma_wait3A_212 = tpu.memref_slice %arg7[%add3A_129] : memref<16384xi32, #tpu.memory_space<hbm>> -> memref<512xi32, #tpu.memory_space<hbm>>
      tpu.wait_dma2 semaphore(%run_scoped3A : memref<!tpu.dma_semaphore, #tpu.memory_space<semaphore_mem>>) src(%arg20 : memref<512xi32, #tpu.memory_space<vmem>>) dst(%dma_wait3A_212 : memref<512xi32, #tpu.memory_space<hbm>>)
      tpu.yield
    }) : () -> ()
    %mul3A_130 = arith.constant 9 : i32
    %mul3A_131 = arith.muli %select_n3A, %mul3A_130 : i32
    %add3A_132 = arith.constant 0 : i32
    %add3A_133 = arith.addi %mul3A_131, %add3A_132 : i32
    %mul3A_134 = arith.constant 1024 : i32
    %mul3A_135 = arith.muli %add3A_133, %mul3A_134 : i32
    %mul3A_136 = arith.constant 512 : i32
    %mul3A_137 = arith.muli %select_n3A_30, %mul3A_136 : i32
    %add3A_138 = arith.addi %mul3A_135, %mul3A_137 : i32
    "tpu.region"() ({
      %run_scoped3A = tpu.sem_alloc : memref<!tpu.dma_semaphore, #tpu.memory_space<semaphore_mem>>
      %dma_start3A = arith.constant 0 : i32
      %dma_start3A_211 = tpu.memref_slice %arg21[%dma_start3A] : memref<4608xf32, #tpu.memory_space<vmem>> -> memref<512xf32, #tpu.memory_space<vmem>>
      %dma_start3A_212 = tpu.memref_slice %arg8[%add3A_138] : memref<147456xf32, #tpu.memory_space<hbm>> -> memref<512xf32, #tpu.memory_space<hbm>>
      %dma_start3A_213 = tpu.memref_slice %arg8[%add3A_138] : memref<147456xf32, #tpu.memory_space<hbm>> -> memref<512xf32, #tpu.memory_space<hbm>>
      %dma_start3A_214 = arith.constant 0 : i32
      %dma_start3A_215 = tpu.memref_slice %arg21[%dma_start3A_214] : memref<4608xf32, #tpu.memory_space<vmem>> -> memref<512xf32, #tpu.memory_space<vmem>>
      tpu.enqueue_dma source(%dma_start3A_215 : memref<512xf32, #tpu.memory_space<vmem>>) target(%dma_start3A_213 : memref<512xf32, #tpu.memory_space<hbm>>) target_semaphore(%run_scoped3A : memref<!tpu.dma_semaphore, #tpu.memory_space<semaphore_mem>>)
      %dma_wait3A = arith.constant 0 : i32
      %dma_wait3A_216 = tpu.memref_slice %arg21[%dma_wait3A] : memref<4608xf32, #tpu.memory_space<vmem>> -> memref<512xf32, #tpu.memory_space<vmem>>
      %dma_wait3A_217 = tpu.memref_slice %arg8[%add3A_138] : memref<147456xf32, #tpu.memory_space<hbm>> -> memref<512xf32, #tpu.memory_space<hbm>>
      %dma_wait3A_218 = tpu.memref_slice %arg8[%add3A_138] : memref<147456xf32, #tpu.memory_space<hbm>> -> memref<512xf32, #tpu.memory_space<hbm>>
      %dma_wait3A_219 = arith.constant 0 : i32
      %dma_wait3A_220 = tpu.memref_slice %arg21[%dma_wait3A_219] : memref<4608xf32, #tpu.memory_space<vmem>> -> memref<512xf32, #tpu.memory_space<vmem>>
      tpu.wait_dma2 semaphore(%run_scoped3A : memref<!tpu.dma_semaphore, #tpu.memory_space<semaphore_mem>>) src(%dma_wait3A_220 : memref<512xf32, #tpu.memory_space<vmem>>) dst(%dma_wait3A_218 : memref<512xf32, #tpu.memory_space<hbm>>)
      tpu.yield
    }) : () -> ()
    %mul3A_139 = arith.constant 9 : i32
    %mul3A_140 = arith.muli %select_n3A, %mul3A_139 : i32
    %add3A_141 = arith.constant 1 : i32
    %add3A_142 = arith.addi %mul3A_140, %add3A_141 : i32
    %mul3A_143 = arith.constant 1024 : i32
    %mul3A_144 = arith.muli %add3A_142, %mul3A_143 : i32
    %mul3A_145 = arith.constant 512 : i32
    %mul3A_146 = arith.muli %select_n3A_30, %mul3A_145 : i32
    %add3A_147 = arith.addi %mul3A_144, %mul3A_146 : i32
    "tpu.region"() ({
      %run_scoped3A = tpu.sem_alloc : memref<!tpu.dma_semaphore, #tpu.memory_space<semaphore_mem>>
      %dma_start3A = arith.constant 512 : i32
      %dma_start3A_211 = tpu.memref_slice %arg21[%dma_start3A] : memref<4608xf32, #tpu.memory_space<vmem>> -> memref<512xf32, #tpu.memory_space<vmem>>
      %dma_start3A_212 = tpu.memref_slice %arg8[%add3A_147] : memref<147456xf32, #tpu.memory_space<hbm>> -> memref<512xf32, #tpu.memory_space<hbm>>
      %dma_start3A_213 = tpu.memref_slice %arg8[%add3A_147] : memref<147456xf32, #tpu.memory_space<hbm>> -> memref<512xf32, #tpu.memory_space<hbm>>
      %dma_start3A_214 = arith.constant 512 : i32
      %dma_start3A_215 = tpu.memref_slice %arg21[%dma_start3A_214] : memref<4608xf32, #tpu.memory_space<vmem>> -> memref<512xf32, #tpu.memory_space<vmem>>
      tpu.enqueue_dma source(%dma_start3A_215 : memref<512xf32, #tpu.memory_space<vmem>>) target(%dma_start3A_213 : memref<512xf32, #tpu.memory_space<hbm>>) target_semaphore(%run_scoped3A : memref<!tpu.dma_semaphore, #tpu.memory_space<semaphore_mem>>)
      %dma_wait3A = arith.constant 512 : i32
      %dma_wait3A_216 = tpu.memref_slice %arg21[%dma_wait3A] : memref<4608xf32, #tpu.memory_space<vmem>> -> memref<512xf32, #tpu.memory_space<vmem>>
      %dma_wait3A_217 = tpu.memref_slice %arg8[%add3A_147] : memref<147456xf32, #tpu.memory_space<hbm>> -> memref<512xf32, #tpu.memory_space<hbm>>
      %dma_wait3A_218 = tpu.memref_slice %arg8[%add3A_147] : memref<147456xf32, #tpu.memory_space<hbm>> -> memref<512xf32, #tpu.memory_space<hbm>>
      %dma_wait3A_219 = arith.constant 512 : i32
      %dma_wait3A_220 = tpu.memref_slice %arg21[%dma_wait3A_219] : memref<4608xf32, #tpu.memory_space<vmem>> -> memref<512xf32, #tpu.memory_space<vmem>>
      tpu.wait_dma2 semaphore(%run_scoped3A : memref<!tpu.dma_semaphore, #tpu.memory_space<semaphore_mem>>) src(%dma_wait3A_220 : memref<512xf32, #tpu.memory_space<vmem>>) dst(%dma_wait3A_218 : memref<512xf32, #tpu.memory_space<hbm>>)
      tpu.yield
    }) : () -> ()
    %mul3A_148 = arith.constant 9 : i32
    %mul3A_149 = arith.muli %select_n3A, %mul3A_148 : i32
    %add3A_150 = arith.constant 2 : i32
    %add3A_151 = arith.addi %mul3A_149, %add3A_150 : i32
    %mul3A_152 = arith.constant 1024 : i32
    %mul3A_153 = arith.muli %add3A_151, %mul3A_152 : i32
    %mul3A_154 = arith.constant 512 : i32
    %mul3A_155 = arith.muli %select_n3A_30, %mul3A_154 : i32
    %add3A_156 = arith.addi %mul3A_153, %mul3A_155 : i32
    "tpu.region"() ({
      %run_scoped3A = tpu.sem_alloc : memref<!tpu.dma_semaphore, #tpu.memory_space<semaphore_mem>>
      %dma_start3A = arith.constant 1024 : i32
      %dma_start3A_211 = tpu.memref_slice %arg21[%dma_start3A] : memref<4608xf32, #tpu.memory_space<vmem>> -> memref<512xf32, #tpu.memory_space<vmem>>
      %dma_start3A_212 = tpu.memref_slice %arg8[%add3A_156] : memref<147456xf32, #tpu.memory_space<hbm>> -> memref<512xf32, #tpu.memory_space<hbm>>
      %dma_start3A_213 = tpu.memref_slice %arg8[%add3A_156] : memref<147456xf32, #tpu.memory_space<hbm>> -> memref<512xf32, #tpu.memory_space<hbm>>
      %dma_start3A_214 = arith.constant 1024 : i32
      %dma_start3A_215 = tpu.memref_slice %arg21[%dma_start3A_214] : memref<4608xf32, #tpu.memory_space<vmem>> -> memref<512xf32, #tpu.memory_space<vmem>>
      tpu.enqueue_dma source(%dma_start3A_215 : memref<512xf32, #tpu.memory_space<vmem>>) target(%dma_start3A_213 : memref<512xf32, #tpu.memory_space<hbm>>) target_semaphore(%run_scoped3A : memref<!tpu.dma_semaphore, #tpu.memory_space<semaphore_mem>>)
      %dma_wait3A = arith.constant 1024 : i32
      %dma_wait3A_216 = tpu.memref_slice %arg21[%dma_wait3A] : memref<4608xf32, #tpu.memory_space<vmem>> -> memref<512xf32, #tpu.memory_space<vmem>>
      %dma_wait3A_217 = tpu.memref_slice %arg8[%add3A_156] : memref<147456xf32, #tpu.memory_space<hbm>> -> memref<512xf32, #tpu.memory_space<hbm>>
      %dma_wait3A_218 = tpu.memref_slice %arg8[%add3A_156] : memref<147456xf32, #tpu.memory_space<hbm>> -> memref<512xf32, #tpu.memory_space<hbm>>
      %dma_wait3A_219 = arith.constant 1024 : i32
      %dma_wait3A_220 = tpu.memref_slice %arg21[%dma_wait3A_219] : memref<4608xf32, #tpu.memory_space<vmem>> -> memref<512xf32, #tpu.memory_space<vmem>>
      tpu.wait_dma2 semaphore(%run_scoped3A : memref<!tpu.dma_semaphore, #tpu.memory_space<semaphore_mem>>) src(%dma_wait3A_220 : memref<512xf32, #tpu.memory_space<vmem>>) dst(%dma_wait3A_218 : memref<512xf32, #tpu.memory_space<hbm>>)
      tpu.yield
    }) : () -> ()
    %mul3A_157 = arith.constant 9 : i32
    %mul3A_158 = arith.muli %select_n3A, %mul3A_157 : i32
    %add3A_159 = arith.constant 3 : i32
    %add3A_160 = arith.addi %mul3A_158, %add3A_159 : i32
    %mul3A_161 = arith.constant 1024 : i32
    %mul3A_162 = arith.muli %add3A_160, %mul3A_161 : i32
    %mul3A_163 = arith.constant 512 : i32
    %mul3A_164 = arith.muli %select_n3A_30, %mul3A_163 : i32
    %add3A_165 = arith.addi %mul3A_162, %mul3A_164 : i32
    "tpu.region"() ({
      %run_scoped3A = tpu.sem_alloc : memref<!tpu.dma_semaphore, #tpu.memory_space<semaphore_mem>>
      %dma_start3A = arith.constant 1536 : i32
      %dma_start3A_211 = tpu.memref_slice %arg21[%dma_start3A] : memref<4608xf32, #tpu.memory_space<vmem>> -> memref<512xf32, #tpu.memory_space<vmem>>
      %dma_start3A_212 = tpu.memref_slice %arg8[%add3A_165] : memref<147456xf32, #tpu.memory_space<hbm>> -> memref<512xf32, #tpu.memory_space<hbm>>
      %dma_start3A_213 = tpu.memref_slice %arg8[%add3A_165] : memref<147456xf32, #tpu.memory_space<hbm>> -> memref<512xf32, #tpu.memory_space<hbm>>
      %dma_start3A_214 = arith.constant 1536 : i32
      %dma_start3A_215 = tpu.memref_slice %arg21[%dma_start3A_214] : memref<4608xf32, #tpu.memory_space<vmem>> -> memref<512xf32, #tpu.memory_space<vmem>>
      tpu.enqueue_dma source(%dma_start3A_215 : memref<512xf32, #tpu.memory_space<vmem>>) target(%dma_start3A_213 : memref<512xf32, #tpu.memory_space<hbm>>) target_semaphore(%run_scoped3A : memref<!tpu.dma_semaphore, #tpu.memory_space<semaphore_mem>>)
      %dma_wait3A = arith.constant 1536 : i32
      %dma_wait3A_216 = tpu.memref_slice %arg21[%dma_wait3A] : memref<4608xf32, #tpu.memory_space<vmem>> -> memref<512xf32, #tpu.memory_space<vmem>>
      %dma_wait3A_217 = tpu.memref_slice %arg8[%add3A_165] : memref<147456xf32, #tpu.memory_space<hbm>> -> memref<512xf32, #tpu.memory_space<hbm>>
      %dma_wait3A_218 = tpu.memref_slice %arg8[%add3A_165] : memref<147456xf32, #tpu.memory_space<hbm>> -> memref<512xf32, #tpu.memory_space<hbm>>
      %dma_wait3A_219 = arith.constant 1536 : i32
      %dma_wait3A_220 = tpu.memref_slice %arg21[%dma_wait3A_219] : memref<4608xf32, #tpu.memory_space<vmem>> -> memref<512xf32, #tpu.memory_space<vmem>>
      tpu.wait_dma2 semaphore(%run_scoped3A : memref<!tpu.dma_semaphore, #tpu.memory_space<semaphore_mem>>) src(%dma_wait3A_220 : memref<512xf32, #tpu.memory_space<vmem>>) dst(%dma_wait3A_218 : memref<512xf32, #tpu.memory_space<hbm>>)
      tpu.yield
    }) : () -> ()
    %mul3A_166 = arith.constant 9 : i32
    %mul3A_167 = arith.muli %select_n3A, %mul3A_166 : i32
    %add3A_168 = arith.constant 4 : i32
    %add3A_169 = arith.addi %mul3A_167, %add3A_168 : i32
    %mul3A_170 = arith.constant 1024 : i32
    %mul3A_171 = arith.muli %add3A_169, %mul3A_170 : i32
    %mul3A_172 = arith.constant 512 : i32
    %mul3A_173 = arith.muli %select_n3A_30, %mul3A_172 : i32
    %add3A_174 = arith.addi %mul3A_171, %mul3A_173 : i32
    "tpu.region"() ({
      %run_scoped3A = tpu.sem_alloc : memref<!tpu.dma_semaphore, #tpu.memory_space<semaphore_mem>>
      %dma_start3A = arith.constant 2048 : i32
      %dma_start3A_211 = tpu.memref_slice %arg21[%dma_start3A] : memref<4608xf32, #tpu.memory_space<vmem>> -> memref<512xf32, #tpu.memory_space<vmem>>
      %dma_start3A_212 = tpu.memref_slice %arg8[%add3A_174] : memref<147456xf32, #tpu.memory_space<hbm>> -> memref<512xf32, #tpu.memory_space<hbm>>
      %dma_start3A_213 = tpu.memref_slice %arg8[%add3A_174] : memref<147456xf32, #tpu.memory_space<hbm>> -> memref<512xf32, #tpu.memory_space<hbm>>
      %dma_start3A_214 = arith.constant 2048 : i32
      %dma_start3A_215 = tpu.memref_slice %arg21[%dma_start3A_214] : memref<4608xf32, #tpu.memory_space<vmem>> -> memref<512xf32, #tpu.memory_space<vmem>>
      tpu.enqueue_dma source(%dma_start3A_215 : memref<512xf32, #tpu.memory_space<vmem>>) target(%dma_start3A_213 : memref<512xf32, #tpu.memory_space<hbm>>) target_semaphore(%run_scoped3A : memref<!tpu.dma_semaphore, #tpu.memory_space<semaphore_mem>>)
      %dma_wait3A = arith.constant 2048 : i32
      %dma_wait3A_216 = tpu.memref_slice %arg21[%dma_wait3A] : memref<4608xf32, #tpu.memory_space<vmem>> -> memref<512xf32, #tpu.memory_space<vmem>>
      %dma_wait3A_217 = tpu.memref_slice %arg8[%add3A_174] : memref<147456xf32, #tpu.memory_space<hbm>> -> memref<512xf32, #tpu.memory_space<hbm>>
      %dma_wait3A_218 = tpu.memref_slice %arg8[%add3A_174] : memref<147456xf32, #tpu.memory_space<hbm>> -> memref<512xf32, #tpu.memory_space<hbm>>
      %dma_wait3A_219 = arith.constant 2048 : i32
      %dma_wait3A_220 = tpu.memref_slice %arg21[%dma_wait3A_219] : memref<4608xf32, #tpu.memory_space<vmem>> -> memref<512xf32, #tpu.memory_space<vmem>>
      tpu.wait_dma2 semaphore(%run_scoped3A : memref<!tpu.dma_semaphore, #tpu.memory_space<semaphore_mem>>) src(%dma_wait3A_220 : memref<512xf32, #tpu.memory_space<vmem>>) dst(%dma_wait3A_218 : memref<512xf32, #tpu.memory_space<hbm>>)
      tpu.yield
    }) : () -> ()
    %mul3A_175 = arith.constant 9 : i32
    %mul3A_176 = arith.muli %select_n3A, %mul3A_175 : i32
    %add3A_177 = arith.constant 5 : i32
    %add3A_178 = arith.addi %mul3A_176, %add3A_177 : i32
    %mul3A_179 = arith.constant 1024 : i32
    %mul3A_180 = arith.muli %add3A_178, %mul3A_179 : i32
    %mul3A_181 = arith.constant 512 : i32
    %mul3A_182 = arith.muli %select_n3A_30, %mul3A_181 : i32
    %add3A_183 = arith.addi %mul3A_180, %mul3A_182 : i32
    "tpu.region"() ({
      %run_scoped3A = tpu.sem_alloc : memref<!tpu.dma_semaphore, #tpu.memory_space<semaphore_mem>>
      %dma_start3A = arith.constant 2560 : i32
      %dma_start3A_211 = tpu.memref_slice %arg21[%dma_start3A] : memref<4608xf32, #tpu.memory_space<vmem>> -> memref<512xf32, #tpu.memory_space<vmem>>
      %dma_start3A_212 = tpu.memref_slice %arg8[%add3A_183] : memref<147456xf32, #tpu.memory_space<hbm>> -> memref<512xf32, #tpu.memory_space<hbm>>
      %dma_start3A_213 = tpu.memref_slice %arg8[%add3A_183] : memref<147456xf32, #tpu.memory_space<hbm>> -> memref<512xf32, #tpu.memory_space<hbm>>
      %dma_start3A_214 = arith.constant 2560 : i32
      %dma_start3A_215 = tpu.memref_slice %arg21[%dma_start3A_214] : memref<4608xf32, #tpu.memory_space<vmem>> -> memref<512xf32, #tpu.memory_space<vmem>>
      tpu.enqueue_dma source(%dma_start3A_215 : memref<512xf32, #tpu.memory_space<vmem>>) target(%dma_start3A_213 : memref<512xf32, #tpu.memory_space<hbm>>) target_semaphore(%run_scoped3A : memref<!tpu.dma_semaphore, #tpu.memory_space<semaphore_mem>>)
      %dma_wait3A = arith.constant 2560 : i32
      %dma_wait3A_216 = tpu.memref_slice %arg21[%dma_wait3A] : memref<4608xf32, #tpu.memory_space<vmem>> -> memref<512xf32, #tpu.memory_space<vmem>>
      %dma_wait3A_217 = tpu.memref_slice %arg8[%add3A_183] : memref<147456xf32, #tpu.memory_space<hbm>> -> memref<512xf32, #tpu.memory_space<hbm>>
      %dma_wait3A_218 = tpu.memref_slice %arg8[%add3A_183] : memref<147456xf32, #tpu.memory_space<hbm>> -> memref<512xf32, #tpu.memory_space<hbm>>
      %dma_wait3A_219 = arith.constant 2560 : i32
      %dma_wait3A_220 = tpu.memref_slice %arg21[%dma_wait3A_219] : memref<4608xf32, #tpu.memory_space<vmem>> -> memref<512xf32, #tpu.memory_space<vmem>>
      tpu.wait_dma2 semaphore(%run_scoped3A : memref<!tpu.dma_semaphore, #tpu.memory_space<semaphore_mem>>) src(%dma_wait3A_220 : memref<512xf32, #tpu.memory_space<vmem>>) dst(%dma_wait3A_218 : memref<512xf32, #tpu.memory_space<hbm>>)
      tpu.yield
    }) : () -> ()
    %mul3A_184 = arith.constant 9 : i32
    %mul3A_185 = arith.muli %select_n3A, %mul3A_184 : i32
    %add3A_186 = arith.constant 6 : i32
    %add3A_187 = arith.addi %mul3A_185, %add3A_186 : i32
    %mul3A_188 = arith.constant 1024 : i32
    %mul3A_189 = arith.muli %add3A_187, %mul3A_188 : i32
    %mul3A_190 = arith.constant 512 : i32
    %mul3A_191 = arith.muli %select_n3A_30, %mul3A_190 : i32
    %add3A_192 = arith.addi %mul3A_189, %mul3A_191 : i32
    "tpu.region"() ({
      %run_scoped3A = tpu.sem_alloc : memref<!tpu.dma_semaphore, #tpu.memory_space<semaphore_mem>>
      %dma_start3A = arith.constant 3072 : i32
      %dma_start3A_211 = tpu.memref_slice %arg21[%dma_start3A] : memref<4608xf32, #tpu.memory_space<vmem>> -> memref<512xf32, #tpu.memory_space<vmem>>
      %dma_start3A_212 = tpu.memref_slice %arg8[%add3A_192] : memref<147456xf32, #tpu.memory_space<hbm>> -> memref<512xf32, #tpu.memory_space<hbm>>
      %dma_start3A_213 = tpu.memref_slice %arg8[%add3A_192] : memref<147456xf32, #tpu.memory_space<hbm>> -> memref<512xf32, #tpu.memory_space<hbm>>
      %dma_start3A_214 = arith.constant 3072 : i32
      %dma_start3A_215 = tpu.memref_slice %arg21[%dma_start3A_214] : memref<4608xf32, #tpu.memory_space<vmem>> -> memref<512xf32, #tpu.memory_space<vmem>>
      tpu.enqueue_dma source(%dma_start3A_215 : memref<512xf32, #tpu.memory_space<vmem>>) target(%dma_start3A_213 : memref<512xf32, #tpu.memory_space<hbm>>) target_semaphore(%run_scoped3A : memref<!tpu.dma_semaphore, #tpu.memory_space<semaphore_mem>>)
      %dma_wait3A = arith.constant 3072 : i32
      %dma_wait3A_216 = tpu.memref_slice %arg21[%dma_wait3A] : memref<4608xf32, #tpu.memory_space<vmem>> -> memref<512xf32, #tpu.memory_space<vmem>>
      %dma_wait3A_217 = tpu.memref_slice %arg8[%add3A_192] : memref<147456xf32, #tpu.memory_space<hbm>> -> memref<512xf32, #tpu.memory_space<hbm>>
      %dma_wait3A_218 = tpu.memref_slice %arg8[%add3A_192] : memref<147456xf32, #tpu.memory_space<hbm>> -> memref<512xf32, #tpu.memory_space<hbm>>
      %dma_wait3A_219 = arith.constant 3072 : i32
      %dma_wait3A_220 = tpu.memref_slice %arg21[%dma_wait3A_219] : memref<4608xf32, #tpu.memory_space<vmem>> -> memref<512xf32, #tpu.memory_space<vmem>>
      tpu.wait_dma2 semaphore(%run_scoped3A : memref<!tpu.dma_semaphore, #tpu.memory_space<semaphore_mem>>) src(%dma_wait3A_220 : memref<512xf32, #tpu.memory_space<vmem>>) dst(%dma_wait3A_218 : memref<512xf32, #tpu.memory_space<hbm>>)
      tpu.yield
    }) : () -> ()
    %mul3A_193 = arith.constant 9 : i32
    %mul3A_194 = arith.muli %select_n3A, %mul3A_193 : i32
    %add3A_195 = arith.constant 7 : i32
    %add3A_196 = arith.addi %mul3A_194, %add3A_195 : i32
    %mul3A_197 = arith.constant 1024 : i32
    %mul3A_198 = arith.muli %add3A_196, %mul3A_197 : i32
    %mul3A_199 = arith.constant 512 : i32
    %mul3A_200 = arith.muli %select_n3A_30, %mul3A_199 : i32
    %add3A_201 = arith.addi %mul3A_198, %mul3A_200 : i32
    "tpu.region"() ({
      %run_scoped3A = tpu.sem_alloc : memref<!tpu.dma_semaphore, #tpu.memory_space<semaphore_mem>>
      %dma_start3A = arith.constant 3584 : i32
      %dma_start3A_211 = tpu.memref_slice %arg21[%dma_start3A] : memref<4608xf32, #tpu.memory_space<vmem>> -> memref<512xf32, #tpu.memory_space<vmem>>
      %dma_start3A_212 = tpu.memref_slice %arg8[%add3A_201] : memref<147456xf32, #tpu.memory_space<hbm>> -> memref<512xf32, #tpu.memory_space<hbm>>
      %dma_start3A_213 = tpu.memref_slice %arg8[%add3A_201] : memref<147456xf32, #tpu.memory_space<hbm>> -> memref<512xf32, #tpu.memory_space<hbm>>
      %dma_start3A_214 = arith.constant 3584 : i32
      %dma_start3A_215 = tpu.memref_slice %arg21[%dma_start3A_214] : memref<4608xf32, #tpu.memory_space<vmem>> -> memref<512xf32, #tpu.memory_space<vmem>>
      tpu.enqueue_dma source(%dma_start3A_215 : memref<512xf32, #tpu.memory_space<vmem>>) target(%dma_start3A_213 : memref<512xf32, #tpu.memory_space<hbm>>) target_semaphore(%run_scoped3A : memref<!tpu.dma_semaphore, #tpu.memory_space<semaphore_mem>>)
      %dma_wait3A = arith.constant 3584 : i32
      %dma_wait3A_216 = tpu.memref_slice %arg21[%dma_wait3A] : memref<4608xf32, #tpu.memory_space<vmem>> -> memref<512xf32, #tpu.memory_space<vmem>>
      %dma_wait3A_217 = tpu.memref_slice %arg8[%add3A_201] : memref<147456xf32, #tpu.memory_space<hbm>> -> memref<512xf32, #tpu.memory_space<hbm>>
      %dma_wait3A_218 = tpu.memref_slice %arg8[%add3A_201] : memref<147456xf32, #tpu.memory_space<hbm>> -> memref<512xf32, #tpu.memory_space<hbm>>
      %dma_wait3A_219 = arith.constant 3584 : i32
      %dma_wait3A_220 = tpu.memref_slice %arg21[%dma_wait3A_219] : memref<4608xf32, #tpu.memory_space<vmem>> -> memref<512xf32, #tpu.memory_space<vmem>>
      tpu.wait_dma2 semaphore(%run_scoped3A : memref<!tpu.dma_semaphore, #tpu.memory_space<semaphore_mem>>) src(%dma_wait3A_220 : memref<512xf32, #tpu.memory_space<vmem>>) dst(%dma_wait3A_218 : memref<512xf32, #tpu.memory_space<hbm>>)
      tpu.yield
    }) : () -> ()
    %mul3A_202 = arith.constant 9 : i32
    %mul3A_203 = arith.muli %select_n3A, %mul3A_202 : i32
    %add3A_204 = arith.constant 8 : i32
    %add3A_205 = arith.addi %mul3A_203, %add3A_204 : i32
    %mul3A_206 = arith.constant 1024 : i32
    %mul3A_207 = arith.muli %add3A_205, %mul3A_206 : i32
    %mul3A_208 = arith.constant 512 : i32
    %mul3A_209 = arith.muli %select_n3A_30, %mul3A_208 : i32
    %add3A_210 = arith.addi %mul3A_207, %mul3A_209 : i32
    "tpu.region"() ({
      %run_scoped3A = tpu.sem_alloc : memref<!tpu.dma_semaphore, #tpu.memory_space<semaphore_mem>>
      %dma_start3A = arith.constant 4096 : i32
      %dma_start3A_211 = tpu.memref_slice %arg21[%dma_start3A] : memref<4608xf32, #tpu.memory_space<vmem>> -> memref<512xf32, #tpu.memory_space<vmem>>
      %dma_start3A_212 = tpu.memref_slice %arg8[%add3A_210] : memref<147456xf32, #tpu.memory_space<hbm>> -> memref<512xf32, #tpu.memory_space<hbm>>
      %dma_start3A_213 = tpu.memref_slice %arg8[%add3A_210] : memref<147456xf32, #tpu.memory_space<hbm>> -> memref<512xf32, #tpu.memory_space<hbm>>
      %dma_start3A_214 = arith.constant 4096 : i32
      %dma_start3A_215 = tpu.memref_slice %arg21[%dma_start3A_214] : memref<4608xf32, #tpu.memory_space<vmem>> -> memref<512xf32, #tpu.memory_space<vmem>>
      tpu.enqueue_dma source(%dma_start3A_215 : memref<512xf32, #tpu.memory_space<vmem>>) target(%dma_start3A_213 : memref<512xf32, #tpu.memory_space<hbm>>) target_semaphore(%run_scoped3A : memref<!tpu.dma_semaphore, #tpu.memory_space<semaphore_mem>>)
      %dma_wait3A = arith.constant 4096 : i32
      %dma_wait3A_216 = tpu.memref_slice %arg21[%dma_wait3A] : memref<4608xf32, #tpu.memory_space<vmem>> -> memref<512xf32, #tpu.memory_space<vmem>>
      %dma_wait3A_217 = tpu.memref_slice %arg8[%add3A_210] : memref<147456xf32, #tpu.memory_space<hbm>> -> memref<512xf32, #tpu.memory_space<hbm>>
      %dma_wait3A_218 = tpu.memref_slice %arg8[%add3A_210] : memref<147456xf32, #tpu.memory_space<hbm>> -> memref<512xf32, #tpu.memory_space<hbm>>
      %dma_wait3A_219 = arith.constant 4096 : i32
      %dma_wait3A_220 = tpu.memref_slice %arg21[%dma_wait3A_219] : memref<4608xf32, #tpu.memory_space<vmem>> -> memref<512xf32, #tpu.memory_space<vmem>>
      tpu.wait_dma2 semaphore(%run_scoped3A : memref<!tpu.dma_semaphore, #tpu.memory_space<semaphore_mem>>) src(%dma_wait3A_220 : memref<512xf32, #tpu.memory_space<vmem>>) dst(%dma_wait3A_218 : memref<512xf32, #tpu.memory_space<hbm>>)
      tpu.yield
    }) : () -> ()
    return
  }
}

#map = affine_map<(d0, d1) -> (0)>
module attributes {stable_mosaic.version = 14 : i64} {
  func.func @_sc_select_body(%arg0: i32, %arg1: i32, %arg2: memref<196608xf32, #tpu.memory_space<hbm>>, %arg3: memref<393216xf32, #tpu.memory_space<hbm>>, %arg4: memref<49152xf32, #tpu.memory_space<hbm>>, %arg5: memref<4194304xf32, #tpu.memory_space<hbm>>, %arg6: memref<4718592xf32, #tpu.memory_space<hbm>>, %arg7: memref<4096xf32, #tpu.memory_space<vmem>>, %arg8: memref<4096xf32, #tpu.memory_space<vmem>>, %arg9: memref<4096xf32, #tpu.memory_space<vmem>>, %arg10: memref<4096xf32, #tpu.memory_space<vmem>>, %arg11: memref<4096xf32, #tpu.memory_space<vmem>>, %arg12: memref<4096xf32, #tpu.memory_space<vmem>>, %arg13: memref<4096xf32, #tpu.memory_space<vmem>>, %arg14: memref<4096xf32, #tpu.memory_space<vmem>>, %arg15: memref<4096xf32, #tpu.memory_space<vmem>>, %arg16: memref<512xf32, #tpu.memory_space<vmem>>, %arg17: memref<512xf32, #tpu.memory_space<vmem>>, %arg18: memref<512xf32, #tpu.memory_space<vmem>>, %arg19: memref<36864xf32, #tpu.memory_space<vmem>>, %arg20: memref<192xi32, #tpu.memory_space<vmem>>, %arg21: memref<4096xf32, #tpu.memory_space<vmem>>, %arg22: memref<2x!tpu.dma_semaphore, #tpu.memory_space<semaphore_mem>>) attributes {dimension_semantics = [#tpu.dimension_semantics<core_parallel>, #tpu.dimension_semantics<subcore_parallel>], iteration_bounds = array<i64: 2, 16>, scalar_prefetch = 0 : i64, scratch_operands = 16 : i64, tpu.core_type = #tpu.core_type<sc_vector_subcore>, window_params = [{transform_indices = #map}, {transform_indices = #map}, {transform_indices = #map}, {transform_indices = #map}, {transform_indices = #map}]} {
    %mul3A = arith.constant 2 : i32
    %mul3A_0 = arith.muli %arg1, %mul3A : i32
    %add3A = arith.addi %mul3A_0, %arg0 : i32
    %jit3A = arith.constant 2 : i32
    %div3A = arith.divsi %add3A, %jit3A : i32
    %sign3A = arith.constant 0 : i32
    %sign3A_1 = arith.cmpi sgt, %add3A, %sign3A : i32
    %sign3A_2 = arith.extui %sign3A_1 : i1 to i32
    %sign3A_3 = arith.constant 0 : i32
    %sign3A_4 = arith.cmpi slt, %add3A, %sign3A_3 : i32
    %sign3A_5 = arith.extui %sign3A_4 : i1 to i32
    %sign3A_6 = arith.subi %sign3A_2, %sign3A_5 : i32
    %sign3A_7 = arith.constant 0 : i32
    %sign3A_8 = arith.cmpi sgt, %jit3A, %sign3A_7 : i32
    %sign3A_9 = arith.extui %sign3A_8 : i1 to i32
    %sign3A_10 = arith.constant 0 : i32
    %sign3A_11 = arith.cmpi slt, %jit3A, %sign3A_10 : i32
    %sign3A_12 = arith.extui %sign3A_11 : i1 to i32
    %sign3A_13 = arith.subi %sign3A_9, %sign3A_12 : i32
    %ne3A = arith.cmpi ne, %sign3A_6, %sign3A_13 : i32
    %rem3A = arith.remsi %add3A, %jit3A : i32
    %ne3A_14 = arith.constant 0 : i32
    %ne3A_15 = arith.cmpi ne, %rem3A, %ne3A_14 : i32
    %and3A = arith.andi %ne3A, %ne3A_15 : i1
    %sub3A = arith.constant 1 : i32
    %sub3A_16 = arith.subi %div3A, %sub3A : i32
    %select_n3A = arith.select %and3A, %sub3A_16, %div3A : i32
    %jit3A_17 = arith.constant 2 : i32
    %eq3A = arith.constant 0 : i32
    %eq3A_18 = arith.cmpi eq, %jit3A_17, %eq3A : i32
    %jit3A_19 = arith.constant 1 : i32
    %select_n3A_20 = arith.select %eq3A_18, %jit3A_19, %jit3A_17 : i32
    %rem3A_21 = arith.remsi %add3A, %select_n3A_20 : i32
    %ne3A_22 = arith.constant 0 : i32
    %ne3A_23 = arith.cmpi ne, %rem3A_21, %ne3A_22 : i32
    %lt3A = arith.constant 0 : i32
    %lt3A_24 = arith.cmpi slt, %rem3A_21, %lt3A : i32
    %lt3A_25 = arith.constant 0 : i32
    %lt3A_26 = arith.cmpi slt, %select_n3A_20, %lt3A_25 : i32
    %ne3A_27 = arith.xori %lt3A_24, %lt3A_26 : i1
    %and3A_28 = arith.andi %ne3A_27, %ne3A_23 : i1
    %add3A_29 = arith.addi %rem3A_21, %select_n3A_20 : i32
    %select_n3A_30 = arith.select %and3A_28, %add3A_29, %rem3A_21 : i32
    %iota3A = tpu.iota {dimensions = array<i32: 0>} : vector<16xi32>
    %mul3A_31 = arith.constant 1024 : i32
    %mul3A_32 = arith.muli %select_n3A, %mul3A_31 : i32
    %mul3A_33 = arith.constant 512 : i32
    %mul3A_34 = arith.muli %select_n3A_30, %mul3A_33 : i32
    %add3A_35 = arith.addi %mul3A_32, %mul3A_34 : i32
    %mul3A_36 = arith.constant 3 : i32
    %mul3A_37 = arith.muli %select_n3A, %mul3A_36 : i32
    %add3A_38 = arith.constant 0 : i32
    %add3A_39 = arith.addi %mul3A_37, %add3A_38 : i32
    %mul3A_40 = arith.constant 4096 : i32
    %mul3A_41 = arith.muli %add3A_39, %mul3A_40 : i32
    "tpu.region"() ({
      %run_scoped3A = tpu.sem_alloc : memref<!tpu.dma_semaphore, #tpu.memory_space<semaphore_mem>>
      %dma_start3A_133 = tpu.memref_slice %arg2[%mul3A_41] : memref<196608xf32, #tpu.memory_space<hbm>> -> memref<4096xf32, #tpu.memory_space<hbm>>
      %dma_start3A_134 = tpu.memref_slice %arg2[%mul3A_41] : memref<196608xf32, #tpu.memory_space<hbm>> -> memref<4096xf32, #tpu.memory_space<hbm>>
      tpu.enqueue_dma source(%dma_start3A_134 : memref<4096xf32, #tpu.memory_space<hbm>>) target(%arg7 : memref<4096xf32, #tpu.memory_space<vmem>>) target_semaphore(%run_scoped3A : memref<!tpu.dma_semaphore, #tpu.memory_space<semaphore_mem>>)
      %dma_wait3A = tpu.memref_slice %arg2[%mul3A_41] : memref<196608xf32, #tpu.memory_space<hbm>> -> memref<4096xf32, #tpu.memory_space<hbm>>
      %dma_wait3A_135 = tpu.memref_slice %arg2[%mul3A_41] : memref<196608xf32, #tpu.memory_space<hbm>> -> memref<4096xf32, #tpu.memory_space<hbm>>
      tpu.wait_dma2 semaphore(%run_scoped3A : memref<!tpu.dma_semaphore, #tpu.memory_space<semaphore_mem>>) src(%dma_wait3A_135 : memref<4096xf32, #tpu.memory_space<hbm>>) dst(%arg7 : memref<4096xf32, #tpu.memory_space<vmem>>)
      tpu.yield
    }) : () -> ()
    %mul3A_42 = arith.constant 3 : i32
    %mul3A_43 = arith.muli %select_n3A, %mul3A_42 : i32
    %add3A_44 = arith.constant 1 : i32
    %add3A_45 = arith.addi %mul3A_43, %add3A_44 : i32
    %mul3A_46 = arith.constant 4096 : i32
    %mul3A_47 = arith.muli %add3A_45, %mul3A_46 : i32
    "tpu.region"() ({
      %run_scoped3A = tpu.sem_alloc : memref<!tpu.dma_semaphore, #tpu.memory_space<semaphore_mem>>
      %dma_start3A_133 = tpu.memref_slice %arg2[%mul3A_47] : memref<196608xf32, #tpu.memory_space<hbm>> -> memref<4096xf32, #tpu.memory_space<hbm>>
      %dma_start3A_134 = tpu.memref_slice %arg2[%mul3A_47] : memref<196608xf32, #tpu.memory_space<hbm>> -> memref<4096xf32, #tpu.memory_space<hbm>>
      tpu.enqueue_dma source(%dma_start3A_134 : memref<4096xf32, #tpu.memory_space<hbm>>) target(%arg8 : memref<4096xf32, #tpu.memory_space<vmem>>) target_semaphore(%run_scoped3A : memref<!tpu.dma_semaphore, #tpu.memory_space<semaphore_mem>>)
      %dma_wait3A = tpu.memref_slice %arg2[%mul3A_47] : memref<196608xf32, #tpu.memory_space<hbm>> -> memref<4096xf32, #tpu.memory_space<hbm>>
      %dma_wait3A_135 = tpu.memref_slice %arg2[%mul3A_47] : memref<196608xf32, #tpu.memory_space<hbm>> -> memref<4096xf32, #tpu.memory_space<hbm>>
      tpu.wait_dma2 semaphore(%run_scoped3A : memref<!tpu.dma_semaphore, #tpu.memory_space<semaphore_mem>>) src(%dma_wait3A_135 : memref<4096xf32, #tpu.memory_space<hbm>>) dst(%arg8 : memref<4096xf32, #tpu.memory_space<vmem>>)
      tpu.yield
    }) : () -> ()
    %mul3A_48 = arith.constant 3 : i32
    %mul3A_49 = arith.muli %select_n3A, %mul3A_48 : i32
    %add3A_50 = arith.constant 2 : i32
    %add3A_51 = arith.addi %mul3A_49, %add3A_50 : i32
    %mul3A_52 = arith.constant 4096 : i32
    %mul3A_53 = arith.muli %add3A_51, %mul3A_52 : i32
    "tpu.region"() ({
      %run_scoped3A = tpu.sem_alloc : memref<!tpu.dma_semaphore, #tpu.memory_space<semaphore_mem>>
      %dma_start3A_133 = tpu.memref_slice %arg2[%mul3A_53] : memref<196608xf32, #tpu.memory_space<hbm>> -> memref<4096xf32, #tpu.memory_space<hbm>>
      %dma_start3A_134 = tpu.memref_slice %arg2[%mul3A_53] : memref<196608xf32, #tpu.memory_space<hbm>> -> memref<4096xf32, #tpu.memory_space<hbm>>
      tpu.enqueue_dma source(%dma_start3A_134 : memref<4096xf32, #tpu.memory_space<hbm>>) target(%arg9 : memref<4096xf32, #tpu.memory_space<vmem>>) target_semaphore(%run_scoped3A : memref<!tpu.dma_semaphore, #tpu.memory_space<semaphore_mem>>)
      %dma_wait3A = tpu.memref_slice %arg2[%mul3A_53] : memref<196608xf32, #tpu.memory_space<hbm>> -> memref<4096xf32, #tpu.memory_space<hbm>>
      %dma_wait3A_135 = tpu.memref_slice %arg2[%mul3A_53] : memref<196608xf32, #tpu.memory_space<hbm>> -> memref<4096xf32, #tpu.memory_space<hbm>>
      tpu.wait_dma2 semaphore(%run_scoped3A : memref<!tpu.dma_semaphore, #tpu.memory_space<semaphore_mem>>) src(%dma_wait3A_135 : memref<4096xf32, #tpu.memory_space<hbm>>) dst(%arg9 : memref<4096xf32, #tpu.memory_space<vmem>>)
      tpu.yield
    }) : () -> ()
    %mul3A_54 = arith.constant 6 : i32
    %mul3A_55 = arith.muli %select_n3A, %mul3A_54 : i32
    %add3A_56 = arith.constant 0 : i32
    %add3A_57 = arith.addi %mul3A_55, %add3A_56 : i32
    %mul3A_58 = arith.constant 4096 : i32
    %mul3A_59 = arith.muli %add3A_57, %mul3A_58 : i32
    "tpu.region"() ({
      %run_scoped3A = tpu.sem_alloc : memref<!tpu.dma_semaphore, #tpu.memory_space<semaphore_mem>>
      %dma_start3A_133 = tpu.memref_slice %arg3[%mul3A_59] : memref<393216xf32, #tpu.memory_space<hbm>> -> memref<4096xf32, #tpu.memory_space<hbm>>
      %dma_start3A_134 = tpu.memref_slice %arg3[%mul3A_59] : memref<393216xf32, #tpu.memory_space<hbm>> -> memref<4096xf32, #tpu.memory_space<hbm>>
      tpu.enqueue_dma source(%dma_start3A_134 : memref<4096xf32, #tpu.memory_space<hbm>>) target(%arg10 : memref<4096xf32, #tpu.memory_space<vmem>>) target_semaphore(%run_scoped3A : memref<!tpu.dma_semaphore, #tpu.memory_space<semaphore_mem>>)
      %dma_wait3A = tpu.memref_slice %arg3[%mul3A_59] : memref<393216xf32, #tpu.memory_space<hbm>> -> memref<4096xf32, #tpu.memory_space<hbm>>
      %dma_wait3A_135 = tpu.memref_slice %arg3[%mul3A_59] : memref<393216xf32, #tpu.memory_space<hbm>> -> memref<4096xf32, #tpu.memory_space<hbm>>
      tpu.wait_dma2 semaphore(%run_scoped3A : memref<!tpu.dma_semaphore, #tpu.memory_space<semaphore_mem>>) src(%dma_wait3A_135 : memref<4096xf32, #tpu.memory_space<hbm>>) dst(%arg10 : memref<4096xf32, #tpu.memory_space<vmem>>)
      tpu.yield
    }) : () -> ()
    %mul3A_60 = arith.constant 6 : i32
    %mul3A_61 = arith.muli %select_n3A, %mul3A_60 : i32
    %add3A_62 = arith.constant 1 : i32
    %add3A_63 = arith.addi %mul3A_61, %add3A_62 : i32
    %mul3A_64 = arith.constant 4096 : i32
    %mul3A_65 = arith.muli %add3A_63, %mul3A_64 : i32
    "tpu.region"() ({
      %run_scoped3A = tpu.sem_alloc : memref<!tpu.dma_semaphore, #tpu.memory_space<semaphore_mem>>
      %dma_start3A_133 = tpu.memref_slice %arg3[%mul3A_65] : memref<393216xf32, #tpu.memory_space<hbm>> -> memref<4096xf32, #tpu.memory_space<hbm>>
      %dma_start3A_134 = tpu.memref_slice %arg3[%mul3A_65] : memref<393216xf32, #tpu.memory_space<hbm>> -> memref<4096xf32, #tpu.memory_space<hbm>>
      tpu.enqueue_dma source(%dma_start3A_134 : memref<4096xf32, #tpu.memory_space<hbm>>) target(%arg11 : memref<4096xf32, #tpu.memory_space<vmem>>) target_semaphore(%run_scoped3A : memref<!tpu.dma_semaphore, #tpu.memory_space<semaphore_mem>>)
      %dma_wait3A = tpu.memref_slice %arg3[%mul3A_65] : memref<393216xf32, #tpu.memory_space<hbm>> -> memref<4096xf32, #tpu.memory_space<hbm>>
      %dma_wait3A_135 = tpu.memref_slice %arg3[%mul3A_65] : memref<393216xf32, #tpu.memory_space<hbm>> -> memref<4096xf32, #tpu.memory_space<hbm>>
      tpu.wait_dma2 semaphore(%run_scoped3A : memref<!tpu.dma_semaphore, #tpu.memory_space<semaphore_mem>>) src(%dma_wait3A_135 : memref<4096xf32, #tpu.memory_space<hbm>>) dst(%arg11 : memref<4096xf32, #tpu.memory_space<vmem>>)
      tpu.yield
    }) : () -> ()
    %mul3A_66 = arith.constant 6 : i32
    %mul3A_67 = arith.muli %select_n3A, %mul3A_66 : i32
    %add3A_68 = arith.constant 2 : i32
    %add3A_69 = arith.addi %mul3A_67, %add3A_68 : i32
    %mul3A_70 = arith.constant 4096 : i32
    %mul3A_71 = arith.muli %add3A_69, %mul3A_70 : i32
    "tpu.region"() ({
      %run_scoped3A = tpu.sem_alloc : memref<!tpu.dma_semaphore, #tpu.memory_space<semaphore_mem>>
      %dma_start3A_133 = tpu.memref_slice %arg3[%mul3A_71] : memref<393216xf32, #tpu.memory_space<hbm>> -> memref<4096xf32, #tpu.memory_space<hbm>>
      %dma_start3A_134 = tpu.memref_slice %arg3[%mul3A_71] : memref<393216xf32, #tpu.memory_space<hbm>> -> memref<4096xf32, #tpu.memory_space<hbm>>
      tpu.enqueue_dma source(%dma_start3A_134 : memref<4096xf32, #tpu.memory_space<hbm>>) target(%arg12 : memref<4096xf32, #tpu.memory_space<vmem>>) target_semaphore(%run_scoped3A : memref<!tpu.dma_semaphore, #tpu.memory_space<semaphore_mem>>)
      %dma_wait3A = tpu.memref_slice %arg3[%mul3A_71] : memref<393216xf32, #tpu.memory_space<hbm>> -> memref<4096xf32, #tpu.memory_space<hbm>>
      %dma_wait3A_135 = tpu.memref_slice %arg3[%mul3A_71] : memref<393216xf32, #tpu.memory_space<hbm>> -> memref<4096xf32, #tpu.memory_space<hbm>>
      tpu.wait_dma2 semaphore(%run_scoped3A : memref<!tpu.dma_semaphore, #tpu.memory_space<semaphore_mem>>) src(%dma_wait3A_135 : memref<4096xf32, #tpu.memory_space<hbm>>) dst(%arg12 : memref<4096xf32, #tpu.memory_space<vmem>>)
      tpu.yield
    }) : () -> ()
    %mul3A_72 = arith.constant 6 : i32
    %mul3A_73 = arith.muli %select_n3A, %mul3A_72 : i32
    %add3A_74 = arith.constant 3 : i32
    %add3A_75 = arith.addi %mul3A_73, %add3A_74 : i32
    %mul3A_76 = arith.constant 4096 : i32
    %mul3A_77 = arith.muli %add3A_75, %mul3A_76 : i32
    "tpu.region"() ({
      %run_scoped3A = tpu.sem_alloc : memref<!tpu.dma_semaphore, #tpu.memory_space<semaphore_mem>>
      %dma_start3A_133 = tpu.memref_slice %arg3[%mul3A_77] : memref<393216xf32, #tpu.memory_space<hbm>> -> memref<4096xf32, #tpu.memory_space<hbm>>
      %dma_start3A_134 = tpu.memref_slice %arg3[%mul3A_77] : memref<393216xf32, #tpu.memory_space<hbm>> -> memref<4096xf32, #tpu.memory_space<hbm>>
      tpu.enqueue_dma source(%dma_start3A_134 : memref<4096xf32, #tpu.memory_space<hbm>>) target(%arg13 : memref<4096xf32, #tpu.memory_space<vmem>>) target_semaphore(%run_scoped3A : memref<!tpu.dma_semaphore, #tpu.memory_space<semaphore_mem>>)
      %dma_wait3A = tpu.memref_slice %arg3[%mul3A_77] : memref<393216xf32, #tpu.memory_space<hbm>> -> memref<4096xf32, #tpu.memory_space<hbm>>
      %dma_wait3A_135 = tpu.memref_slice %arg3[%mul3A_77] : memref<393216xf32, #tpu.memory_space<hbm>> -> memref<4096xf32, #tpu.memory_space<hbm>>
      tpu.wait_dma2 semaphore(%run_scoped3A : memref<!tpu.dma_semaphore, #tpu.memory_space<semaphore_mem>>) src(%dma_wait3A_135 : memref<4096xf32, #tpu.memory_space<hbm>>) dst(%arg13 : memref<4096xf32, #tpu.memory_space<vmem>>)
      tpu.yield
    }) : () -> ()
    %mul3A_78 = arith.constant 6 : i32
    %mul3A_79 = arith.muli %select_n3A, %mul3A_78 : i32
    %add3A_80 = arith.constant 4 : i32
    %add3A_81 = arith.addi %mul3A_79, %add3A_80 : i32
    %mul3A_82 = arith.constant 4096 : i32
    %mul3A_83 = arith.muli %add3A_81, %mul3A_82 : i32
    "tpu.region"() ({
      %run_scoped3A = tpu.sem_alloc : memref<!tpu.dma_semaphore, #tpu.memory_space<semaphore_mem>>
      %dma_start3A_133 = tpu.memref_slice %arg3[%mul3A_83] : memref<393216xf32, #tpu.memory_space<hbm>> -> memref<4096xf32, #tpu.memory_space<hbm>>
      %dma_start3A_134 = tpu.memref_slice %arg3[%mul3A_83] : memref<393216xf32, #tpu.memory_space<hbm>> -> memref<4096xf32, #tpu.memory_space<hbm>>
      tpu.enqueue_dma source(%dma_start3A_134 : memref<4096xf32, #tpu.memory_space<hbm>>) target(%arg14 : memref<4096xf32, #tpu.memory_space<vmem>>) target_semaphore(%run_scoped3A : memref<!tpu.dma_semaphore, #tpu.memory_space<semaphore_mem>>)
      %dma_wait3A = tpu.memref_slice %arg3[%mul3A_83] : memref<393216xf32, #tpu.memory_space<hbm>> -> memref<4096xf32, #tpu.memory_space<hbm>>
      %dma_wait3A_135 = tpu.memref_slice %arg3[%mul3A_83] : memref<393216xf32, #tpu.memory_space<hbm>> -> memref<4096xf32, #tpu.memory_space<hbm>>
      tpu.wait_dma2 semaphore(%run_scoped3A : memref<!tpu.dma_semaphore, #tpu.memory_space<semaphore_mem>>) src(%dma_wait3A_135 : memref<4096xf32, #tpu.memory_space<hbm>>) dst(%arg14 : memref<4096xf32, #tpu.memory_space<vmem>>)
      tpu.yield
    }) : () -> ()
    %mul3A_84 = arith.constant 6 : i32
    %mul3A_85 = arith.muli %select_n3A, %mul3A_84 : i32
    %add3A_86 = arith.constant 5 : i32
    %add3A_87 = arith.addi %mul3A_85, %add3A_86 : i32
    %mul3A_88 = arith.constant 4096 : i32
    %mul3A_89 = arith.muli %add3A_87, %mul3A_88 : i32
    "tpu.region"() ({
      %run_scoped3A = tpu.sem_alloc : memref<!tpu.dma_semaphore, #tpu.memory_space<semaphore_mem>>
      %dma_start3A_133 = tpu.memref_slice %arg3[%mul3A_89] : memref<393216xf32, #tpu.memory_space<hbm>> -> memref<4096xf32, #tpu.memory_space<hbm>>
      %dma_start3A_134 = tpu.memref_slice %arg3[%mul3A_89] : memref<393216xf32, #tpu.memory_space<hbm>> -> memref<4096xf32, #tpu.memory_space<hbm>>
      tpu.enqueue_dma source(%dma_start3A_134 : memref<4096xf32, #tpu.memory_space<hbm>>) target(%arg15 : memref<4096xf32, #tpu.memory_space<vmem>>) target_semaphore(%run_scoped3A : memref<!tpu.dma_semaphore, #tpu.memory_space<semaphore_mem>>)
      %dma_wait3A = tpu.memref_slice %arg3[%mul3A_89] : memref<393216xf32, #tpu.memory_space<hbm>> -> memref<4096xf32, #tpu.memory_space<hbm>>
      %dma_wait3A_135 = tpu.memref_slice %arg3[%mul3A_89] : memref<393216xf32, #tpu.memory_space<hbm>> -> memref<4096xf32, #tpu.memory_space<hbm>>
      tpu.wait_dma2 semaphore(%run_scoped3A : memref<!tpu.dma_semaphore, #tpu.memory_space<semaphore_mem>>) src(%dma_wait3A_135 : memref<4096xf32, #tpu.memory_space<hbm>>) dst(%arg15 : memref<4096xf32, #tpu.memory_space<vmem>>)
      tpu.yield
    }) : () -> ()
    %mul3A_90 = arith.constant 3 : i32
    %mul3A_91 = arith.muli %select_n3A, %mul3A_90 : i32
    %add3A_92 = arith.constant 0 : i32
    %add3A_93 = arith.addi %mul3A_91, %add3A_92 : i32
    %mul3A_94 = arith.constant 1024 : i32
    %mul3A_95 = arith.muli %add3A_93, %mul3A_94 : i32
    %mul3A_96 = arith.constant 512 : i32
    %mul3A_97 = arith.muli %select_n3A_30, %mul3A_96 : i32
    %add3A_98 = arith.addi %mul3A_95, %mul3A_97 : i32
    "tpu.region"() ({
      %run_scoped3A = tpu.sem_alloc : memref<!tpu.dma_semaphore, #tpu.memory_space<semaphore_mem>>
      %dma_start3A_133 = tpu.memref_slice %arg4[%add3A_98] : memref<49152xf32, #tpu.memory_space<hbm>> -> memref<512xf32, #tpu.memory_space<hbm>>
      %dma_start3A_134 = tpu.memref_slice %arg4[%add3A_98] : memref<49152xf32, #tpu.memory_space<hbm>> -> memref<512xf32, #tpu.memory_space<hbm>>
      tpu.enqueue_dma source(%dma_start3A_134 : memref<512xf32, #tpu.memory_space<hbm>>) target(%arg16 : memref<512xf32, #tpu.memory_space<vmem>>) target_semaphore(%run_scoped3A : memref<!tpu.dma_semaphore, #tpu.memory_space<semaphore_mem>>)
      %dma_wait3A = tpu.memref_slice %arg4[%add3A_98] : memref<49152xf32, #tpu.memory_space<hbm>> -> memref<512xf32, #tpu.memory_space<hbm>>
      %dma_wait3A_135 = tpu.memref_slice %arg4[%add3A_98] : memref<49152xf32, #tpu.memory_space<hbm>> -> memref<512xf32, #tpu.memory_space<hbm>>
      tpu.wait_dma2 semaphore(%run_scoped3A : memref<!tpu.dma_semaphore, #tpu.memory_space<semaphore_mem>>) src(%dma_wait3A_135 : memref<512xf32, #tpu.memory_space<hbm>>) dst(%arg16 : memref<512xf32, #tpu.memory_space<vmem>>)
      tpu.yield
    }) : () -> ()
    %mul3A_99 = arith.constant 3 : i32
    %mul3A_100 = arith.muli %select_n3A, %mul3A_99 : i32
    %add3A_101 = arith.constant 1 : i32
    %add3A_102 = arith.addi %mul3A_100, %add3A_101 : i32
    %mul3A_103 = arith.constant 1024 : i32
    %mul3A_104 = arith.muli %add3A_102, %mul3A_103 : i32
    %mul3A_105 = arith.constant 512 : i32
    %mul3A_106 = arith.muli %select_n3A_30, %mul3A_105 : i32
    %add3A_107 = arith.addi %mul3A_104, %mul3A_106 : i32
    "tpu.region"() ({
      %run_scoped3A = tpu.sem_alloc : memref<!tpu.dma_semaphore, #tpu.memory_space<semaphore_mem>>
      %dma_start3A_133 = tpu.memref_slice %arg4[%add3A_107] : memref<49152xf32, #tpu.memory_space<hbm>> -> memref<512xf32, #tpu.memory_space<hbm>>
      %dma_start3A_134 = tpu.memref_slice %arg4[%add3A_107] : memref<49152xf32, #tpu.memory_space<hbm>> -> memref<512xf32, #tpu.memory_space<hbm>>
      tpu.enqueue_dma source(%dma_start3A_134 : memref<512xf32, #tpu.memory_space<hbm>>) target(%arg17 : memref<512xf32, #tpu.memory_space<vmem>>) target_semaphore(%run_scoped3A : memref<!tpu.dma_semaphore, #tpu.memory_space<semaphore_mem>>)
      %dma_wait3A = tpu.memref_slice %arg4[%add3A_107] : memref<49152xf32, #tpu.memory_space<hbm>> -> memref<512xf32, #tpu.memory_space<hbm>>
      %dma_wait3A_135 = tpu.memref_slice %arg4[%add3A_107] : memref<49152xf32, #tpu.memory_space<hbm>> -> memref<512xf32, #tpu.memory_space<hbm>>
      tpu.wait_dma2 semaphore(%run_scoped3A : memref<!tpu.dma_semaphore, #tpu.memory_space<semaphore_mem>>) src(%dma_wait3A_135 : memref<512xf32, #tpu.memory_space<hbm>>) dst(%arg17 : memref<512xf32, #tpu.memory_space<vmem>>)
      tpu.yield
    }) : () -> ()
    %mul3A_108 = arith.constant 3 : i32
    %mul3A_109 = arith.muli %select_n3A, %mul3A_108 : i32
    %add3A_110 = arith.constant 2 : i32
    %add3A_111 = arith.addi %mul3A_109, %add3A_110 : i32
    %mul3A_112 = arith.constant 1024 : i32
    %mul3A_113 = arith.muli %add3A_111, %mul3A_112 : i32
    %mul3A_114 = arith.constant 512 : i32
    %mul3A_115 = arith.muli %select_n3A_30, %mul3A_114 : i32
    %add3A_116 = arith.addi %mul3A_113, %mul3A_115 : i32
    "tpu.region"() ({
      %run_scoped3A = tpu.sem_alloc : memref<!tpu.dma_semaphore, #tpu.memory_space<semaphore_mem>>
      %dma_start3A_133 = tpu.memref_slice %arg4[%add3A_116] : memref<49152xf32, #tpu.memory_space<hbm>> -> memref<512xf32, #tpu.memory_space<hbm>>
      %dma_start3A_134 = tpu.memref_slice %arg4[%add3A_116] : memref<49152xf32, #tpu.memory_space<hbm>> -> memref<512xf32, #tpu.memory_space<hbm>>
      tpu.enqueue_dma source(%dma_start3A_134 : memref<512xf32, #tpu.memory_space<hbm>>) target(%arg18 : memref<512xf32, #tpu.memory_space<vmem>>) target_semaphore(%run_scoped3A : memref<!tpu.dma_semaphore, #tpu.memory_space<semaphore_mem>>)
      %dma_wait3A = tpu.memref_slice %arg4[%add3A_116] : memref<49152xf32, #tpu.memory_space<hbm>> -> memref<512xf32, #tpu.memory_space<hbm>>
      %dma_wait3A_135 = tpu.memref_slice %arg4[%add3A_116] : memref<49152xf32, #tpu.memory_space<hbm>> -> memref<512xf32, #tpu.memory_space<hbm>>
      tpu.wait_dma2 semaphore(%run_scoped3A : memref<!tpu.dma_semaphore, #tpu.memory_space<semaphore_mem>>) src(%dma_wait3A_135 : memref<512xf32, #tpu.memory_space<hbm>>) dst(%arg18 : memref<512xf32, #tpu.memory_space<vmem>>)
      tpu.yield
    }) : () -> ()
    %mul3A_117 = arith.constant 256 : i32
    %mul3A_118 = arith.muli %add3A_35, %mul3A_117 : i32
    %dma_start3A = arith.constant 0 : i32
    %dma_start3A_119 = arith.constant 0 : i32
    %dma_start3A_120 = tpu.memref_slice %arg21[%dma_start3A_119] : memref<4096xf32, #tpu.memory_space<vmem>> -> memref<2048xf32, #tpu.memory_space<vmem>>
    %dma_start3A_121 = tpu.memref_slice %arg5[%mul3A_118] : memref<4194304xf32, #tpu.memory_space<hbm>> -> memref<2048xf32, #tpu.memory_space<hbm>>
    %dma_start3A_122 = tpu.memref_slice %arg22[%dma_start3A] : memref<2x!tpu.dma_semaphore, #tpu.memory_space<semaphore_mem>> -> memref<1x!tpu.dma_semaphore, #tpu.memory_space<semaphore_mem>>
    %dma_start3A_123 = tpu.memref_squeeze %dma_start3A_122 : memref<1x!tpu.dma_semaphore, #tpu.memory_space<semaphore_mem>> -> memref<!tpu.dma_semaphore, #tpu.memory_space<semaphore_mem>>
    %dma_start3A_124 = arith.constant 0 : i32
    %dma_start3A_125 = tpu.memref_slice %arg21[%dma_start3A_124] : memref<4096xf32, #tpu.memory_space<vmem>> -> memref<2048xf32, #tpu.memory_space<vmem>>
    %dma_start3A_126 = tpu.memref_slice %arg5[%mul3A_118] : memref<4194304xf32, #tpu.memory_space<hbm>> -> memref<2048xf32, #tpu.memory_space<hbm>>
    tpu.enqueue_dma source(%dma_start3A_126 : memref<2048xf32, #tpu.memory_space<hbm>>) target(%dma_start3A_125 : memref<2048xf32, #tpu.memory_space<vmem>>) target_semaphore(%dma_start3A_123 : memref<!tpu.dma_semaphore, #tpu.memory_space<semaphore_mem>>)
    %scan3A = arith.constant 0 : i32
    %scan3A_127 = arith.constant 0 : i32
    %scan3A_128 = arith.constant 64 : i32
    %scan3A_129 = arith.addi %scan3A_127, %scan3A_128 : i32
    %scan3A_130 = arith.constant 1 : i32
    %scan3A_131 = scf.for %scan3A_133 = %scan3A_127 to %scan3A_129 step %scan3A_130 iter_args(%scan3A_134 = %scan3A) -> (i32)  : i32 {
      %rem3A_135 = arith.constant 2 : i32
      %rem3A_136 = arith.remsi %scan3A_133, %rem3A_135 : i32
      %add3A_137 = arith.constant 1 : i32
      %add3A_138 = arith.addi %scan3A_133, %add3A_137 : i32
      %rem3A_139 = arith.constant 2 : i32
      %rem3A_140 = arith.remsi %add3A_138, %rem3A_139 : i32
      %add3A_141 = arith.constant 1 : i32
      %add3A_142 = arith.addi %scan3A_133, %add3A_141 : i32
      %lt3A_143 = arith.constant 64 : i32
      %lt3A_144 = arith.cmpi slt, %add3A_142, %lt3A_143 : i32
      %convert_element_type3A = arith.extui %lt3A_144 : i1 to i32
      %cond3A = arith.constant 0 : i32
      %cond3A_145 = arith.cmpi ne, %convert_element_type3A, %cond3A : i32
      scf.if %cond3A_145 {
        %add3A_168 = arith.constant 1 : i32
        %add3A_169 = arith.addi %scan3A_133, %add3A_168 : i32
        %mul3A_170 = arith.constant 8 : i32
        %mul3A_171 = arith.muli %add3A_169, %mul3A_170 : i32
        %add3A_172 = arith.addi %add3A_35, %mul3A_171 : i32
        %mul3A_173 = arith.constant 256 : i32
        %mul3A_174 = arith.muli %add3A_172, %mul3A_173 : i32
        %mul3A_175 = arith.constant 8 : i32
        %mul3A_176 = arith.muli %rem3A_140, %mul3A_175 : i32
        %mul3A_177 = arith.constant 256 : i32
        %mul3A_178 = arith.muli %mul3A_176, %mul3A_177 : i32
        %dma_start3A_179 = tpu.memref_slice %arg21[%mul3A_178] : memref<4096xf32, #tpu.memory_space<vmem>> -> memref<2048xf32, #tpu.memory_space<vmem>>
        %dma_start3A_180 = tpu.memref_slice %arg5[%mul3A_174] : memref<4194304xf32, #tpu.memory_space<hbm>> -> memref<2048xf32, #tpu.memory_space<hbm>>
        %dma_start3A_181 = tpu.memref_slice %arg22[%rem3A_140] : memref<2x!tpu.dma_semaphore, #tpu.memory_space<semaphore_mem>> -> memref<1x!tpu.dma_semaphore, #tpu.memory_space<semaphore_mem>>
        %dma_start3A_182 = tpu.memref_squeeze %dma_start3A_181 : memref<1x!tpu.dma_semaphore, #tpu.memory_space<semaphore_mem>> -> memref<!tpu.dma_semaphore, #tpu.memory_space<semaphore_mem>>
        %dma_start3A_183 = tpu.memref_slice %arg21[%mul3A_178] : memref<4096xf32, #tpu.memory_space<vmem>> -> memref<2048xf32, #tpu.memory_space<vmem>>
        %dma_start3A_184 = tpu.memref_slice %arg5[%mul3A_174] : memref<4194304xf32, #tpu.memory_space<hbm>> -> memref<2048xf32, #tpu.memory_space<hbm>>
        tpu.enqueue_dma source(%dma_start3A_184 : memref<2048xf32, #tpu.memory_space<hbm>>) target(%dma_start3A_183 : memref<2048xf32, #tpu.memory_space<vmem>>) target_semaphore(%dma_start3A_182 : memref<!tpu.dma_semaphore, #tpu.memory_space<semaphore_mem>>)
      } else {
      }
      %mul3A_146 = arith.constant 8 : i32
      %mul3A_147 = arith.muli %scan3A_133, %mul3A_146 : i32
      %add3A_148 = arith.addi %add3A_35, %mul3A_147 : i32
      %mul3A_149 = arith.constant 256 : i32
      %mul3A_150 = arith.muli %add3A_148, %mul3A_149 : i32
      %mul3A_151 = arith.constant 8 : i32
      %mul3A_152 = arith.muli %rem3A_136, %mul3A_151 : i32
      %mul3A_153 = arith.constant 256 : i32
      %mul3A_154 = arith.muli %mul3A_152, %mul3A_153 : i32
      %dma_wait3A = tpu.memref_slice %arg21[%mul3A_154] : memref<4096xf32, #tpu.memory_space<vmem>> -> memref<2048xf32, #tpu.memory_space<vmem>>
      %dma_wait3A_155 = tpu.memref_slice %arg5[%mul3A_150] : memref<4194304xf32, #tpu.memory_space<hbm>> -> memref<2048xf32, #tpu.memory_space<hbm>>
      %dma_wait3A_156 = tpu.memref_slice %arg22[%rem3A_136] : memref<2x!tpu.dma_semaphore, #tpu.memory_space<semaphore_mem>> -> memref<1x!tpu.dma_semaphore, #tpu.memory_space<semaphore_mem>>
      %dma_wait3A_157 = tpu.memref_squeeze %dma_wait3A_156 : memref<1x!tpu.dma_semaphore, #tpu.memory_space<semaphore_mem>> -> memref<!tpu.dma_semaphore, #tpu.memory_space<semaphore_mem>>
      %dma_wait3A_158 = tpu.memref_slice %arg21[%mul3A_154] : memref<4096xf32, #tpu.memory_space<vmem>> -> memref<2048xf32, #tpu.memory_space<vmem>>
      %dma_wait3A_159 = tpu.memref_slice %arg5[%mul3A_150] : memref<4194304xf32, #tpu.memory_space<hbm>> -> memref<2048xf32, #tpu.memory_space<hbm>>
      tpu.wait_dma2 semaphore(%dma_wait3A_157 : memref<!tpu.dma_semaphore, #tpu.memory_space<semaphore_mem>>) src(%dma_wait3A_159 : memref<2048xf32, #tpu.memory_space<hbm>>) dst(%dma_wait3A_158 : memref<2048xf32, #tpu.memory_space<vmem>>)
      %scan3A_160 = arith.constant 0 : i32
      %scan3A_161 = arith.constant 0 : i32
      %scan3A_162 = arith.constant 8 : i32
      %scan3A_163 = arith.addi %scan3A_161, %scan3A_162 : i32
      %scan3A_164 = arith.constant 1 : i32
      %scan3A_165 = scf.for %scan3A_168 = %scan3A_161 to %scan3A_163 step %scan3A_164 iter_args(%scan3A_169 = %scan3A_160) -> (i32)  : i32 {
        %mul3A_170 = arith.constant 8 : i32
        %mul3A_171 = arith.muli %scan3A_133, %mul3A_170 : i32
        %add3A_172 = arith.addi %mul3A_171, %scan3A_168 : i32
        %mul3A_173 = arith.constant 8 : i32
        %mul3A_174 = arith.muli %rem3A_136, %mul3A_173 : i32
        %mul3A_175 = arith.constant 256 : i32
        %mul3A_176 = arith.muli %mul3A_174, %mul3A_175 : i32
        %mul3A_177 = arith.constant 256 : i32
        %mul3A_178 = arith.muli %scan3A_168, %mul3A_177 : i32
        %add3A_179 = arith.addi %mul3A_176, %mul3A_178 : i32
        %broadcast_in_dim3A = arith.constant 0 : i32
        %broadcast_in_dim3A_180 = vector.broadcast %broadcast_in_dim3A : i32 to vector<16xi32>
        %while3A = arith.constant 0 : i32
        %while3A_181:2 = scf.while (%while3A_312 = %broadcast_in_dim3A_180, %while3A_313 = %while3A) : (vector<16xi32>, i32) -> (vector<16xi32>, i32) {
          %reduce_max3A_314 = arith.constant true
          %reduce_max3A_315 = vector.broadcast %reduce_max3A_314 : i1 to vector<16xi1>
          %reduce_max3A_316 = arith.constant -2147483648 : i32
          %reduce_max3A_317 = vector.broadcast %reduce_max3A_316 : i32 to vector<16xi32>
          %reduce_max3A_318 = arith.xori %while3A_312, %reduce_max3A_317 : vector<16xi32>
          %reduce_max3A_319 = tpu.scan <max>, %reduce_max3A_318 masked %reduce_max3A_315 : vector<16xi32>, vector<16xi1> -> vector<16xi32>
          %reduce_max3A_320 = arith.xori %reduce_max3A_319, %reduce_max3A_317 : vector<16xi32>
          %reduce_max3A_321 = vector.extract %reduce_max3A_320[15] : i32 from vector<16xi32>
          %lt3A_322 = arith.constant 32 : i32
          %lt3A_323 = arith.cmpi slt, %reduce_max3A_321, %lt3A_322 : i32
          %lt3A_324 = arith.constant 32 : i32
          %lt3A_325 = arith.cmpi slt, %while3A_313, %lt3A_324 : i32
          %and3A_326 = arith.andi %lt3A_323, %lt3A_325 : i1
          scf.condition(%and3A_326) %while3A_312, %while3A_313 : vector<16xi32>, i32
        } do {
        ^bb0(%while3A_312: vector<16xi32>, %while3A_313: i32):
          %mul3A_314 = arith.constant 8 : i32
          %mul3A_315 = arith.muli %while3A_313, %mul3A_314 : i32
          %add3A_316 = arith.addi %add3A_179, %mul3A_315 : i32
          %add3A_317 = arith.constant 0 : i32
          %add3A_318 = arith.addi %add3A_316, %add3A_317 : i32
          %broadcast_in_dim3A_319 = vector.broadcast %add3A_318 : i32 to vector<16xi32>
          %gather3A_320 = tpu.vector_load_idx %arg21[%broadcast_in_dim3A_319] : memref<4096xf32, #tpu.memory_space<vmem>>[vector<16xi32>], vector<16xf32>,
          %convert_element_type3A_321 = arith.fptosi %gather3A_320 : vector<16xf32> to vector<16xi32>
          %shift_right_arithmetic3A = arith.shrsi %convert_element_type3A_321, %iota3A : vector<16xi32>
          %and3A_322 = arith.constant 1 : i32
          %and3A_323 = vector.broadcast %and3A_322 : i32 to vector<16xi32>
          %and3A_324 = arith.andi %shift_right_arithmetic3A, %and3A_323 : vector<16xi32>
          %eq3A_325 = arith.constant 1 : i32
          %eq3A_326 = vector.broadcast %eq3A_325 : i32 to vector<16xi32>
          %eq3A_327 = arith.cmpi eq, %and3A_324, %eq3A_326 : vector<16xi32>
          %all_reduce_population_count3A = tpu.all_reduce %eq3A_327 {dim = 0 : i64, kind = #tpu.reduction_kind<sum>} : vector<16xi1> -> vector<16xi32>
          %mul3A_328 = arith.constant 8 : i32
          %mul3A_329 = arith.muli %while3A_313, %mul3A_328 : i32
          %add3A_330 = arith.addi %add3A_179, %mul3A_329 : i32
          %add3A_331 = arith.constant 1 : i32
          %add3A_332 = arith.addi %add3A_330, %add3A_331 : i32
          %broadcast_in_dim3A_333 = vector.broadcast %add3A_332 : i32 to vector<16xi32>
          %gather3A_334 = tpu.vector_load_idx %arg21[%broadcast_in_dim3A_333] : memref<4096xf32, #tpu.memory_space<vmem>>[vector<16xi32>], vector<16xf32>,
          %convert_element_type3A_335 = arith.fptosi %gather3A_334 : vector<16xf32> to vector<16xi32>
          %shift_right_arithmetic3A_336 = arith.shrsi %convert_element_type3A_335, %iota3A : vector<16xi32>
          %and3A_337 = arith.constant 1 : i32
          %and3A_338 = vector.broadcast %and3A_337 : i32 to vector<16xi32>
          %and3A_339 = arith.andi %shift_right_arithmetic3A_336, %and3A_338 : vector<16xi32>
          %eq3A_340 = arith.constant 1 : i32
          %eq3A_341 = vector.broadcast %eq3A_340 : i32 to vector<16xi32>
          %eq3A_342 = arith.cmpi eq, %and3A_339, %eq3A_341 : vector<16xi32>
          %all_reduce_population_count3A_343 = tpu.all_reduce %eq3A_342 {dim = 0 : i64, kind = #tpu.reduction_kind<sum>} : vector<16xi1> -> vector<16xi32>
          %mul3A_344 = arith.constant 8 : i32
          %mul3A_345 = arith.muli %while3A_313, %mul3A_344 : i32
          %add3A_346 = arith.addi %add3A_179, %mul3A_345 : i32
          %add3A_347 = arith.constant 2 : i32
          %add3A_348 = arith.addi %add3A_346, %add3A_347 : i32
          %broadcast_in_dim3A_349 = vector.broadcast %add3A_348 : i32 to vector<16xi32>
          %gather3A_350 = tpu.vector_load_idx %arg21[%broadcast_in_dim3A_349] : memref<4096xf32, #tpu.memory_space<vmem>>[vector<16xi32>], vector<16xf32>,
          %convert_element_type3A_351 = arith.fptosi %gather3A_350 : vector<16xf32> to vector<16xi32>
          %shift_right_arithmetic3A_352 = arith.shrsi %convert_element_type3A_351, %iota3A : vector<16xi32>
          %and3A_353 = arith.constant 1 : i32
          %and3A_354 = vector.broadcast %and3A_353 : i32 to vector<16xi32>
          %and3A_355 = arith.andi %shift_right_arithmetic3A_352, %and3A_354 : vector<16xi32>
          %eq3A_356 = arith.constant 1 : i32
          %eq3A_357 = vector.broadcast %eq3A_356 : i32 to vector<16xi32>
          %eq3A_358 = arith.cmpi eq, %and3A_355, %eq3A_357 : vector<16xi32>
          %all_reduce_population_count3A_359 = tpu.all_reduce %eq3A_358 {dim = 0 : i64, kind = #tpu.reduction_kind<sum>} : vector<16xi1> -> vector<16xi32>
          %mul3A_360 = arith.constant 8 : i32
          %mul3A_361 = arith.muli %while3A_313, %mul3A_360 : i32
          %add3A_362 = arith.addi %add3A_179, %mul3A_361 : i32
          %add3A_363 = arith.constant 3 : i32
          %add3A_364 = arith.addi %add3A_362, %add3A_363 : i32
          %broadcast_in_dim3A_365 = vector.broadcast %add3A_364 : i32 to vector<16xi32>
          %gather3A_366 = tpu.vector_load_idx %arg21[%broadcast_in_dim3A_365] : memref<4096xf32, #tpu.memory_space<vmem>>[vector<16xi32>], vector<16xf32>,
          %convert_element_type3A_367 = arith.fptosi %gather3A_366 : vector<16xf32> to vector<16xi32>
          %shift_right_arithmetic3A_368 = arith.shrsi %convert_element_type3A_367, %iota3A : vector<16xi32>
          %and3A_369 = arith.constant 1 : i32
          %and3A_370 = vector.broadcast %and3A_369 : i32 to vector<16xi32>
          %and3A_371 = arith.andi %shift_right_arithmetic3A_368, %and3A_370 : vector<16xi32>
          %eq3A_372 = arith.constant 1 : i32
          %eq3A_373 = vector.broadcast %eq3A_372 : i32 to vector<16xi32>
          %eq3A_374 = arith.cmpi eq, %and3A_371, %eq3A_373 : vector<16xi32>
          %all_reduce_population_count3A_375 = tpu.all_reduce %eq3A_374 {dim = 0 : i64, kind = #tpu.reduction_kind<sum>} : vector<16xi1> -> vector<16xi32>
          %mul3A_376 = arith.constant 8 : i32
          %mul3A_377 = arith.muli %while3A_313, %mul3A_376 : i32
          %add3A_378 = arith.addi %add3A_179, %mul3A_377 : i32
          %add3A_379 = arith.constant 4 : i32
          %add3A_380 = arith.addi %add3A_378, %add3A_379 : i32
          %broadcast_in_dim3A_381 = vector.broadcast %add3A_380 : i32 to vector<16xi32>
          %gather3A_382 = tpu.vector_load_idx %arg21[%broadcast_in_dim3A_381] : memref<4096xf32, #tpu.memory_space<vmem>>[vector<16xi32>], vector<16xf32>,
          %convert_element_type3A_383 = arith.fptosi %gather3A_382 : vector<16xf32> to vector<16xi32>
          %shift_right_arithmetic3A_384 = arith.shrsi %convert_element_type3A_383, %iota3A : vector<16xi32>
          %and3A_385 = arith.constant 1 : i32
          %and3A_386 = vector.broadcast %and3A_385 : i32 to vector<16xi32>
          %and3A_387 = arith.andi %shift_right_arithmetic3A_384, %and3A_386 : vector<16xi32>
          %eq3A_388 = arith.constant 1 : i32
          %eq3A_389 = vector.broadcast %eq3A_388 : i32 to vector<16xi32>
          %eq3A_390 = arith.cmpi eq, %and3A_387, %eq3A_389 : vector<16xi32>
          %all_reduce_population_count3A_391 = tpu.all_reduce %eq3A_390 {dim = 0 : i64, kind = #tpu.reduction_kind<sum>} : vector<16xi1> -> vector<16xi32>
          %mul3A_392 = arith.constant 8 : i32
          %mul3A_393 = arith.muli %while3A_313, %mul3A_392 : i32
          %add3A_394 = arith.addi %add3A_179, %mul3A_393 : i32
          %add3A_395 = arith.constant 5 : i32
          %add3A_396 = arith.addi %add3A_394, %add3A_395 : i32
          %broadcast_in_dim3A_397 = vector.broadcast %add3A_396 : i32 to vector<16xi32>
          %gather3A_398 = tpu.vector_load_idx %arg21[%broadcast_in_dim3A_397] : memref<4096xf32, #tpu.memory_space<vmem>>[vector<16xi32>], vector<16xf32>,
          %convert_element_type3A_399 = arith.fptosi %gather3A_398 : vector<16xf32> to vector<16xi32>
          %shift_right_arithmetic3A_400 = arith.shrsi %convert_element_type3A_399, %iota3A : vector<16xi32>
          %and3A_401 = arith.constant 1 : i32
          %and3A_402 = vector.broadcast %and3A_401 : i32 to vector<16xi32>
          %and3A_403 = arith.andi %shift_right_arithmetic3A_400, %and3A_402 : vector<16xi32>
          %eq3A_404 = arith.constant 1 : i32
          %eq3A_405 = vector.broadcast %eq3A_404 : i32 to vector<16xi32>
          %eq3A_406 = arith.cmpi eq, %and3A_403, %eq3A_405 : vector<16xi32>
          %all_reduce_population_count3A_407 = tpu.all_reduce %eq3A_406 {dim = 0 : i64, kind = #tpu.reduction_kind<sum>} : vector<16xi1> -> vector<16xi32>
          %mul3A_408 = arith.constant 8 : i32
          %mul3A_409 = arith.muli %while3A_313, %mul3A_408 : i32
          %add3A_410 = arith.addi %add3A_179, %mul3A_409 : i32
          %add3A_411 = arith.constant 6 : i32
          %add3A_412 = arith.addi %add3A_410, %add3A_411 : i32
          %broadcast_in_dim3A_413 = vector.broadcast %add3A_412 : i32 to vector<16xi32>
          %gather3A_414 = tpu.vector_load_idx %arg21[%broadcast_in_dim3A_413] : memref<4096xf32, #tpu.memory_space<vmem>>[vector<16xi32>], vector<16xf32>,
          %convert_element_type3A_415 = arith.fptosi %gather3A_414 : vector<16xf32> to vector<16xi32>
          %shift_right_arithmetic3A_416 = arith.shrsi %convert_element_type3A_415, %iota3A : vector<16xi32>
          %and3A_417 = arith.constant 1 : i32
          %and3A_418 = vector.broadcast %and3A_417 : i32 to vector<16xi32>
          %and3A_419 = arith.andi %shift_right_arithmetic3A_416, %and3A_418 : vector<16xi32>
          %eq3A_420 = arith.constant 1 : i32
          %eq3A_421 = vector.broadcast %eq3A_420 : i32 to vector<16xi32>
          %eq3A_422 = arith.cmpi eq, %and3A_419, %eq3A_421 : vector<16xi32>
          %all_reduce_population_count3A_423 = tpu.all_reduce %eq3A_422 {dim = 0 : i64, kind = #tpu.reduction_kind<sum>} : vector<16xi1> -> vector<16xi32>
          %mul3A_424 = arith.constant 8 : i32
          %mul3A_425 = arith.muli %while3A_313, %mul3A_424 : i32
          %add3A_426 = arith.addi %add3A_179, %mul3A_425 : i32
          %add3A_427 = arith.constant 7 : i32
          %add3A_428 = arith.addi %add3A_426, %add3A_427 : i32
          %broadcast_in_dim3A_429 = vector.broadcast %add3A_428 : i32 to vector<16xi32>
          %gather3A_430 = tpu.vector_load_idx %arg21[%broadcast_in_dim3A_429] : memref<4096xf32, #tpu.memory_space<vmem>>[vector<16xi32>], vector<16xf32>,
          %convert_element_type3A_431 = arith.fptosi %gather3A_430 : vector<16xf32> to vector<16xi32>
          %shift_right_arithmetic3A_432 = arith.shrsi %convert_element_type3A_431, %iota3A : vector<16xi32>
          %and3A_433 = arith.constant 1 : i32
          %and3A_434 = vector.broadcast %and3A_433 : i32 to vector<16xi32>
          %and3A_435 = arith.andi %shift_right_arithmetic3A_432, %and3A_434 : vector<16xi32>
          %eq3A_436 = arith.constant 1 : i32
          %eq3A_437 = vector.broadcast %eq3A_436 : i32 to vector<16xi32>
          %eq3A_438 = arith.cmpi eq, %and3A_435, %eq3A_437 : vector<16xi32>
          %all_reduce_population_count3A_439 = tpu.all_reduce %eq3A_438 {dim = 0 : i64, kind = #tpu.reduction_kind<sum>} : vector<16xi1> -> vector<16xi32>
          %convert_element_type3A_440 = arith.extui %eq3A_327 : vector<16xi1> to vector<16xi32>
          %broadcast_in_dim3A_441 = arith.constant true
          %broadcast_in_dim3A_442 = vector.broadcast %broadcast_in_dim3A_441 : i1 to vector<16xi1>
          %masked_cumsum3A = tpu.scan <sum>, %convert_element_type3A_440 masked %broadcast_in_dim3A_442 : vector<16xi32>, vector<16xi1> -> vector<16xi32>
          %sub3A_443 = arith.constant 1 : i32
          %sub3A_444 = vector.broadcast %sub3A_443 : i32 to vector<16xi32>
          %sub3A_445 = arith.subi %masked_cumsum3A, %sub3A_444 : vector<16xi32>
          %add3A_446 = arith.addi %while3A_312, %sub3A_445 : vector<16xi32>
          %mul3A_447 = arith.constant 8 : i32
          %mul3A_448 = arith.muli %while3A_313, %mul3A_447 : i32
          %add3A_449 = arith.constant 0 : i32
          %add3A_450 = arith.addi %mul3A_448, %add3A_449 : i32
          %mul3A_451 = arith.constant 16 : i32
          %mul3A_452 = arith.muli %add3A_450, %mul3A_451 : i32
          %add3A_453 = vector.broadcast %mul3A_452 : i32 to vector<16xi32>
          %add3A_454 = arith.addi %iota3A, %add3A_453 : vector<16xi32>
          tpu.vector_store_idx %arg20[%add3A_446], %add3A_454 masked %eq3A_327 : memref<192xi32, #tpu.memory_space<vmem>>[vector<16xi32>], vector<16xi32>, vector<16xi1>
          %add3A_455 = arith.addi %while3A_312, %all_reduce_population_count3A : vector<16xi32>
          %convert_element_type3A_456 = arith.extui %eq3A_342 : vector<16xi1> to vector<16xi32>
          %broadcast_in_dim3A_457 = arith.constant true
          %broadcast_in_dim3A_458 = vector.broadcast %broadcast_in_dim3A_457 : i1 to vector<16xi1>
          %masked_cumsum3A_459 = tpu.scan <sum>, %convert_element_type3A_456 masked %broadcast_in_dim3A_458 : vector<16xi32>, vector<16xi1> -> vector<16xi32>
          %sub3A_460 = arith.constant 1 : i32
          %sub3A_461 = vector.broadcast %sub3A_460 : i32 to vector<16xi32>
          %sub3A_462 = arith.subi %masked_cumsum3A_459, %sub3A_461 : vector<16xi32>
          %add3A_463 = arith.addi %add3A_455, %sub3A_462 : vector<16xi32>
          %mul3A_464 = arith.constant 8 : i32
          %mul3A_465 = arith.muli %while3A_313, %mul3A_464 : i32
          %add3A_466 = arith.constant 1 : i32
          %add3A_467 = arith.addi %mul3A_465, %add3A_466 : i32
          %mul3A_468 = arith.constant 16 : i32
          %mul3A_469 = arith.muli %add3A_467, %mul3A_468 : i32
          %add3A_470 = vector.broadcast %mul3A_469 : i32 to vector<16xi32>
          %add3A_471 = arith.addi %iota3A, %add3A_470 : vector<16xi32>
          tpu.vector_store_idx %arg20[%add3A_463], %add3A_471 masked %eq3A_342 : memref<192xi32, #tpu.memory_space<vmem>>[vector<16xi32>], vector<16xi32>, vector<16xi1>
          %add3A_472 = arith.addi %add3A_455, %all_reduce_population_count3A_343 : vector<16xi32>
          %convert_element_type3A_473 = arith.extui %eq3A_358 : vector<16xi1> to vector<16xi32>
          %broadcast_in_dim3A_474 = arith.constant true
          %broadcast_in_dim3A_475 = vector.broadcast %broadcast_in_dim3A_474 : i1 to vector<16xi1>
          %masked_cumsum3A_476 = tpu.scan <sum>, %convert_element_type3A_473 masked %broadcast_in_dim3A_475 : vector<16xi32>, vector<16xi1> -> vector<16xi32>
          %sub3A_477 = arith.constant 1 : i32
          %sub3A_478 = vector.broadcast %sub3A_477 : i32 to vector<16xi32>
          %sub3A_479 = arith.subi %masked_cumsum3A_476, %sub3A_478 : vector<16xi32>
          %add3A_480 = arith.addi %add3A_472, %sub3A_479 : vector<16xi32>
          %mul3A_481 = arith.constant 8 : i32
          %mul3A_482 = arith.muli %while3A_313, %mul3A_481 : i32
          %add3A_483 = arith.constant 2 : i32
          %add3A_484 = arith.addi %mul3A_482, %add3A_483 : i32
          %mul3A_485 = arith.constant 16 : i32
          %mul3A_486 = arith.muli %add3A_484, %mul3A_485 : i32
          %add3A_487 = vector.broadcast %mul3A_486 : i32 to vector<16xi32>
          %add3A_488 = arith.addi %iota3A, %add3A_487 : vector<16xi32>
          tpu.vector_store_idx %arg20[%add3A_480], %add3A_488 masked %eq3A_358 : memref<192xi32, #tpu.memory_space<vmem>>[vector<16xi32>], vector<16xi32>, vector<16xi1>
          %add3A_489 = arith.addi %add3A_472, %all_reduce_population_count3A_359 : vector<16xi32>
          %convert_element_type3A_490 = arith.extui %eq3A_374 : vector<16xi1> to vector<16xi32>
          %broadcast_in_dim3A_491 = arith.constant true
          %broadcast_in_dim3A_492 = vector.broadcast %broadcast_in_dim3A_491 : i1 to vector<16xi1>
          %masked_cumsum3A_493 = tpu.scan <sum>, %convert_element_type3A_490 masked %broadcast_in_dim3A_492 : vector<16xi32>, vector<16xi1> -> vector<16xi32>
          %sub3A_494 = arith.constant 1 : i32
          %sub3A_495 = vector.broadcast %sub3A_494 : i32 to vector<16xi32>
          %sub3A_496 = arith.subi %masked_cumsum3A_493, %sub3A_495 : vector<16xi32>
          %add3A_497 = arith.addi %add3A_489, %sub3A_496 : vector<16xi32>
          %mul3A_498 = arith.constant 8 : i32
          %mul3A_499 = arith.muli %while3A_313, %mul3A_498 : i32
          %add3A_500 = arith.constant 3 : i32
          %add3A_501 = arith.addi %mul3A_499, %add3A_500 : i32
          %mul3A_502 = arith.constant 16 : i32
          %mul3A_503 = arith.muli %add3A_501, %mul3A_502 : i32
          %add3A_504 = vector.broadcast %mul3A_503 : i32 to vector<16xi32>
          %add3A_505 = arith.addi %iota3A, %add3A_504 : vector<16xi32>
          tpu.vector_store_idx %arg20[%add3A_497], %add3A_505 masked %eq3A_374 : memref<192xi32, #tpu.memory_space<vmem>>[vector<16xi32>], vector<16xi32>, vector<16xi1>
          %add3A_506 = arith.addi %add3A_489, %all_reduce_population_count3A_375 : vector<16xi32>
          %convert_element_type3A_507 = arith.extui %eq3A_390 : vector<16xi1> to vector<16xi32>
          %broadcast_in_dim3A_508 = arith.constant true
          %broadcast_in_dim3A_509 = vector.broadcast %broadcast_in_dim3A_508 : i1 to vector<16xi1>
          %masked_cumsum3A_510 = tpu.scan <sum>, %convert_element_type3A_507 masked %broadcast_in_dim3A_509 : vector<16xi32>, vector<16xi1> -> vector<16xi32>
          %sub3A_511 = arith.constant 1 : i32
          %sub3A_512 = vector.broadcast %sub3A_511 : i32 to vector<16xi32>
          %sub3A_513 = arith.subi %masked_cumsum3A_510, %sub3A_512 : vector<16xi32>
          %add3A_514 = arith.addi %add3A_506, %sub3A_513 : vector<16xi32>
          %mul3A_515 = arith.constant 8 : i32
          %mul3A_516 = arith.muli %while3A_313, %mul3A_515 : i32
          %add3A_517 = arith.constant 4 : i32
          %add3A_518 = arith.addi %mul3A_516, %add3A_517 : i32
          %mul3A_519 = arith.constant 16 : i32
          %mul3A_520 = arith.muli %add3A_518, %mul3A_519 : i32
          %add3A_521 = vector.broadcast %mul3A_520 : i32 to vector<16xi32>
          %add3A_522 = arith.addi %iota3A, %add3A_521 : vector<16xi32>
          tpu.vector_store_idx %arg20[%add3A_514], %add3A_522 masked %eq3A_390 : memref<192xi32, #tpu.memory_space<vmem>>[vector<16xi32>], vector<16xi32>, vector<16xi1>
          %add3A_523 = arith.addi %add3A_506, %all_reduce_population_count3A_391 : vector<16xi32>
          %convert_element_type3A_524 = arith.extui %eq3A_406 : vector<16xi1> to vector<16xi32>
          %broadcast_in_dim3A_525 = arith.constant true
          %broadcast_in_dim3A_526 = vector.broadcast %broadcast_in_dim3A_525 : i1 to vector<16xi1>
          %masked_cumsum3A_527 = tpu.scan <sum>, %convert_element_type3A_524 masked %broadcast_in_dim3A_526 : vector<16xi32>, vector<16xi1> -> vector<16xi32>
          %sub3A_528 = arith.constant 1 : i32
          %sub3A_529 = vector.broadcast %sub3A_528 : i32 to vector<16xi32>
          %sub3A_530 = arith.subi %masked_cumsum3A_527, %sub3A_529 : vector<16xi32>
          %add3A_531 = arith.addi %add3A_523, %sub3A_530 : vector<16xi32>
          %mul3A_532 = arith.constant 8 : i32
          %mul3A_533 = arith.muli %while3A_313, %mul3A_532 : i32
          %add3A_534 = arith.constant 5 : i32
          %add3A_535 = arith.addi %mul3A_533, %add3A_534 : i32
          %mul3A_536 = arith.constant 16 : i32
          %mul3A_537 = arith.muli %add3A_535, %mul3A_536 : i32
          %add3A_538 = vector.broadcast %mul3A_537 : i32 to vector<16xi32>
          %add3A_539 = arith.addi %iota3A, %add3A_538 : vector<16xi32>
          tpu.vector_store_idx %arg20[%add3A_531], %add3A_539 masked %eq3A_406 : memref<192xi32, #tpu.memory_space<vmem>>[vector<16xi32>], vector<16xi32>, vector<16xi1>
          %add3A_540 = arith.addi %add3A_523, %all_reduce_population_count3A_407 : vector<16xi32>
          %convert_element_type3A_541 = arith.extui %eq3A_422 : vector<16xi1> to vector<16xi32>
          %broadcast_in_dim3A_542 = arith.constant true
          %broadcast_in_dim3A_543 = vector.broadcast %broadcast_in_dim3A_542 : i1 to vector<16xi1>
          %masked_cumsum3A_544 = tpu.scan <sum>, %convert_element_type3A_541 masked %broadcast_in_dim3A_543 : vector<16xi32>, vector<16xi1> -> vector<16xi32>
          %sub3A_545 = arith.constant 1 : i32
          %sub3A_546 = vector.broadcast %sub3A_545 : i32 to vector<16xi32>
          %sub3A_547 = arith.subi %masked_cumsum3A_544, %sub3A_546 : vector<16xi32>
          %add3A_548 = arith.addi %add3A_540, %sub3A_547 : vector<16xi32>
          %mul3A_549 = arith.constant 8 : i32
          %mul3A_550 = arith.muli %while3A_313, %mul3A_549 : i32
          %add3A_551 = arith.constant 6 : i32
          %add3A_552 = arith.addi %mul3A_550, %add3A_551 : i32
          %mul3A_553 = arith.constant 16 : i32
          %mul3A_554 = arith.muli %add3A_552, %mul3A_553 : i32
          %add3A_555 = vector.broadcast %mul3A_554 : i32 to vector<16xi32>
          %add3A_556 = arith.addi %iota3A, %add3A_555 : vector<16xi32>
          tpu.vector_store_idx %arg20[%add3A_548], %add3A_556 masked %eq3A_422 : memref<192xi32, #tpu.memory_space<vmem>>[vector<16xi32>], vector<16xi32>, vector<16xi1>
          %add3A_557 = arith.addi %add3A_540, %all_reduce_population_count3A_423 : vector<16xi32>
          %convert_element_type3A_558 = arith.extui %eq3A_438 : vector<16xi1> to vector<16xi32>
          %broadcast_in_dim3A_559 = arith.constant true
          %broadcast_in_dim3A_560 = vector.broadcast %broadcast_in_dim3A_559 : i1 to vector<16xi1>
          %masked_cumsum3A_561 = tpu.scan <sum>, %convert_element_type3A_558 masked %broadcast_in_dim3A_560 : vector<16xi32>, vector<16xi1> -> vector<16xi32>
          %sub3A_562 = arith.constant 1 : i32
          %sub3A_563 = vector.broadcast %sub3A_562 : i32 to vector<16xi32>
          %sub3A_564 = arith.subi %masked_cumsum3A_561, %sub3A_563 : vector<16xi32>
          %add3A_565 = arith.addi %add3A_557, %sub3A_564 : vector<16xi32>
          %mul3A_566 = arith.constant 8 : i32
          %mul3A_567 = arith.muli %while3A_313, %mul3A_566 : i32
          %add3A_568 = arith.constant 7 : i32
          %add3A_569 = arith.addi %mul3A_567, %add3A_568 : i32
          %mul3A_570 = arith.constant 16 : i32
          %mul3A_571 = arith.muli %add3A_569, %mul3A_570 : i32
          %add3A_572 = vector.broadcast %mul3A_571 : i32 to vector<16xi32>
          %add3A_573 = arith.addi %iota3A, %add3A_572 : vector<16xi32>
          tpu.vector_store_idx %arg20[%add3A_565], %add3A_573 masked %eq3A_438 : memref<192xi32, #tpu.memory_space<vmem>>[vector<16xi32>], vector<16xi32>, vector<16xi1>
          %add3A_574 = arith.addi %add3A_557, %all_reduce_population_count3A_439 : vector<16xi32>
          %add3A_575 = arith.constant 1 : i32
          %add3A_576 = arith.addi %while3A_313, %add3A_575 : i32
          scf.yield %add3A_574, %add3A_576 : vector<16xi32>, i32
        }
        %reduce_max3A = arith.constant true
        %reduce_max3A_182 = vector.broadcast %reduce_max3A : i1 to vector<16xi1>
        %reduce_max3A_183 = arith.constant -2147483648 : i32
        %reduce_max3A_184 = vector.broadcast %reduce_max3A_183 : i32 to vector<16xi32>
        %reduce_max3A_185 = arith.xori %while3A_181#0, %reduce_max3A_184 : vector<16xi32>
        %reduce_max3A_186 = tpu.scan <max>, %reduce_max3A_185 masked %reduce_max3A_182 : vector<16xi32>, vector<16xi1> -> vector<16xi32>
        %reduce_max3A_187 = arith.xori %reduce_max3A_186, %reduce_max3A_184 : vector<16xi32>
        %reduce_max3A_188 = vector.extract %reduce_max3A_187[15] : i32 from vector<16xi32>
        %get3A = arith.constant 0 : index
        %get3A_189 = tpu.vector_load %arg20[%get3A] {strides = array<i32>} : memref<192xi32, #tpu.memory_space<vmem>>, vector<16xi32>,
        %get3A_190 = arith.constant 16 : index
        %get3A_191 = tpu.vector_load %arg20[%get3A_190] {strides = array<i32>} : memref<192xi32, #tpu.memory_space<vmem>>, vector<16xi32>,
        %slice3A = vector.extract_strided_slice %get3A_189 {offsets = [0], sizes = [1], strides = [1]} : vector<16xi32> to vector<1xi32>
        %squeeze3A = vector.extract %slice3A[0] : i32 from vector<1xi32>
        %broadcast_in_dim3A_192 = vector.broadcast %squeeze3A : i32 to vector<16xi32>
        %lt3A_193 = vector.broadcast %reduce_max3A_188 : i32 to vector<16xi32>
        %lt3A_194 = arith.cmpi slt, %iota3A, %lt3A_193 : vector<16xi32>
        %select_n3A_195 = arith.select %lt3A_194, %get3A_189, %broadcast_in_dim3A_192 : vector<16xi1>, vector<16xi32>
        %add3A_196 = arith.constant 16 : i32
        %add3A_197 = vector.broadcast %add3A_196 : i32 to vector<16xi32>
        %add3A_198 = arith.addi %iota3A, %add3A_197 : vector<16xi32>
        %lt3A_199 = vector.broadcast %reduce_max3A_188 : i32 to vector<16xi32>
        %lt3A_200 = arith.cmpi slt, %add3A_198, %lt3A_199 : vector<16xi32>
        %select_n3A_201 = arith.select %lt3A_200, %get3A_191, %broadcast_in_dim3A_192 : vector<16xi1>, vector<16xi32>
        %broadcast_in_dim3A_202 = vector.broadcast %add3A_172 : i32 to vector<16xi32>
        %gather3A = tpu.vector_load_idx %arg16[%broadcast_in_dim3A_202] : memref<512xf32, #tpu.memory_space<vmem>>[vector<16xi32>], vector<16xf32>,
        %gather3A_203 = tpu.vector_load_idx %arg17[%broadcast_in_dim3A_202] : memref<512xf32, #tpu.memory_space<vmem>>[vector<16xi32>], vector<16xf32>,
        %gather3A_204 = tpu.vector_load_idx %arg18[%broadcast_in_dim3A_202] : memref<512xf32, #tpu.memory_space<vmem>>[vector<16xi32>], vector<16xf32>,
        %rem3A_205 = arith.constant 128 : i32
        %rem3A_206 = arith.remsi %add3A_172, %rem3A_205 : i32
        %mul3A_207 = arith.constant 32 : i32
        %mul3A_208 = arith.muli %rem3A_206, %mul3A_207 : i32
        %add3A_209 = arith.constant 0 : i32
        %add3A_210 = arith.addi %mul3A_208, %add3A_209 : i32
        %gather3A_211 = tpu.vector_load_idx %arg7[%select_n3A_195] : memref<4096xf32, #tpu.memory_space<vmem>>[vector<16xi32>], vector<16xf32>,
        %sub3A_212 = arith.subf %gather3A_211, %gather3A : vector<16xf32>
        %swap3A = arith.index_cast %add3A_210 : i32 to index
        %swap3A_213 = tpu.vector_load %arg19[%swap3A] {strides = array<i32>} : memref<36864xf32, #tpu.memory_space<vmem>>, vector<16xf32>,
        tpu.vector_store %arg19[%swap3A], %sub3A_212 {strides = array<i32>} : memref<36864xf32, #tpu.memory_space<vmem>>, vector<16xf32>,
        %gather3A_214 = tpu.vector_load_idx %arg8[%select_n3A_195] : memref<4096xf32, #tpu.memory_space<vmem>>[vector<16xi32>], vector<16xf32>,
        %sub3A_215 = arith.subf %gather3A_214, %gather3A_203 : vector<16xf32>
        %add3A_216 = arith.constant 4096 : i32
        %add3A_217 = arith.addi %add3A_216, %add3A_210 : i32
        %swap3A_218 = arith.index_cast %add3A_217 : i32 to index
        %swap3A_219 = tpu.vector_load %arg19[%swap3A_218] {strides = array<i32>} : memref<36864xf32, #tpu.memory_space<vmem>>, vector<16xf32>,
        tpu.vector_store %arg19[%swap3A_218], %sub3A_215 {strides = array<i32>} : memref<36864xf32, #tpu.memory_space<vmem>>, vector<16xf32>,
        %gather3A_220 = tpu.vector_load_idx %arg9[%select_n3A_195] : memref<4096xf32, #tpu.memory_space<vmem>>[vector<16xi32>], vector<16xf32>,
        %sub3A_221 = arith.subf %gather3A_220, %gather3A_204 : vector<16xf32>
        %add3A_222 = arith.constant 8192 : i32
        %add3A_223 = arith.addi %add3A_222, %add3A_210 : i32
        %swap3A_224 = arith.index_cast %add3A_223 : i32 to index
        %swap3A_225 = tpu.vector_load %arg19[%swap3A_224] {strides = array<i32>} : memref<36864xf32, #tpu.memory_space<vmem>>, vector<16xf32>,
        tpu.vector_store %arg19[%swap3A_224], %sub3A_221 {strides = array<i32>} : memref<36864xf32, #tpu.memory_space<vmem>>, vector<16xf32>,
        %gather3A_226 = tpu.vector_load_idx %arg10[%select_n3A_195] : memref<4096xf32, #tpu.memory_space<vmem>>[vector<16xi32>], vector<16xf32>,
        %add3A_227 = arith.constant 12288 : i32
        %add3A_228 = arith.addi %add3A_227, %add3A_210 : i32
        %swap3A_229 = arith.index_cast %add3A_228 : i32 to index
        %swap3A_230 = tpu.vector_load %arg19[%swap3A_229] {strides = array<i32>} : memref<36864xf32, #tpu.memory_space<vmem>>, vector<16xf32>,
        tpu.vector_store %arg19[%swap3A_229], %gather3A_226 {strides = array<i32>} : memref<36864xf32, #tpu.memory_space<vmem>>, vector<16xf32>,
        %gather3A_231 = tpu.vector_load_idx %arg11[%select_n3A_195] : memref<4096xf32, #tpu.memory_space<vmem>>[vector<16xi32>], vector<16xf32>,
        %add3A_232 = arith.constant 16384 : i32
        %add3A_233 = arith.addi %add3A_232, %add3A_210 : i32
        %swap3A_234 = arith.index_cast %add3A_233 : i32 to index
        %swap3A_235 = tpu.vector_load %arg19[%swap3A_234] {strides = array<i32>} : memref<36864xf32, #tpu.memory_space<vmem>>, vector<16xf32>,
        tpu.vector_store %arg19[%swap3A_234], %gather3A_231 {strides = array<i32>} : memref<36864xf32, #tpu.memory_space<vmem>>, vector<16xf32>,
        %gather3A_236 = tpu.vector_load_idx %arg12[%select_n3A_195] : memref<4096xf32, #tpu.memory_space<vmem>>[vector<16xi32>], vector<16xf32>,
        %add3A_237 = arith.constant 20480 : i32
        %add3A_238 = arith.addi %add3A_237, %add3A_210 : i32
        %swap3A_239 = arith.index_cast %add3A_238 : i32 to index
        %swap3A_240 = tpu.vector_load %arg19[%swap3A_239] {strides = array<i32>} : memref<36864xf32, #tpu.memory_space<vmem>>, vector<16xf32>,
        tpu.vector_store %arg19[%swap3A_239], %gather3A_236 {strides = array<i32>} : memref<36864xf32, #tpu.memory_space<vmem>>, vector<16xf32>,
        %gather3A_241 = tpu.vector_load_idx %arg13[%select_n3A_195] : memref<4096xf32, #tpu.memory_space<vmem>>[vector<16xi32>], vector<16xf32>,
        %add3A_242 = arith.constant 24576 : i32
        %add3A_243 = arith.addi %add3A_242, %add3A_210 : i32
        %swap3A_244 = arith.index_cast %add3A_243 : i32 to index
        %swap3A_245 = tpu.vector_load %arg19[%swap3A_244] {strides = array<i32>} : memref<36864xf32, #tpu.memory_space<vmem>>, vector<16xf32>,
        tpu.vector_store %arg19[%swap3A_244], %gather3A_241 {strides = array<i32>} : memref<36864xf32, #tpu.memory_space<vmem>>, vector<16xf32>,
        %gather3A_246 = tpu.vector_load_idx %arg14[%select_n3A_195] : memref<4096xf32, #tpu.memory_space<vmem>>[vector<16xi32>], vector<16xf32>,
        %add3A_247 = arith.constant 28672 : i32
        %add3A_248 = arith.addi %add3A_247, %add3A_210 : i32
        %swap3A_249 = arith.index_cast %add3A_248 : i32 to index
        %swap3A_250 = tpu.vector_load %arg19[%swap3A_249] {strides = array<i32>} : memref<36864xf32, #tpu.memory_space<vmem>>, vector<16xf32>,
        tpu.vector_store %arg19[%swap3A_249], %gather3A_246 {strides = array<i32>} : memref<36864xf32, #tpu.memory_space<vmem>>, vector<16xf32>,
        %gather3A_251 = tpu.vector_load_idx %arg15[%select_n3A_195] : memref<4096xf32, #tpu.memory_space<vmem>>[vector<16xi32>], vector<16xf32>,
        %add3A_252 = arith.constant 32768 : i32
        %add3A_253 = arith.addi %add3A_252, %add3A_210 : i32
        %swap3A_254 = arith.index_cast %add3A_253 : i32 to index
        %swap3A_255 = tpu.vector_load %arg19[%swap3A_254] {strides = array<i32>} : memref<36864xf32, #tpu.memory_space<vmem>>, vector<16xf32>,
        tpu.vector_store %arg19[%swap3A_254], %gather3A_251 {strides = array<i32>} : memref<36864xf32, #tpu.memory_space<vmem>>, vector<16xf32>,
        %add3A_256 = arith.constant 16 : i32
        %add3A_257 = arith.addi %mul3A_208, %add3A_256 : i32
        %gather3A_258 = tpu.vector_load_idx %arg7[%select_n3A_201] : memref<4096xf32, #tpu.memory_space<vmem>>[vector<16xi32>], vector<16xf32>,
        %sub3A_259 = arith.subf %gather3A_258, %gather3A : vector<16xf32>
        %swap3A_260 = arith.index_cast %add3A_257 : i32 to index
        %swap3A_261 = tpu.vector_load %arg19[%swap3A_260] {strides = array<i32>} : memref<36864xf32, #tpu.memory_space<vmem>>, vector<16xf32>,
        tpu.vector_store %arg19[%swap3A_260], %sub3A_259 {strides = array<i32>} : memref<36864xf32, #tpu.memory_space<vmem>>, vector<16xf32>,
        %gather3A_262 = tpu.vector_load_idx %arg8[%select_n3A_201] : memref<4096xf32, #tpu.memory_space<vmem>>[vector<16xi32>], vector<16xf32>,
        %sub3A_263 = arith.subf %gather3A_262, %gather3A_203 : vector<16xf32>
        %add3A_264 = arith.constant 4096 : i32
        %add3A_265 = arith.addi %add3A_264, %add3A_257 : i32
        %swap3A_266 = arith.index_cast %add3A_265 : i32 to index
        %swap3A_267 = tpu.vector_load %arg19[%swap3A_266] {strides = array<i32>} : memref<36864xf32, #tpu.memory_space<vmem>>, vector<16xf32>,
        tpu.vector_store %arg19[%swap3A_266], %sub3A_263 {strides = array<i32>} : memref<36864xf32, #tpu.memory_space<vmem>>, vector<16xf32>,
        %gather3A_268 = tpu.vector_load_idx %arg9[%select_n3A_201] : memref<4096xf32, #tpu.memory_space<vmem>>[vector<16xi32>], vector<16xf32>,
        %sub3A_269 = arith.subf %gather3A_268, %gather3A_204 : vector<16xf32>
        %add3A_270 = arith.constant 8192 : i32
        %add3A_271 = arith.addi %add3A_270, %add3A_257 : i32
        %swap3A_272 = arith.index_cast %add3A_271 : i32 to index
        %swap3A_273 = tpu.vector_load %arg19[%swap3A_272] {strides = array<i32>} : memref<36864xf32, #tpu.memory_space<vmem>>, vector<16xf32>,
        tpu.vector_store %arg19[%swap3A_272], %sub3A_269 {strides = array<i32>} : memref<36864xf32, #tpu.memory_space<vmem>>, vector<16xf32>,
        %gather3A_274 = tpu.vector_load_idx %arg10[%select_n3A_201] : memref<4096xf32, #tpu.memory_space<vmem>>[vector<16xi32>], vector<16xf32>,
        %add3A_275 = arith.constant 12288 : i32
        %add3A_276 = arith.addi %add3A_275, %add3A_257 : i32
        %swap3A_277 = arith.index_cast %add3A_276 : i32 to index
        %swap3A_278 = tpu.vector_load %arg19[%swap3A_277] {strides = array<i32>} : memref<36864xf32, #tpu.memory_space<vmem>>, vector<16xf32>,
        tpu.vector_store %arg19[%swap3A_277], %gather3A_274 {strides = array<i32>} : memref<36864xf32, #tpu.memory_space<vmem>>, vector<16xf32>,
        %gather3A_279 = tpu.vector_load_idx %arg11[%select_n3A_201] : memref<4096xf32, #tpu.memory_space<vmem>>[vector<16xi32>], vector<16xf32>,
        %add3A_280 = arith.constant 16384 : i32
        %add3A_281 = arith.addi %add3A_280, %add3A_257 : i32
        %swap3A_282 = arith.index_cast %add3A_281 : i32 to index
        %swap3A_283 = tpu.vector_load %arg19[%swap3A_282] {strides = array<i32>} : memref<36864xf32, #tpu.memory_space<vmem>>, vector<16xf32>,
        tpu.vector_store %arg19[%swap3A_282], %gather3A_279 {strides = array<i32>} : memref<36864xf32, #tpu.memory_space<vmem>>, vector<16xf32>,
        %gather3A_284 = tpu.vector_load_idx %arg12[%select_n3A_201] : memref<4096xf32, #tpu.memory_space<vmem>>[vector<16xi32>], vector<16xf32>,
        %add3A_285 = arith.constant 20480 : i32
        %add3A_286 = arith.addi %add3A_285, %add3A_257 : i32
        %swap3A_287 = arith.index_cast %add3A_286 : i32 to index
        %swap3A_288 = tpu.vector_load %arg19[%swap3A_287] {strides = array<i32>} : memref<36864xf32, #tpu.memory_space<vmem>>, vector<16xf32>,
        tpu.vector_store %arg19[%swap3A_287], %gather3A_284 {strides = array<i32>} : memref<36864xf32, #tpu.memory_space<vmem>>, vector<16xf32>,
        %gather3A_289 = tpu.vector_load_idx %arg13[%select_n3A_201] : memref<4096xf32, #tpu.memory_space<vmem>>[vector<16xi32>], vector<16xf32>,
        %add3A_290 = arith.constant 24576 : i32
        %add3A_291 = arith.addi %add3A_290, %add3A_257 : i32
        %swap3A_292 = arith.index_cast %add3A_291 : i32 to index
        %swap3A_293 = tpu.vector_load %arg19[%swap3A_292] {strides = array<i32>} : memref<36864xf32, #tpu.memory_space<vmem>>, vector<16xf32>,
        tpu.vector_store %arg19[%swap3A_292], %gather3A_289 {strides = array<i32>} : memref<36864xf32, #tpu.memory_space<vmem>>, vector<16xf32>,
        %gather3A_294 = tpu.vector_load_idx %arg14[%select_n3A_201] : memref<4096xf32, #tpu.memory_space<vmem>>[vector<16xi32>], vector<16xf32>,
        %add3A_295 = arith.constant 28672 : i32
        %add3A_296 = arith.addi %add3A_295, %add3A_257 : i32
        %swap3A_297 = arith.index_cast %add3A_296 : i32 to index
        %swap3A_298 = tpu.vector_load %arg19[%swap3A_297] {strides = array<i32>} : memref<36864xf32, #tpu.memory_space<vmem>>, vector<16xf32>,
        tpu.vector_store %arg19[%swap3A_297], %gather3A_294 {strides = array<i32>} : memref<36864xf32, #tpu.memory_space<vmem>>, vector<16xf32>,
        %gather3A_299 = tpu.vector_load_idx %arg15[%select_n3A_201] : memref<4096xf32, #tpu.memory_space<vmem>>[vector<16xi32>], vector<16xf32>,
        %add3A_300 = arith.constant 32768 : i32
        %add3A_301 = arith.addi %add3A_300, %add3A_257 : i32
        %swap3A_302 = arith.index_cast %add3A_301 : i32 to index
        %swap3A_303 = tpu.vector_load %arg19[%swap3A_302] {strides = array<i32>} : memref<36864xf32, #tpu.memory_space<vmem>>, vector<16xf32>,
        tpu.vector_store %arg19[%swap3A_302], %gather3A_299 {strides = array<i32>} : memref<36864xf32, #tpu.memory_space<vmem>>, vector<16xf32>,
        %rem3A_304 = arith.constant 128 : i32
        %rem3A_305 = arith.remsi %add3A_172, %rem3A_304 : i32
        %eq3A_306 = arith.constant 127 : i32
        %eq3A_307 = arith.cmpi eq, %rem3A_305, %eq3A_306 : i32
        %convert_element_type3A_308 = arith.extui %eq3A_307 : i1 to i32
        %cond3A_309 = arith.constant 0 : i32
        %cond3A_310 = arith.cmpi ne, %convert_element_type3A_308, %cond3A_309 : i32
        scf.if %cond3A_310 {
          %mul3A_312 = arith.constant 512 : i32
          %mul3A_313 = arith.muli %select_n3A_30, %mul3A_312 : i32
          %sub3A_314 = arith.constant 127 : i32
          %sub3A_315 = arith.subi %add3A_172, %sub3A_314 : i32
          %add3A_316 = arith.addi %mul3A_313, %sub3A_315 : i32
          %mul3A_317 = arith.constant 32 : i32
          %mul3A_318 = arith.muli %add3A_316, %mul3A_317 : i32
          %mul3A_319 = arith.constant 9 : i32
          %mul3A_320 = arith.muli %select_n3A, %mul3A_319 : i32
          %add3A_321 = arith.constant 0 : i32
          %add3A_322 = arith.addi %mul3A_320, %add3A_321 : i32
          %mul3A_323 = arith.constant 1024 : i32
          %mul3A_324 = arith.muli %add3A_322, %mul3A_323 : i32
          %mul3A_325 = arith.constant 32 : i32
          %mul3A_326 = arith.muli %mul3A_324, %mul3A_325 : i32
          %add3A_327 = arith.addi %mul3A_326, %mul3A_318 : i32
          "tpu.region"() ({
            %run_scoped3A = tpu.sem_alloc : memref<!tpu.dma_semaphore, #tpu.memory_space<semaphore_mem>>
            %dma_start3A_400 = arith.constant 0 : i32
            %dma_start3A_401 = tpu.memref_slice %arg19[%dma_start3A_400] : memref<36864xf32, #tpu.memory_space<vmem>> -> memref<4096xf32, #tpu.memory_space<vmem>>
            %dma_start3A_402 = tpu.memref_slice %arg6[%add3A_327] : memref<4718592xf32, #tpu.memory_space<hbm>> -> memref<4096xf32, #tpu.memory_space<hbm>>
            %dma_start3A_403 = tpu.memref_slice %arg6[%add3A_327] : memref<4718592xf32, #tpu.memory_space<hbm>> -> memref<4096xf32, #tpu.memory_space<hbm>>
            %dma_start3A_404 = arith.constant 0 : i32
            %dma_start3A_405 = tpu.memref_slice %arg19[%dma_start3A_404] : memref<36864xf32, #tpu.memory_space<vmem>> -> memref<4096xf32, #tpu.memory_space<vmem>>
            tpu.enqueue_dma source(%dma_start3A_405 : memref<4096xf32, #tpu.memory_space<vmem>>) target(%dma_start3A_403 : memref<4096xf32, #tpu.memory_space<hbm>>) target_semaphore(%run_scoped3A : memref<!tpu.dma_semaphore, #tpu.memory_space<semaphore_mem>>)
            %dma_wait3A_406 = arith.constant 0 : i32
            %dma_wait3A_407 = tpu.memref_slice %arg19[%dma_wait3A_406] : memref<36864xf32, #tpu.memory_space<vmem>> -> memref<4096xf32, #tpu.memory_space<vmem>>
            %dma_wait3A_408 = tpu.memref_slice %arg6[%add3A_327] : memref<4718592xf32, #tpu.memory_space<hbm>> -> memref<4096xf32, #tpu.memory_space<hbm>>
            %dma_wait3A_409 = tpu.memref_slice %arg6[%add3A_327] : memref<4718592xf32, #tpu.memory_space<hbm>> -> memref<4096xf32, #tpu.memory_space<hbm>>
            %dma_wait3A_410 = arith.constant 0 : i32
            %dma_wait3A_411 = tpu.memref_slice %arg19[%dma_wait3A_410] : memref<36864xf32, #tpu.memory_space<vmem>> -> memref<4096xf32, #tpu.memory_space<vmem>>
            tpu.wait_dma2 semaphore(%run_scoped3A : memref<!tpu.dma_semaphore, #tpu.memory_space<semaphore_mem>>) src(%dma_wait3A_411 : memref<4096xf32, #tpu.memory_space<vmem>>) dst(%dma_wait3A_409 : memref<4096xf32, #tpu.memory_space<hbm>>)
            tpu.yield
          }) : () -> ()
          %mul3A_328 = arith.constant 9 : i32
          %mul3A_329 = arith.muli %select_n3A, %mul3A_328 : i32
          %add3A_330 = arith.constant 1 : i32
          %add3A_331 = arith.addi %mul3A_329, %add3A_330 : i32
          %mul3A_332 = arith.constant 1024 : i32
          %mul3A_333 = arith.muli %add3A_331, %mul3A_332 : i32
          %mul3A_334 = arith.constant 32 : i32
          %mul3A_335 = arith.muli %mul3A_333, %mul3A_334 : i32
          %add3A_336 = arith.addi %mul3A_335, %mul3A_318 : i32
          "tpu.region"() ({
            %run_scoped3A = tpu.sem_alloc : memref<!tpu.dma_semaphore, #tpu.memory_space<semaphore_mem>>
            %dma_start3A_400 = arith.constant 4096 : i32
            %dma_start3A_401 = tpu.memref_slice %arg19[%dma_start3A_400] : memref<36864xf32, #tpu.memory_space<vmem>> -> memref<4096xf32, #tpu.memory_space<vmem>>
            %dma_start3A_402 = tpu.memref_slice %arg6[%add3A_336] : memref<4718592xf32, #tpu.memory_space<hbm>> -> memref<4096xf32, #tpu.memory_space<hbm>>
            %dma_start3A_403 = tpu.memref_slice %arg6[%add3A_336] : memref<4718592xf32, #tpu.memory_space<hbm>> -> memref<4096xf32, #tpu.memory_space<hbm>>
            %dma_start3A_404 = arith.constant 4096 : i32
            %dma_start3A_405 = tpu.memref_slice %arg19[%dma_start3A_404] : memref<36864xf32, #tpu.memory_space<vmem>> -> memref<4096xf32, #tpu.memory_space<vmem>>
            tpu.enqueue_dma source(%dma_start3A_405 : memref<4096xf32, #tpu.memory_space<vmem>>) target(%dma_start3A_403 : memref<4096xf32, #tpu.memory_space<hbm>>) target_semaphore(%run_scoped3A : memref<!tpu.dma_semaphore, #tpu.memory_space<semaphore_mem>>)
            %dma_wait3A_406 = arith.constant 4096 : i32
            %dma_wait3A_407 = tpu.memref_slice %arg19[%dma_wait3A_406] : memref<36864xf32, #tpu.memory_space<vmem>> -> memref<4096xf32, #tpu.memory_space<vmem>>
            %dma_wait3A_408 = tpu.memref_slice %arg6[%add3A_336] : memref<4718592xf32, #tpu.memory_space<hbm>> -> memref<4096xf32, #tpu.memory_space<hbm>>
            %dma_wait3A_409 = tpu.memref_slice %arg6[%add3A_336] : memref<4718592xf32, #tpu.memory_space<hbm>> -> memref<4096xf32, #tpu.memory_space<hbm>>
            %dma_wait3A_410 = arith.constant 4096 : i32
            %dma_wait3A_411 = tpu.memref_slice %arg19[%dma_wait3A_410] : memref<36864xf32, #tpu.memory_space<vmem>> -> memref<4096xf32, #tpu.memory_space<vmem>>
            tpu.wait_dma2 semaphore(%run_scoped3A : memref<!tpu.dma_semaphore, #tpu.memory_space<semaphore_mem>>) src(%dma_wait3A_411 : memref<4096xf32, #tpu.memory_space<vmem>>) dst(%dma_wait3A_409 : memref<4096xf32, #tpu.memory_space<hbm>>)
            tpu.yield
          }) : () -> ()
          %mul3A_337 = arith.constant 9 : i32
          %mul3A_338 = arith.muli %select_n3A, %mul3A_337 : i32
          %add3A_339 = arith.constant 2 : i32
          %add3A_340 = arith.addi %mul3A_338, %add3A_339 : i32
          %mul3A_341 = arith.constant 1024 : i32
          %mul3A_342 = arith.muli %add3A_340, %mul3A_341 : i32
          %mul3A_343 = arith.constant 32 : i32
          %mul3A_344 = arith.muli %mul3A_342, %mul3A_343 : i32
          %add3A_345 = arith.addi %mul3A_344, %mul3A_318 : i32
          "tpu.region"() ({
            %run_scoped3A = tpu.sem_alloc : memref<!tpu.dma_semaphore, #tpu.memory_space<semaphore_mem>>
            %dma_start3A_400 = arith.constant 8192 : i32
            %dma_start3A_401 = tpu.memref_slice %arg19[%dma_start3A_400] : memref<36864xf32, #tpu.memory_space<vmem>> -> memref<4096xf32, #tpu.memory_space<vmem>>
            %dma_start3A_402 = tpu.memref_slice %arg6[%add3A_345] : memref<4718592xf32, #tpu.memory_space<hbm>> -> memref<4096xf32, #tpu.memory_space<hbm>>
            %dma_start3A_403 = tpu.memref_slice %arg6[%add3A_345] : memref<4718592xf32, #tpu.memory_space<hbm>> -> memref<4096xf32, #tpu.memory_space<hbm>>
            %dma_start3A_404 = arith.constant 8192 : i32
            %dma_start3A_405 = tpu.memref_slice %arg19[%dma_start3A_404] : memref<36864xf32, #tpu.memory_space<vmem>> -> memref<4096xf32, #tpu.memory_space<vmem>>
            tpu.enqueue_dma source(%dma_start3A_405 : memref<4096xf32, #tpu.memory_space<vmem>>) target(%dma_start3A_403 : memref<4096xf32, #tpu.memory_space<hbm>>) target_semaphore(%run_scoped3A : memref<!tpu.dma_semaphore, #tpu.memory_space<semaphore_mem>>)
            %dma_wait3A_406 = arith.constant 8192 : i32
            %dma_wait3A_407 = tpu.memref_slice %arg19[%dma_wait3A_406] : memref<36864xf32, #tpu.memory_space<vmem>> -> memref<4096xf32, #tpu.memory_space<vmem>>
            %dma_wait3A_408 = tpu.memref_slice %arg6[%add3A_345] : memref<4718592xf32, #tpu.memory_space<hbm>> -> memref<4096xf32, #tpu.memory_space<hbm>>
            %dma_wait3A_409 = tpu.memref_slice %arg6[%add3A_345] : memref<4718592xf32, #tpu.memory_space<hbm>> -> memref<4096xf32, #tpu.memory_space<hbm>>
            %dma_wait3A_410 = arith.constant 8192 : i32
            %dma_wait3A_411 = tpu.memref_slice %arg19[%dma_wait3A_410] : memref<36864xf32, #tpu.memory_space<vmem>> -> memref<4096xf32, #tpu.memory_space<vmem>>
            tpu.wait_dma2 semaphore(%run_scoped3A : memref<!tpu.dma_semaphore, #tpu.memory_space<semaphore_mem>>) src(%dma_wait3A_411 : memref<4096xf32, #tpu.memory_space<vmem>>) dst(%dma_wait3A_409 : memref<4096xf32, #tpu.memory_space<hbm>>)
            tpu.yield
          }) : () -> ()
          %mul3A_346 = arith.constant 9 : i32
          %mul3A_347 = arith.muli %select_n3A, %mul3A_346 : i32
          %add3A_348 = arith.constant 3 : i32
          %add3A_349 = arith.addi %mul3A_347, %add3A_348 : i32
          %mul3A_350 = arith.constant 1024 : i32
          %mul3A_351 = arith.muli %add3A_349, %mul3A_350 : i32
          %mul3A_352 = arith.constant 32 : i32
          %mul3A_353 = arith.muli %mul3A_351, %mul3A_352 : i32
          %add3A_354 = arith.addi %mul3A_353, %mul3A_318 : i32
          "tpu.region"() ({
            %run_scoped3A = tpu.sem_alloc : memref<!tpu.dma_semaphore, #tpu.memory_space<semaphore_mem>>
            %dma_start3A_400 = arith.constant 12288 : i32
            %dma_start3A_401 = tpu.memref_slice %arg19[%dma_start3A_400] : memref<36864xf32, #tpu.memory_space<vmem>> -> memref<4096xf32, #tpu.memory_space<vmem>>
            %dma_start3A_402 = tpu.memref_slice %arg6[%add3A_354] : memref<4718592xf32, #tpu.memory_space<hbm>> -> memref<4096xf32, #tpu.memory_space<hbm>>
            %dma_start3A_403 = tpu.memref_slice %arg6[%add3A_354] : memref<4718592xf32, #tpu.memory_space<hbm>> -> memref<4096xf32, #tpu.memory_space<hbm>>
            %dma_start3A_404 = arith.constant 12288 : i32
            %dma_start3A_405 = tpu.memref_slice %arg19[%dma_start3A_404] : memref<36864xf32, #tpu.memory_space<vmem>> -> memref<4096xf32, #tpu.memory_space<vmem>>
            tpu.enqueue_dma source(%dma_start3A_405 : memref<4096xf32, #tpu.memory_space<vmem>>) target(%dma_start3A_403 : memref<4096xf32, #tpu.memory_space<hbm>>) target_semaphore(%run_scoped3A : memref<!tpu.dma_semaphore, #tpu.memory_space<semaphore_mem>>)
            %dma_wait3A_406 = arith.constant 12288 : i32
            %dma_wait3A_407 = tpu.memref_slice %arg19[%dma_wait3A_406] : memref<36864xf32, #tpu.memory_space<vmem>> -> memref<4096xf32, #tpu.memory_space<vmem>>
            %dma_wait3A_408 = tpu.memref_slice %arg6[%add3A_354] : memref<4718592xf32, #tpu.memory_space<hbm>> -> memref<4096xf32, #tpu.memory_space<hbm>>
            %dma_wait3A_409 = tpu.memref_slice %arg6[%add3A_354] : memref<4718592xf32, #tpu.memory_space<hbm>> -> memref<4096xf32, #tpu.memory_space<hbm>>
            %dma_wait3A_410 = arith.constant 12288 : i32
            %dma_wait3A_411 = tpu.memref_slice %arg19[%dma_wait3A_410] : memref<36864xf32, #tpu.memory_space<vmem>> -> memref<4096xf32, #tpu.memory_space<vmem>>
            tpu.wait_dma2 semaphore(%run_scoped3A : memref<!tpu.dma_semaphore, #tpu.memory_space<semaphore_mem>>) src(%dma_wait3A_411 : memref<4096xf32, #tpu.memory_space<vmem>>) dst(%dma_wait3A_409 : memref<4096xf32, #tpu.memory_space<hbm>>)
            tpu.yield
          }) : () -> ()
          %mul3A_355 = arith.constant 9 : i32
          %mul3A_356 = arith.muli %select_n3A, %mul3A_355 : i32
          %add3A_357 = arith.constant 4 : i32
          %add3A_358 = arith.addi %mul3A_356, %add3A_357 : i32
          %mul3A_359 = arith.constant 1024 : i32
          %mul3A_360 = arith.muli %add3A_358, %mul3A_359 : i32
          %mul3A_361 = arith.constant 32 : i32
          %mul3A_362 = arith.muli %mul3A_360, %mul3A_361 : i32
          %add3A_363 = arith.addi %mul3A_362, %mul3A_318 : i32
          "tpu.region"() ({
            %run_scoped3A = tpu.sem_alloc : memref<!tpu.dma_semaphore, #tpu.memory_space<semaphore_mem>>
            %dma_start3A_400 = arith.constant 16384 : i32
            %dma_start3A_401 = tpu.memref_slice %arg19[%dma_start3A_400] : memref<36864xf32, #tpu.memory_space<vmem>> -> memref<4096xf32, #tpu.memory_space<vmem>>
            %dma_start3A_402 = tpu.memref_slice %arg6[%add3A_363] : memref<4718592xf32, #tpu.memory_space<hbm>> -> memref<4096xf32, #tpu.memory_space<hbm>>
            %dma_start3A_403 = tpu.memref_slice %arg6[%add3A_363] : memref<4718592xf32, #tpu.memory_space<hbm>> -> memref<4096xf32, #tpu.memory_space<hbm>>
            %dma_start3A_404 = arith.constant 16384 : i32
            %dma_start3A_405 = tpu.memref_slice %arg19[%dma_start3A_404] : memref<36864xf32, #tpu.memory_space<vmem>> -> memref<4096xf32, #tpu.memory_space<vmem>>
            tpu.enqueue_dma source(%dma_start3A_405 : memref<4096xf32, #tpu.memory_space<vmem>>) target(%dma_start3A_403 : memref<4096xf32, #tpu.memory_space<hbm>>) target_semaphore(%run_scoped3A : memref<!tpu.dma_semaphore, #tpu.memory_space<semaphore_mem>>)
            %dma_wait3A_406 = arith.constant 16384 : i32
            %dma_wait3A_407 = tpu.memref_slice %arg19[%dma_wait3A_406] : memref<36864xf32, #tpu.memory_space<vmem>> -> memref<4096xf32, #tpu.memory_space<vmem>>
            %dma_wait3A_408 = tpu.memref_slice %arg6[%add3A_363] : memref<4718592xf32, #tpu.memory_space<hbm>> -> memref<4096xf32, #tpu.memory_space<hbm>>
            %dma_wait3A_409 = tpu.memref_slice %arg6[%add3A_363] : memref<4718592xf32, #tpu.memory_space<hbm>> -> memref<4096xf32, #tpu.memory_space<hbm>>
            %dma_wait3A_410 = arith.constant 16384 : i32
            %dma_wait3A_411 = tpu.memref_slice %arg19[%dma_wait3A_410] : memref<36864xf32, #tpu.memory_space<vmem>> -> memref<4096xf32, #tpu.memory_space<vmem>>
            tpu.wait_dma2 semaphore(%run_scoped3A : memref<!tpu.dma_semaphore, #tpu.memory_space<semaphore_mem>>) src(%dma_wait3A_411 : memref<4096xf32, #tpu.memory_space<vmem>>) dst(%dma_wait3A_409 : memref<4096xf32, #tpu.memory_space<hbm>>)
            tpu.yield
          }) : () -> ()
          %mul3A_364 = arith.constant 9 : i32
          %mul3A_365 = arith.muli %select_n3A, %mul3A_364 : i32
          %add3A_366 = arith.constant 5 : i32
          %add3A_367 = arith.addi %mul3A_365, %add3A_366 : i32
          %mul3A_368 = arith.constant 1024 : i32
          %mul3A_369 = arith.muli %add3A_367, %mul3A_368 : i32
          %mul3A_370 = arith.constant 32 : i32
          %mul3A_371 = arith.muli %mul3A_369, %mul3A_370 : i32
          %add3A_372 = arith.addi %mul3A_371, %mul3A_318 : i32
          "tpu.region"() ({
            %run_scoped3A = tpu.sem_alloc : memref<!tpu.dma_semaphore, #tpu.memory_space<semaphore_mem>>
            %dma_start3A_400 = arith.constant 20480 : i32
            %dma_start3A_401 = tpu.memref_slice %arg19[%dma_start3A_400] : memref<36864xf32, #tpu.memory_space<vmem>> -> memref<4096xf32, #tpu.memory_space<vmem>>
            %dma_start3A_402 = tpu.memref_slice %arg6[%add3A_372] : memref<4718592xf32, #tpu.memory_space<hbm>> -> memref<4096xf32, #tpu.memory_space<hbm>>
            %dma_start3A_403 = tpu.memref_slice %arg6[%add3A_372] : memref<4718592xf32, #tpu.memory_space<hbm>> -> memref<4096xf32, #tpu.memory_space<hbm>>
            %dma_start3A_404 = arith.constant 20480 : i32
            %dma_start3A_405 = tpu.memref_slice %arg19[%dma_start3A_404] : memref<36864xf32, #tpu.memory_space<vmem>> -> memref<4096xf32, #tpu.memory_space<vmem>>
            tpu.enqueue_dma source(%dma_start3A_405 : memref<4096xf32, #tpu.memory_space<vmem>>) target(%dma_start3A_403 : memref<4096xf32, #tpu.memory_space<hbm>>) target_semaphore(%run_scoped3A : memref<!tpu.dma_semaphore, #tpu.memory_space<semaphore_mem>>)
            %dma_wait3A_406 = arith.constant 20480 : i32
            %dma_wait3A_407 = tpu.memref_slice %arg19[%dma_wait3A_406] : memref<36864xf32, #tpu.memory_space<vmem>> -> memref<4096xf32, #tpu.memory_space<vmem>>
            %dma_wait3A_408 = tpu.memref_slice %arg6[%add3A_372] : memref<4718592xf32, #tpu.memory_space<hbm>> -> memref<4096xf32, #tpu.memory_space<hbm>>
            %dma_wait3A_409 = tpu.memref_slice %arg6[%add3A_372] : memref<4718592xf32, #tpu.memory_space<hbm>> -> memref<4096xf32, #tpu.memory_space<hbm>>
            %dma_wait3A_410 = arith.constant 20480 : i32
            %dma_wait3A_411 = tpu.memref_slice %arg19[%dma_wait3A_410] : memref<36864xf32, #tpu.memory_space<vmem>> -> memref<4096xf32, #tpu.memory_space<vmem>>
            tpu.wait_dma2 semaphore(%run_scoped3A : memref<!tpu.dma_semaphore, #tpu.memory_space<semaphore_mem>>) src(%dma_wait3A_411 : memref<4096xf32, #tpu.memory_space<vmem>>) dst(%dma_wait3A_409 : memref<4096xf32, #tpu.memory_space<hbm>>)
            tpu.yield
          }) : () -> ()
          %mul3A_373 = arith.constant 9 : i32
          %mul3A_374 = arith.muli %select_n3A, %mul3A_373 : i32
          %add3A_375 = arith.constant 6 : i32
          %add3A_376 = arith.addi %mul3A_374, %add3A_375 : i32
          %mul3A_377 = arith.constant 1024 : i32
          %mul3A_378 = arith.muli %add3A_376, %mul3A_377 : i32
          %mul3A_379 = arith.constant 32 : i32
          %mul3A_380 = arith.muli %mul3A_378, %mul3A_379 : i32
          %add3A_381 = arith.addi %mul3A_380, %mul3A_318 : i32
          "tpu.region"() ({
            %run_scoped3A = tpu.sem_alloc : memref<!tpu.dma_semaphore, #tpu.memory_space<semaphore_mem>>
            %dma_start3A_400 = arith.constant 24576 : i32
            %dma_start3A_401 = tpu.memref_slice %arg19[%dma_start3A_400] : memref<36864xf32, #tpu.memory_space<vmem>> -> memref<4096xf32, #tpu.memory_space<vmem>>
            %dma_start3A_402 = tpu.memref_slice %arg6[%add3A_381] : memref<4718592xf32, #tpu.memory_space<hbm>> -> memref<4096xf32, #tpu.memory_space<hbm>>
            %dma_start3A_403 = tpu.memref_slice %arg6[%add3A_381] : memref<4718592xf32, #tpu.memory_space<hbm>> -> memref<4096xf32, #tpu.memory_space<hbm>>
            %dma_start3A_404 = arith.constant 24576 : i32
            %dma_start3A_405 = tpu.memref_slice %arg19[%dma_start3A_404] : memref<36864xf32, #tpu.memory_space<vmem>> -> memref<4096xf32, #tpu.memory_space<vmem>>
            tpu.enqueue_dma source(%dma_start3A_405 : memref<4096xf32, #tpu.memory_space<vmem>>) target(%dma_start3A_403 : memref<4096xf32, #tpu.memory_space<hbm>>) target_semaphore(%run_scoped3A : memref<!tpu.dma_semaphore, #tpu.memory_space<semaphore_mem>>)
            %dma_wait3A_406 = arith.constant 24576 : i32
            %dma_wait3A_407 = tpu.memref_slice %arg19[%dma_wait3A_406] : memref<36864xf32, #tpu.memory_space<vmem>> -> memref<4096xf32, #tpu.memory_space<vmem>>
            %dma_wait3A_408 = tpu.memref_slice %arg6[%add3A_381] : memref<4718592xf32, #tpu.memory_space<hbm>> -> memref<4096xf32, #tpu.memory_space<hbm>>
            %dma_wait3A_409 = tpu.memref_slice %arg6[%add3A_381] : memref<4718592xf32, #tpu.memory_space<hbm>> -> memref<4096xf32, #tpu.memory_space<hbm>>
            %dma_wait3A_410 = arith.constant 24576 : i32
            %dma_wait3A_411 = tpu.memref_slice %arg19[%dma_wait3A_410] : memref<36864xf32, #tpu.memory_space<vmem>> -> memref<4096xf32, #tpu.memory_space<vmem>>
            tpu.wait_dma2 semaphore(%run_scoped3A : memref<!tpu.dma_semaphore, #tpu.memory_space<semaphore_mem>>) src(%dma_wait3A_411 : memref<4096xf32, #tpu.memory_space<vmem>>) dst(%dma_wait3A_409 : memref<4096xf32, #tpu.memory_space<hbm>>)
            tpu.yield
          }) : () -> ()
          %mul3A_382 = arith.constant 9 : i32
          %mul3A_383 = arith.muli %select_n3A, %mul3A_382 : i32
          %add3A_384 = arith.constant 7 : i32
          %add3A_385 = arith.addi %mul3A_383, %add3A_384 : i32
          %mul3A_386 = arith.constant 1024 : i32
          %mul3A_387 = arith.muli %add3A_385, %mul3A_386 : i32
          %mul3A_388 = arith.constant 32 : i32
          %mul3A_389 = arith.muli %mul3A_387, %mul3A_388 : i32
          %add3A_390 = arith.addi %mul3A_389, %mul3A_318 : i32
          "tpu.region"() ({
            %run_scoped3A = tpu.sem_alloc : memref<!tpu.dma_semaphore, #tpu.memory_space<semaphore_mem>>
            %dma_start3A_400 = arith.constant 28672 : i32
            %dma_start3A_401 = tpu.memref_slice %arg19[%dma_start3A_400] : memref<36864xf32, #tpu.memory_space<vmem>> -> memref<4096xf32, #tpu.memory_space<vmem>>
            %dma_start3A_402 = tpu.memref_slice %arg6[%add3A_390] : memref<4718592xf32, #tpu.memory_space<hbm>> -> memref<4096xf32, #tpu.memory_space<hbm>>
            %dma_start3A_403 = tpu.memref_slice %arg6[%add3A_390] : memref<4718592xf32, #tpu.memory_space<hbm>> -> memref<4096xf32, #tpu.memory_space<hbm>>
            %dma_start3A_404 = arith.constant 28672 : i32
            %dma_start3A_405 = tpu.memref_slice %arg19[%dma_start3A_404] : memref<36864xf32, #tpu.memory_space<vmem>> -> memref<4096xf32, #tpu.memory_space<vmem>>
            tpu.enqueue_dma source(%dma_start3A_405 : memref<4096xf32, #tpu.memory_space<vmem>>) target(%dma_start3A_403 : memref<4096xf32, #tpu.memory_space<hbm>>) target_semaphore(%run_scoped3A : memref<!tpu.dma_semaphore, #tpu.memory_space<semaphore_mem>>)
            %dma_wait3A_406 = arith.constant 28672 : i32
            %dma_wait3A_407 = tpu.memref_slice %arg19[%dma_wait3A_406] : memref<36864xf32, #tpu.memory_space<vmem>> -> memref<4096xf32, #tpu.memory_space<vmem>>
            %dma_wait3A_408 = tpu.memref_slice %arg6[%add3A_390] : memref<4718592xf32, #tpu.memory_space<hbm>> -> memref<4096xf32, #tpu.memory_space<hbm>>
            %dma_wait3A_409 = tpu.memref_slice %arg6[%add3A_390] : memref<4718592xf32, #tpu.memory_space<hbm>> -> memref<4096xf32, #tpu.memory_space<hbm>>
            %dma_wait3A_410 = arith.constant 28672 : i32
            %dma_wait3A_411 = tpu.memref_slice %arg19[%dma_wait3A_410] : memref<36864xf32, #tpu.memory_space<vmem>> -> memref<4096xf32, #tpu.memory_space<vmem>>
            tpu.wait_dma2 semaphore(%run_scoped3A : memref<!tpu.dma_semaphore, #tpu.memory_space<semaphore_mem>>) src(%dma_wait3A_411 : memref<4096xf32, #tpu.memory_space<vmem>>) dst(%dma_wait3A_409 : memref<4096xf32, #tpu.memory_space<hbm>>)
            tpu.yield
          }) : () -> ()
          %mul3A_391 = arith.constant 9 : i32
          %mul3A_392 = arith.muli %select_n3A, %mul3A_391 : i32
          %add3A_393 = arith.constant 8 : i32
          %add3A_394 = arith.addi %mul3A_392, %add3A_393 : i32
          %mul3A_395 = arith.constant 1024 : i32
          %mul3A_396 = arith.muli %add3A_394, %mul3A_395 : i32
          %mul3A_397 = arith.constant 32 : i32
          %mul3A_398 = arith.muli %mul3A_396, %mul3A_397 : i32
          %add3A_399 = arith.addi %mul3A_398, %mul3A_318 : i32
          "tpu.region"() ({
            %run_scoped3A = tpu.sem_alloc : memref<!tpu.dma_semaphore, #tpu.memory_space<semaphore_mem>>
            %dma_start3A_400 = arith.constant 32768 : i32
            %dma_start3A_401 = tpu.memref_slice %arg19[%dma_start3A_400] : memref<36864xf32, #tpu.memory_space<vmem>> -> memref<4096xf32, #tpu.memory_space<vmem>>
            %dma_start3A_402 = tpu.memref_slice %arg6[%add3A_399] : memref<4718592xf32, #tpu.memory_space<hbm>> -> memref<4096xf32, #tpu.memory_space<hbm>>
            %dma_start3A_403 = tpu.memref_slice %arg6[%add3A_399] : memref<4718592xf32, #tpu.memory_space<hbm>> -> memref<4096xf32, #tpu.memory_space<hbm>>
            %dma_start3A_404 = arith.constant 32768 : i32
            %dma_start3A_405 = tpu.memref_slice %arg19[%dma_start3A_404] : memref<36864xf32, #tpu.memory_space<vmem>> -> memref<4096xf32, #tpu.memory_space<vmem>>
            tpu.enqueue_dma source(%dma_start3A_405 : memref<4096xf32, #tpu.memory_space<vmem>>) target(%dma_start3A_403 : memref<4096xf32, #tpu.memory_space<hbm>>) target_semaphore(%run_scoped3A : memref<!tpu.dma_semaphore, #tpu.memory_space<semaphore_mem>>)
            %dma_wait3A_406 = arith.constant 32768 : i32
            %dma_wait3A_407 = tpu.memref_slice %arg19[%dma_wait3A_406] : memref<36864xf32, #tpu.memory_space<vmem>> -> memref<4096xf32, #tpu.memory_space<vmem>>
            %dma_wait3A_408 = tpu.memref_slice %arg6[%add3A_399] : memref<4718592xf32, #tpu.memory_space<hbm>> -> memref<4096xf32, #tpu.memory_space<hbm>>
            %dma_wait3A_409 = tpu.memref_slice %arg6[%add3A_399] : memref<4718592xf32, #tpu.memory_space<hbm>> -> memref<4096xf32, #tpu.memory_space<hbm>>
            %dma_wait3A_410 = arith.constant 32768 : i32
            %dma_wait3A_411 = tpu.memref_slice %arg19[%dma_wait3A_410] : memref<36864xf32, #tpu.memory_space<vmem>> -> memref<4096xf32, #tpu.memory_space<vmem>>
            tpu.wait_dma2 semaphore(%run_scoped3A : memref<!tpu.dma_semaphore, #tpu.memory_space<semaphore_mem>>) src(%dma_wait3A_411 : memref<4096xf32, #tpu.memory_space<vmem>>) dst(%dma_wait3A_409 : memref<4096xf32, #tpu.memory_space<hbm>>)
            tpu.yield
          }) : () -> ()
        } else {
        }
        %scan3A_311 = arith.constant 0 : i32
        scf.yield %scan3A_311 : i32
      }
      %scan3A_166 = arith.constant 8 : i32
      %scan3A_167 = arith.constant 0 : i32
      scf.yield %scan3A_167 : i32
    }
    %scan3A_132 = arith.constant 64 : i32
    return
  }
}

module attributes {stable_mosaic.version = 14 : i64} {
  func.func @_fps_body(%arg0: memref<16x4096xf32, #tpu.memory_space<vmem>>, %arg1: memref<16x4096xf32, #tpu.memory_space<vmem>>, %arg2: memref<16x4096xf32, #tpu.memory_space<vmem>>, %arg3: memref<16x1xi32, #tpu.memory_space<vmem>>, %arg4: memref<16x1024xi32, #tpu.memory_space<vmem>>) attributes {dimension_semantics = [], scalar_prefetch = 0 : i64, scratch_operands = 0 : i64, tpu.core_type = #tpu.core_type<tc>} {
    %iota3A = tpu.iota {dimensions = array<i32: 1>} : vector<16x4096xi32>
    %iota3A_0 = tpu.iota {dimensions = array<i32: 1>} : vector<16x1024xi32>
    %broadcast_in_dim3A = arith.constant 1.000000e+10 : f32
    %broadcast_in_dim3A_1 = vector.broadcast %broadcast_in_dim3A : f32 to vector<16x4096xf32>
    %broadcast_in_dim3A_2 = arith.constant 0 : i32
    %broadcast_in_dim3A_3 = vector.broadcast %broadcast_in_dim3A_2 : i32 to vector<16x1024xi32>
    %get3A = arith.constant 0 : index
    %get3A_4 = arith.constant 0 : index
    %get3A_5 = vector.load %arg3[%get3A, %get3A_4] : memref<16x1xi32, #tpu.memory_space<vmem>>, vector<16x1xi32>
    %scan3A = arith.constant 0 : i32
    %scan3A_6 = arith.constant 1024 : i32
    %scan3A_7 = arith.addi %scan3A, %scan3A_6 : i32
    %scan3A_8 = arith.constant 1 : i32
    %scan3A_9:3 = scf.for %scan3A_13 = %scan3A to %scan3A_7 step %scan3A_8 iter_args(%scan3A_14 = %broadcast_in_dim3A_1, %scan3A_15 = %get3A_5, %scan3A_16 = %broadcast_in_dim3A_3) -> (vector<16x4096xf32>, vector<16x1xi32>, vector<16x1024xi32>)  : i32 {
      %eq3A = vector.broadcast %scan3A_13 : i32 to vector<16x1024xi32>
      %eq3A_17 = arith.cmpi eq, %iota3A_0, %eq3A : vector<16x1024xi32>
      %broadcast_in_dim3A_18 = vector.shape_cast %scan3A_15 : vector<16x1xi32> to vector<16x1xi32>
      %broadcast_in_dim3A_19 = vector.broadcast %broadcast_in_dim3A_18 : vector<16x1xi32> to vector<16x1024xi32>
      %select_n3A = arith.select %eq3A_17, %broadcast_in_dim3A_19, %scan3A_16 : vector<16x1024xi1>, vector<16x1024xi32>
      %eq3A_20 = vector.broadcast %scan3A_15 : vector<16x1xi32> to vector<16x4096xi32>
      %eq3A_21 = arith.cmpi eq, %iota3A, %eq3A_20 : vector<16x4096xi32>
      %convert_element_type3A = arith.extui %eq3A_21 : vector<16x4096xi1> to vector<16x4096xi32>
      %convert_element_type3A_22 = arith.sitofp %convert_element_type3A : vector<16x4096xi32> to vector<16x4096xf32>
      %get3A_23 = arith.constant 0 : index
      %get3A_24 = arith.constant 0 : index
      %get3A_25 = vector.load %arg0[%get3A_23, %get3A_24] : memref<16x4096xf32, #tpu.memory_space<vmem>>, vector<16x4096xf32>
      %mul3A = arith.mulf %get3A_25, %convert_element_type3A_22 : vector<16x4096xf32>
      %reduce_sum3A = arith.constant dense<0.000000e+00> : vector<16xf32>
      %reduce_sum3A_26 = vector.multi_reduction <add>, %mul3A, %reduce_sum3A [1] : vector<16x4096xf32> to vector<16xf32>
      %broadcast_in_dim3A_27 = vector.shape_cast %reduce_sum3A_26 : vector<16xf32> to vector<16x1xf32>
      %get3A_28 = arith.constant 0 : index
      %get3A_29 = arith.constant 0 : index
      %get3A_30 = vector.load %arg1[%get3A_28, %get3A_29] : memref<16x4096xf32, #tpu.memory_space<vmem>>, vector<16x4096xf32>
      %mul3A_31 = arith.mulf %get3A_30, %convert_element_type3A_22 : vector<16x4096xf32>
      %reduce_sum3A_32 = arith.constant dense<0.000000e+00> : vector<16xf32>
      %reduce_sum3A_33 = vector.multi_reduction <add>, %mul3A_31, %reduce_sum3A_32 [1] : vector<16x4096xf32> to vector<16xf32>
      %broadcast_in_dim3A_34 = vector.shape_cast %reduce_sum3A_33 : vector<16xf32> to vector<16x1xf32>
      %get3A_35 = arith.constant 0 : index
      %get3A_36 = arith.constant 0 : index
      %get3A_37 = vector.load %arg2[%get3A_35, %get3A_36] : memref<16x4096xf32, #tpu.memory_space<vmem>>, vector<16x4096xf32>
      %mul3A_38 = arith.mulf %get3A_37, %convert_element_type3A_22 : vector<16x4096xf32>
      %reduce_sum3A_39 = arith.constant dense<0.000000e+00> : vector<16xf32>
      %reduce_sum3A_40 = vector.multi_reduction <add>, %mul3A_38, %reduce_sum3A_39 [1] : vector<16x4096xf32> to vector<16xf32>
      %broadcast_in_dim3A_41 = vector.shape_cast %reduce_sum3A_40 : vector<16xf32> to vector<16x1xf32>
      %get3A_42 = arith.constant 0 : index
      %get3A_43 = arith.constant 0 : index
      %get3A_44 = vector.load %arg0[%get3A_42, %get3A_43] : memref<16x4096xf32, #tpu.memory_space<vmem>>, vector<16x4096xf32>
      %sub3A = vector.broadcast %broadcast_in_dim3A_27 : vector<16x1xf32> to vector<16x4096xf32>
      %sub3A_45 = arith.subf %get3A_44, %sub3A : vector<16x4096xf32>
      %integer_pow3A = arith.mulf %sub3A_45, %sub3A_45 : vector<16x4096xf32>
      %get3A_46 = arith.constant 0 : index
      %get3A_47 = arith.constant 0 : index
      %get3A_48 = vector.load %arg1[%get3A_46, %get3A_47] : memref<16x4096xf32, #tpu.memory_space<vmem>>, vector<16x4096xf32>
      %sub3A_49 = vector.broadcast %broadcast_in_dim3A_34 : vector<16x1xf32> to vector<16x4096xf32>
      %sub3A_50 = arith.subf %get3A_48, %sub3A_49 : vector<16x4096xf32>
      %integer_pow3A_51 = arith.mulf %sub3A_50, %sub3A_50 : vector<16x4096xf32>
      %add3A = arith.addf %integer_pow3A, %integer_pow3A_51 : vector<16x4096xf32>
      %get3A_52 = arith.constant 0 : index
      %get3A_53 = arith.constant 0 : index
      %get3A_54 = vector.load %arg2[%get3A_52, %get3A_53] : memref<16x4096xf32, #tpu.memory_space<vmem>>, vector<16x4096xf32>
      %sub3A_55 = vector.broadcast %broadcast_in_dim3A_41 : vector<16x1xf32> to vector<16x4096xf32>
      %sub3A_56 = arith.subf %get3A_54, %sub3A_55 : vector<16x4096xf32>
      %integer_pow3A_57 = arith.mulf %sub3A_56, %sub3A_56 : vector<16x4096xf32>
      %add3A_58 = arith.addf %add3A, %integer_pow3A_57 : vector<16x4096xf32>
      %min3A = arith.minimumf %scan3A_14, %add3A_58 : vector<16x4096xf32>
      %reduce_max3A = arith.constant dense<0xFF800000> : vector<16xf32>
      %reduce_max3A_59 = vector.multi_reduction <maximumf>, %min3A, %reduce_max3A [1] : vector<16x4096xf32> to vector<16xf32>
      %broadcast_in_dim3A_60 = vector.shape_cast %reduce_max3A_59 : vector<16xf32> to vector<16x1xf32>
      %eq3A_61 = vector.broadcast %broadcast_in_dim3A_60 : vector<16x1xf32> to vector<16x4096xf32>
      %eq3A_62 = arith.cmpf oeq, %min3A, %eq3A_61 : vector<16x4096xf32>
      %jit3A = arith.constant 4096 : i32
      %broadcast_in_dim3A_63 = vector.broadcast %jit3A : i32 to vector<16x4096xi32>
      %select_n3A_64 = arith.select %eq3A_62, %iota3A, %broadcast_in_dim3A_63 : vector<16x4096xi1>, vector<16x4096xi32>
      %reduce_min3A = arith.constant dense<2147483647> : vector<16xi32>
      %reduce_min3A_65 = vector.multi_reduction <minsi>, %select_n3A_64, %reduce_min3A [1] : vector<16x4096xi32> to vector<16xi32>
      %broadcast_in_dim3A_66 = vector.shape_cast %reduce_min3A_65 : vector<16xi32> to vector<16x1xi32>
      scf.yield %min3A, %broadcast_in_dim3A_66, %select_n3A : vector<16x4096xf32>, vector<16x1xi32>, vector<16x1024xi32>
    }
    %scan3A_10 = arith.constant 1024 : i32
    %swap3A = arith.constant 0 : index
    %swap3A_11 = arith.constant 0 : index
    %swap3A_12 = vector.load %arg4[%swap3A, %swap3A_11] : memref<16x1024xi32, #tpu.memory_space<vmem>>, vector<16x1024xi32>
    tpu.vector_store %arg4[%swap3A, %swap3A_11], %scan3A_9#2 {strides = array<i32>} : memref<16x1024xi32, #tpu.memory_space<vmem>>, vector<16x1024xi32>,
    return
  }
}

module attributes {stable_mosaic.version = 14 : i64} {
  func.func @_sqmask_body(%arg0: i32, %arg1: i32, %arg2: memref<1x9x256xf32, #tpu.memory_space<vmem>>, %arg3: memref<1x3x4096xf32, #tpu.memory_space<vmem>>, %arg4: memref<4096x256xf32, #tpu.memory_space<vmem>>, %arg5: memref<1x256x256xf32, #tpu.memory_space<vmem>>) attributes {dimension_semantics = [#tpu.dimension_semantics<arbitrary>, #tpu.dimension_semantics<arbitrary>], iteration_bounds = array<i64: 16, 4>, scalar_prefetch = 0 : i64, scratch_operands = 0 : i64, tpu.core_type = #tpu.core_type<tc>, window_params = [{transform_indices = @transform_0, window_bounds = array<i64: 1, 9, 256>}, {transform_indices = @transform_1, window_bounds = array<i64: 1, 3, 4096>}, {pipeline_mode = #tpu.pipeline_mode<synchronous>, transform_indices = @transform_2, window_bounds = array<i64: 4096, 256>}, {transform_indices = @transform_3, window_bounds = array<i64: 1, 256, 256>}]} {
    %get3A = arith.constant 0 : index
    %get3A_0 = arith.constant 0 : index
    %get3A_1 = arith.constant 0 : index
    %get3A_2 = vector.load %arg2[%get3A, %get3A_0, %get3A_1] : memref<1x9x256xf32, #tpu.memory_space<vmem>>, vector<1x9x256xf32>
    %get3A_3 = vector.shape_cast %get3A_2 : vector<1x9x256xf32> to vector<9x256xf32>
    %slice3A = vector.extract_strided_slice %get3A_3 {offsets = [0, 0], sizes = [3, 256], strides = [1, 1]} : vector<9x256xf32> to vector<3x256xf32>
    %transpose3A = tpu.transpose %slice3A, [1, 0] : vector<3x256xf32> -> vector<256x3xf32>
    %get3A_4 = arith.constant 0 : index
    %get3A_5 = arith.constant 0 : index
    %get3A_6 = arith.constant 0 : index
    %get3A_7 = vector.load %arg3[%get3A_4, %get3A_5, %get3A_6] : memref<1x3x4096xf32, #tpu.memory_space<vmem>>, vector<1x3x4096xf32>
    %get3A_8 = vector.shape_cast %get3A_7 : vector<1x3x4096xf32> to vector<3x4096xf32>
    %dot_general3A = arith.constant dense<0.000000e+00> : vector<256x4096xf32>
    %dot_general3A_9 = tpu.matmul %transpose3A, %get3A_8, %dot_general3A {dimension_numbers = #tpu.dot_dimension_numbers<[1], [0], [0], [1], [0, 0, 1, 1], [], []>, transpose_lhs_hint = false} : vector<256x3xf32>, vector<3x4096xf32>, vector<256x4096xf32> -> vector<256x4096xf32>
    %mul3A = arith.mulf %transpose3A, %transpose3A : vector<256x3xf32>
    %slice3A_10 = vector.extract_strided_slice %mul3A {offsets = [0, 0], sizes = [256, 1], strides = [1, 1]} : vector<256x3xf32> to vector<256x1xf32>
    %slice3A_11 = vector.extract_strided_slice %mul3A {offsets = [0, 1], sizes = [256, 1], strides = [1, 1]} : vector<256x3xf32> to vector<256x1xf32>
    %add3A = arith.addf %slice3A_10, %slice3A_11 : vector<256x1xf32>
    %slice3A_12 = vector.extract_strided_slice %mul3A {offsets = [0, 2], sizes = [256, 1], strides = [1, 1]} : vector<256x3xf32> to vector<256x1xf32>
    %add3A_13 = arith.addf %add3A, %slice3A_12 : vector<256x1xf32>
    %mul3A_14 = arith.mulf %get3A_8, %get3A_8 : vector<3x4096xf32>
    %slice3A_15 = vector.extract_strided_slice %mul3A_14 {offsets = [0, 0], sizes = [1, 4096], strides = [1, 1]} : vector<3x4096xf32> to vector<1x4096xf32>
    %slice3A_16 = vector.extract_strided_slice %mul3A_14 {offsets = [1, 0], sizes = [1, 4096], strides = [1, 1]} : vector<3x4096xf32> to vector<1x4096xf32>
    %add3A_17 = arith.addf %slice3A_15, %slice3A_16 : vector<1x4096xf32>
    %slice3A_18 = vector.extract_strided_slice %mul3A_14 {offsets = [2, 0], sizes = [1, 4096], strides = [1, 1]} : vector<3x4096xf32> to vector<1x4096xf32>
    %add3A_19 = arith.addf %add3A_17, %slice3A_18 : vector<1x4096xf32>
    %mul3A_20 = arith.constant -2.000000e+00 : f32
    %mul3A_21 = vector.broadcast %mul3A_20 : f32 to vector<256x4096xf32>
    %mul3A_22 = arith.mulf %mul3A_21, %dot_general3A_9 : vector<256x4096xf32>
    %add3A_23 = vector.broadcast %add3A_13 : vector<256x1xf32> to vector<256x4096xf32>
    %add3A_24 = arith.addf %mul3A_22, %add3A_23 : vector<256x4096xf32>
    %add3A_25 = vector.broadcast %add3A_19 : vector<1x4096xf32> to vector<256x4096xf32>
    %add3A_26 = arith.addf %add3A_24, %add3A_25 : vector<256x4096xf32>
    %gt3A = arith.constant 4.000000e-02 : f32
    %gt3A_27 = vector.broadcast %gt3A : f32 to vector<256x4096xf32>
    %gt3A_28 = arith.cmpf ogt, %add3A_26, %gt3A_27 : vector<256x4096xf32>
    %not3A = arith.constant dense<true> : vector<256x4096xi1>
    %not3A_29 = arith.xori %gt3A_28, %not3A : vector<256x4096xi1>
    %convert_element_type3A = arith.extui %not3A_29 : vector<256x4096xi1> to vector<256x4096xi32>
    %convert_element_type3A_30 = arith.sitofp %convert_element_type3A : vector<256x4096xi32> to vector<256x4096xf32>
    %get3A_31 = arith.constant 0 : index
    %get3A_32 = arith.constant 0 : index
    %get3A_33 = vector.load %arg4[%get3A_31, %get3A_32] : memref<4096x256xf32, #tpu.memory_space<vmem>>, vector<4096x256xf32>
    %dot_general3A_34 = arith.constant dense<0.000000e+00> : vector<256x256xf32>
    %dot_general3A_35 = tpu.matmul %convert_element_type3A_30, %get3A_33, %dot_general3A_34 {dimension_numbers = #tpu.dot_dimension_numbers<[1], [0], [0], [1], [0, 0, 1, 1], [], []>, transpose_lhs_hint = false} : vector<256x4096xf32>, vector<4096x256xf32>, vector<256x256xf32> -> vector<256x256xf32>
    %swap3A = arith.constant 0 : index
    %swap3A_36 = arith.constant 0 : index
    %swap3A_37 = arith.constant 0 : index
    %swap3A_38 = vector.load %arg5[%swap3A, %swap3A_36, %swap3A_37] : memref<1x256x256xf32, #tpu.memory_space<vmem>>, vector<1x256x256xf32>
    %swap3A_39 = vector.shape_cast %swap3A_38 : vector<1x256x256xf32> to vector<256x256xf32>
    %swap3A_40 = vector.shape_cast %dot_general3A_35 : vector<256x256xf32> to vector<1x256x256xf32>
    tpu.vector_store %arg5[%swap3A, %swap3A_36, %swap3A_37], %swap3A_40 {strides = array<i32>} : memref<1x256x256xf32, #tpu.memory_space<vmem>>, vector<1x256x256xf32>,
    return
  }
  func.func @transform_0(%arg0: i32, %arg1: i32) -> (i32, i32, i32) {
    %c0_i32 = arith.constant 0 : i32
    %c0_i32_0 = arith.constant 0 : i32
    return %arg0, %c0_i32, %arg1 : i32, i32, i32
  }
  func.func @transform_1(%arg0: i32, %arg1: i32) -> (i32, i32, i32) {
    %c0_i32 = arith.constant 0 : i32
    %c0_i32_0 = arith.constant 0 : i32
    %c0_i32_1 = arith.constant 0 : i32
    return %arg0, %c0_i32, %c0_i32_0 : i32, i32, i32
  }
  func.func @transform_2(%arg0: i32, %arg1: i32) -> (i32, i32) {
    %c0_i32 = arith.constant 0 : i32
    %c0_i32_0 = arith.constant 0 : i32
    %c0_i32_1 = arith.constant 0 : i32
    return %c0_i32, %c0_i32_0 : i32, i32
  }
  func.func @transform_3(%arg0: i32, %arg1: i32) -> (i32, i32, i32) {
    %c0_i32 = arith.constant 0 : i32
    %c0_i32_0 = arith.constant 0 : i32
    return %arg0, %arg1, %c0_i32 : i32, i32, i32
  }
}

module attributes {stable_mosaic.version = 14 : i64} {
  func.func @body(%arg0: i32, %arg1: i32, %arg2: memref<1x9x4096xf32, #tpu.memory_space<vmem>>, %arg3: memref<1x9x128xf32, #tpu.memory_space<vmem>>, %arg4: memref<9x32xf32, #tpu.memory_space<vmem>>, %arg5: memref<32x32xf32, #tpu.memory_space<vmem>>, %arg6: memref<32x64xf32, #tpu.memory_space<vmem>>, %arg7: memref<1x32xf32, #tpu.memory_space<vmem>>, %arg8: memref<1x32xf32, #tpu.memory_space<vmem>>, %arg9: memref<1x64xf32, #tpu.memory_space<vmem>>, %arg10: memref<1x32xf32, #tpu.memory_space<vmem>>, %arg11: memref<1x32xf32, #tpu.memory_space<vmem>>, %arg12: memref<1x64xf32, #tpu.memory_space<vmem>>, %arg13: memref<1x32xf32, #tpu.memory_space<vmem>>, %arg14: memref<1x32xf32, #tpu.memory_space<vmem>>, %arg15: memref<1x64xf32, #tpu.memory_space<vmem>>, %arg16: memref<3x64xf32, #tpu.memory_space<vmem>>, %arg17: memref<64x64xf32, #tpu.memory_space<vmem>>, %arg18: memref<1x128x64xf32, #tpu.memory_space<vmem>>) attributes {dimension_semantics = [#tpu.dimension_semantics<arbitrary>, #tpu.dimension_semantics<arbitrary>], iteration_bounds = array<i64: 16, 8>, scalar_prefetch = 0 : i64, scratch_operands = 0 : i64, tpu.core_type = #tpu.core_type<tc>, window_params = [{transform_indices = @transform_0, window_bounds = array<i64: 1, 9, 4096>}, {transform_indices = @transform_1, window_bounds = array<i64: 1, 9, 128>}, {pipeline_mode = #tpu.pipeline_mode<synchronous>, transform_indices = @transform_2, window_bounds = array<i64: 9, 32>}, {pipeline_mode = #tpu.pipeline_mode<synchronous>, transform_indices = @transform_3, window_bounds = array<i64: 32, 32>}, {pipeline_mode = #tpu.pipeline_mode<synchronous>, transform_indices = @transform_4, window_bounds = array<i64: 32, 64>}, {pipeline_mode = #tpu.pipeline_mode<synchronous>, transform_indices = @transform_5, window_bounds = array<i64: 1, 32>}, {pipeline_mode = #tpu.pipeline_mode<synchronous>, transform_indices = @transform_6, window_bounds = array<i64: 1, 32>}, {pipeline_mode = #tpu.pipeline_mode<synchronous>, transform_indices = @transform_7, window_bounds = array<i64: 1, 64>}, {pipeline_mode = #tpu.pipeline_mode<synchronous>, transform_indices = @transform_8, window_bounds = array<i64: 1, 32>}, {pipeline_mode = #tpu.pipeline_mode<synchronous>, transform_indices = @transform_9, window_bounds = array<i64: 1, 32>}, {pipeline_mode = #tpu.pipeline_mode<synchronous>, transform_indices = @transform_10, window_bounds = array<i64: 1, 64>}, {pipeline_mode = #tpu.pipeline_mode<synchronous>, transform_indices = @transform_11, window_bounds = array<i64: 1, 32>}, {pipeline_mode = #tpu.pipeline_mode<synchronous>, transform_indices = @transform_12, window_bounds = array<i64: 1, 32>}, {pipeline_mode = #tpu.pipeline_mode<synchronous>, transform_indices = @transform_13, window_bounds = array<i64: 1, 64>}, {pipeline_mode = #tpu.pipeline_mode<synchronous>, transform_indices = @transform_14, window_bounds = array<i64: 3, 64>}, {pipeline_mode = #tpu.pipeline_mode<synchronous>, transform_indices = @transform_15, window_bounds = array<i64: 64, 64>}, {transform_indices = @transform_16, window_bounds = array<i64: 1, 128, 64>}]} {
    %get3A = arith.constant 0 : index
    %get3A_0 = arith.constant 0 : index
    %get3A_1 = arith.constant 0 : index
    %get3A_2 = vector.load %arg2[%get3A, %get3A_0, %get3A_1] : memref<1x9x4096xf32, #tpu.memory_space<vmem>>, vector<1x9x4096xf32>
    %get3A_3 = vector.shape_cast %get3A_2 : vector<1x9x4096xf32> to vector<9x4096xf32>
    %transpose3A = tpu.transpose %get3A_3, [1, 0] : vector<9x4096xf32> -> vector<4096x9xf32>
    %get3A_4 = arith.constant 0 : index
    %get3A_5 = arith.constant 0 : index
    %get3A_6 = arith.constant 0 : index
    %get3A_7 = vector.load %arg3[%get3A_4, %get3A_5, %get3A_6] : memref<1x9x128xf32, #tpu.memory_space<vmem>>, vector<1x9x128xf32>
    %get3A_8 = vector.shape_cast %get3A_7 : vector<1x9x128xf32> to vector<9x128xf32>
    %transpose3A_9 = tpu.transpose %get3A_8, [1, 0] : vector<9x128xf32> -> vector<128x9xf32>
    %get3A_10 = arith.constant 0 : index
    %get3A_11 = arith.constant 0 : index
    %get3A_12 = vector.load %arg4[%get3A_10, %get3A_11] : memref<9x32xf32, #tpu.memory_space<vmem>>, vector<9x32xf32>
    %get3A_13 = arith.constant 0 : index
    %get3A_14 = arith.constant 0 : index
    %get3A_15 = vector.load %arg7[%get3A_13, %get3A_14] : memref<1x32xf32, #tpu.memory_space<vmem>>, vector<1x32xf32>
    %get3A_16 = arith.constant 0 : index
    %get3A_17 = arith.constant 0 : index
    %get3A_18 = vector.load %arg10[%get3A_16, %get3A_17] : memref<1x32xf32, #tpu.memory_space<vmem>>, vector<1x32xf32>
    %get3A_19 = arith.constant 0 : index
    %get3A_20 = arith.constant 0 : index
    %get3A_21 = vector.load %arg13[%get3A_19, %get3A_20] : memref<1x32xf32, #tpu.memory_space<vmem>>, vector<1x32xf32>
    %dot_general3A = arith.constant dense<0.000000e+00> : vector<4096x32xf32>
    %dot_general3A_22 = tpu.matmul %transpose3A, %get3A_12, %dot_general3A {dimension_numbers = #tpu.dot_dimension_numbers<[1], [0], [0], [1], [0, 0, 1, 1], [], []>, transpose_lhs_hint = false} : vector<4096x9xf32>, vector<9x32xf32>, vector<4096x32xf32> -> vector<4096x32xf32>
    %add3A = vector.broadcast %get3A_15 : vector<1x32xf32> to vector<4096x32xf32>
    %add3A_23 = arith.addf %dot_general3A_22, %add3A : vector<4096x32xf32>
    %mul3A = vector.broadcast %get3A_18 : vector<1x32xf32> to vector<4096x32xf32>
    %mul3A_24 = arith.mulf %add3A_23, %mul3A : vector<4096x32xf32>
    %add3A_25 = vector.broadcast %get3A_21 : vector<1x32xf32> to vector<4096x32xf32>
    %add3A_26 = arith.addf %mul3A_24, %add3A_25 : vector<4096x32xf32>
    %max3A = arith.constant 0.000000e+00 : f32
    %max3A_27 = vector.broadcast %max3A : f32 to vector<4096x32xf32>
    %max3A_28 = arith.maximumf %add3A_26, %max3A_27 : vector<4096x32xf32>
    %dot_general3A_29 = arith.constant dense<0.000000e+00> : vector<128x32xf32>
    %dot_general3A_30 = tpu.matmul %transpose3A_9, %get3A_12, %dot_general3A_29 {dimension_numbers = #tpu.dot_dimension_numbers<[1], [0], [0], [1], [0, 0, 1, 1], [], []>, transpose_lhs_hint = false} : vector<128x9xf32>, vector<9x32xf32>, vector<128x32xf32> -> vector<128x32xf32>
    %add3A_31 = vector.broadcast %get3A_15 : vector<1x32xf32> to vector<128x32xf32>
    %add3A_32 = arith.addf %dot_general3A_30, %add3A_31 : vector<128x32xf32>
    %mul3A_33 = vector.broadcast %get3A_18 : vector<1x32xf32> to vector<128x32xf32>
    %mul3A_34 = arith.mulf %add3A_32, %mul3A_33 : vector<128x32xf32>
    %add3A_35 = vector.broadcast %get3A_21 : vector<1x32xf32> to vector<128x32xf32>
    %add3A_36 = arith.addf %mul3A_34, %add3A_35 : vector<128x32xf32>
    %max3A_37 = arith.constant 0.000000e+00 : f32
    %max3A_38 = vector.broadcast %max3A_37 : f32 to vector<128x32xf32>
    %max3A_39 = arith.maximumf %add3A_36, %max3A_38 : vector<128x32xf32>
    %get3A_40 = arith.constant 0 : index
    %get3A_41 = arith.constant 0 : index
    %get3A_42 = vector.load %arg5[%get3A_40, %get3A_41] : memref<32x32xf32, #tpu.memory_space<vmem>>, vector<32x32xf32>
    %get3A_43 = arith.constant 0 : index
    %get3A_44 = arith.constant 0 : index
    %get3A_45 = vector.load %arg8[%get3A_43, %get3A_44] : memref<1x32xf32, #tpu.memory_space<vmem>>, vector<1x32xf32>
    %get3A_46 = arith.constant 0 : index
    %get3A_47 = arith.constant 0 : index
    %get3A_48 = vector.load %arg11[%get3A_46, %get3A_47] : memref<1x32xf32, #tpu.memory_space<vmem>>, vector<1x32xf32>
    %get3A_49 = arith.constant 0 : index
    %get3A_50 = arith.constant 0 : index
    %get3A_51 = vector.load %arg14[%get3A_49, %get3A_50] : memref<1x32xf32, #tpu.memory_space<vmem>>, vector<1x32xf32>
    %dot_general3A_52 = arith.constant dense<0.000000e+00> : vector<4096x32xf32>
    %dot_general3A_53 = tpu.matmul %max3A_28, %get3A_42, %dot_general3A_52 {dimension_numbers = #tpu.dot_dimension_numbers<[1], [0], [0], [1], [0, 0, 1, 1], [], []>, transpose_lhs_hint = false} : vector<4096x32xf32>, vector<32x32xf32>, vector<4096x32xf32> -> vector<4096x32xf32>
    %add3A_54 = vector.broadcast %get3A_45 : vector<1x32xf32> to vector<4096x32xf32>
    %add3A_55 = arith.addf %dot_general3A_53, %add3A_54 : vector<4096x32xf32>
    %mul3A_56 = vector.broadcast %get3A_48 : vector<1x32xf32> to vector<4096x32xf32>
    %mul3A_57 = arith.mulf %add3A_55, %mul3A_56 : vector<4096x32xf32>
    %add3A_58 = vector.broadcast %get3A_51 : vector<1x32xf32> to vector<4096x32xf32>
    %add3A_59 = arith.addf %mul3A_57, %add3A_58 : vector<4096x32xf32>
    %max3A_60 = arith.constant 0.000000e+00 : f32
    %max3A_61 = vector.broadcast %max3A_60 : f32 to vector<4096x32xf32>
    %max3A_62 = arith.maximumf %add3A_59, %max3A_61 : vector<4096x32xf32>
    %dot_general3A_63 = arith.constant dense<0.000000e+00> : vector<128x32xf32>
    %dot_general3A_64 = tpu.matmul %max3A_39, %get3A_42, %dot_general3A_63 {dimension_numbers = #tpu.dot_dimension_numbers<[1], [0], [0], [1], [0, 0, 1, 1], [], []>, transpose_lhs_hint = false} : vector<128x32xf32>, vector<32x32xf32>, vector<128x32xf32> -> vector<128x32xf32>
    %add3A_65 = vector.broadcast %get3A_45 : vector<1x32xf32> to vector<128x32xf32>
    %add3A_66 = arith.addf %dot_general3A_64, %add3A_65 : vector<128x32xf32>
    %mul3A_67 = vector.broadcast %get3A_48 : vector<1x32xf32> to vector<128x32xf32>
    %mul3A_68 = arith.mulf %add3A_66, %mul3A_67 : vector<128x32xf32>
    %add3A_69 = vector.broadcast %get3A_51 : vector<1x32xf32> to vector<128x32xf32>
    %add3A_70 = arith.addf %mul3A_68, %add3A_69 : vector<128x32xf32>
    %max3A_71 = arith.constant 0.000000e+00 : f32
    %max3A_72 = vector.broadcast %max3A_71 : f32 to vector<128x32xf32>
    %max3A_73 = arith.maximumf %add3A_70, %max3A_72 : vector<128x32xf32>
    %get3A_74 = arith.constant 0 : index
    %get3A_75 = arith.constant 0 : index
    %get3A_76 = vector.load %arg6[%get3A_74, %get3A_75] : memref<32x64xf32, #tpu.memory_space<vmem>>, vector<32x64xf32>
    %get3A_77 = arith.constant 0 : index
    %get3A_78 = arith.constant 0 : index
    %get3A_79 = vector.load %arg9[%get3A_77, %get3A_78] : memref<1x64xf32, #tpu.memory_space<vmem>>, vector<1x64xf32>
    %get3A_80 = arith.constant 0 : index
    %get3A_81 = arith.constant 0 : index
    %get3A_82 = vector.load %arg12[%get3A_80, %get3A_81] : memref<1x64xf32, #tpu.memory_space<vmem>>, vector<1x64xf32>
    %get3A_83 = arith.constant 0 : index
    %get3A_84 = arith.constant 0 : index
    %get3A_85 = vector.load %arg15[%get3A_83, %get3A_84] : memref<1x64xf32, #tpu.memory_space<vmem>>, vector<1x64xf32>
    %dot_general3A_86 = arith.constant dense<0.000000e+00> : vector<4096x64xf32>
    %dot_general3A_87 = tpu.matmul %max3A_62, %get3A_76, %dot_general3A_86 {dimension_numbers = #tpu.dot_dimension_numbers<[1], [0], [0], [1], [0, 0, 1, 1], [], []>, transpose_lhs_hint = false} : vector<4096x32xf32>, vector<32x64xf32>, vector<4096x64xf32> -> vector<4096x64xf32>
    %add3A_88 = vector.broadcast %get3A_79 : vector<1x64xf32> to vector<4096x64xf32>
    %add3A_89 = arith.addf %dot_general3A_87, %add3A_88 : vector<4096x64xf32>
    %mul3A_90 = vector.broadcast %get3A_82 : vector<1x64xf32> to vector<4096x64xf32>
    %mul3A_91 = arith.mulf %add3A_89, %mul3A_90 : vector<4096x64xf32>
    %add3A_92 = vector.broadcast %get3A_85 : vector<1x64xf32> to vector<4096x64xf32>
    %add3A_93 = arith.addf %mul3A_91, %add3A_92 : vector<4096x64xf32>
    %max3A_94 = arith.constant 0.000000e+00 : f32
    %max3A_95 = vector.broadcast %max3A_94 : f32 to vector<4096x64xf32>
    %max3A_96 = arith.maximumf %add3A_93, %max3A_95 : vector<4096x64xf32>
    %dot_general3A_97 = arith.constant dense<0.000000e+00> : vector<128x64xf32>
    %dot_general3A_98 = tpu.matmul %max3A_73, %get3A_76, %dot_general3A_97 {dimension_numbers = #tpu.dot_dimension_numbers<[1], [0], [0], [1], [0, 0, 1, 1], [], []>, transpose_lhs_hint = false} : vector<128x32xf32>, vector<32x64xf32>, vector<128x64xf32> -> vector<128x64xf32>
    %add3A_99 = vector.broadcast %get3A_79 : vector<1x64xf32> to vector<128x64xf32>
    %add3A_100 = arith.addf %dot_general3A_98, %add3A_99 : vector<128x64xf32>
    %mul3A_101 = vector.broadcast %get3A_82 : vector<1x64xf32> to vector<128x64xf32>
    %mul3A_102 = arith.mulf %add3A_100, %mul3A_101 : vector<128x64xf32>
    %add3A_103 = vector.broadcast %get3A_85 : vector<1x64xf32> to vector<128x64xf32>
    %add3A_104 = arith.addf %mul3A_102, %add3A_103 : vector<128x64xf32>
    %max3A_105 = arith.constant 0.000000e+00 : f32
    %max3A_106 = vector.broadcast %max3A_105 : f32 to vector<128x64xf32>
    %max3A_107 = arith.maximumf %add3A_104, %max3A_106 : vector<128x64xf32>
    %slice3A = vector.extract_strided_slice %transpose3A {offsets = [0, 0], sizes = [4096, 3], strides = [1, 1]} : vector<4096x9xf32> to vector<4096x3xf32>
    %neg3A = arith.constant 0.000000e+00 : f32
    %neg3A_108 = vector.broadcast %neg3A : f32 to vector<4096x3xf32>
    %neg3A_109 = arith.subf %neg3A_108, %slice3A : vector<4096x3xf32>
    %get3A_110 = arith.constant 0 : index
    %get3A_111 = arith.constant 0 : index
    %get3A_112 = vector.load %arg16[%get3A_110, %get3A_111] : memref<3x64xf32, #tpu.memory_space<vmem>>, vector<3x64xf32>
    %dot_general3A_113 = arith.constant dense<0.000000e+00> : vector<4096x64xf32>
    %dot_general3A_114 = tpu.matmul %neg3A_109, %get3A_112, %dot_general3A_113 {dimension_numbers = #tpu.dot_dimension_numbers<[1], [0], [0], [1], [0, 0, 1, 1], [], []>, transpose_lhs_hint = false} : vector<4096x3xf32>, vector<3x64xf32>, vector<4096x64xf32> -> vector<4096x64xf32>
    %get3A_115 = arith.constant 0 : index
    %get3A_116 = arith.constant 0 : index
    %get3A_117 = vector.load %arg17[%get3A_115, %get3A_116] : memref<64x64xf32, #tpu.memory_space<vmem>>, vector<64x64xf32>
    %dot_general3A_118 = arith.constant dense<0.000000e+00> : vector<4096x64xf32>
    %dot_general3A_119 = tpu.matmul %max3A_96, %get3A_117, %dot_general3A_118 {dimension_numbers = #tpu.dot_dimension_numbers<[1], [0], [0], [1], [0, 0, 1, 1], [], []>, transpose_lhs_hint = false} : vector<4096x64xf32>, vector<64x64xf32>, vector<4096x64xf32> -> vector<4096x64xf32>
    %get3A_120 = arith.constant 0 : index
    %get3A_121 = arith.constant 0 : index
    %get3A_122 = vector.load %arg17[%get3A_120, %get3A_121] : memref<64x64xf32, #tpu.memory_space<vmem>>, vector<64x64xf32>
    %dot_general3A_123 = arith.constant dense<0.000000e+00> : vector<128x64xf32>
    %dot_general3A_124 = tpu.matmul %max3A_107, %get3A_122, %dot_general3A_123 {dimension_numbers = #tpu.dot_dimension_numbers<[1], [0], [0], [1], [0, 0, 1, 1], [], []>, transpose_lhs_hint = false} : vector<128x64xf32>, vector<64x64xf32>, vector<128x64xf32> -> vector<128x64xf32>
    %sub3A = arith.subf %dot_general3A_114, %dot_general3A_119 : vector<4096x64xf32>
    %reshape3A = vector.shape_cast %sub3A : vector<4096x64xf32> to vector<128x32x64xf32>
    %reshape3A_125 = vector.shape_cast %dot_general3A_124 : vector<128x64xf32> to vector<128x1x64xf32>
    %add3A_126 = vector.broadcast %reshape3A_125 : vector<128x1x64xf32> to vector<128x32x64xf32>
    %add3A_127 = arith.addf %reshape3A, %add3A_126 : vector<128x32x64xf32>
    %ge3A = arith.constant 0.000000e+00 : f32
    %ge3A_128 = vector.broadcast %ge3A : f32 to vector<128x32x64xf32>
    %ge3A_129 = arith.cmpf oge, %add3A_127, %ge3A_128 : vector<128x32x64xf32>
    %mul3A_130 = arith.constant 2.000000e-01 : f32
    %mul3A_131 = vector.broadcast %mul3A_130 : f32 to vector<128x32x64xf32>
    %mul3A_132 = arith.mulf %mul3A_131, %add3A_127 : vector<128x32x64xf32>
    %select_n3A = arith.select %ge3A_129, %add3A_127, %mul3A_132 : vector<128x32x64xi1>, vector<128x32x64xf32>
    %reduce_max3A = arith.constant dense<0xFF800000> : vector<128x64xf32>
    %reduce_max3A_133 = vector.multi_reduction <maximumf>, %select_n3A, %reduce_max3A [1] : vector<128x32x64xf32> to vector<128x64xf32>
    %broadcast_in_dim3A = vector.shape_cast %reduce_max3A_133 : vector<128x64xf32> to vector<128x1x64xf32>
    %sub3A_134 = vector.broadcast %broadcast_in_dim3A : vector<128x1x64xf32> to vector<128x32x64xf32>
    %sub3A_135 = arith.subf %select_n3A, %sub3A_134 : vector<128x32x64xf32>
    %exp3A = math.exp %sub3A_135 : vector<128x32x64xf32>
    %reduce_sum3A = arith.constant dense<0.000000e+00> : vector<128x64xf32>
    %reduce_sum3A_136 = vector.multi_reduction <add>, %exp3A, %reduce_sum3A [1] : vector<128x32x64xf32> to vector<128x64xf32>
    %broadcast_in_dim3A_137 = vector.shape_cast %reduce_sum3A_136 : vector<128x64xf32> to vector<128x1x64xf32>
    %div3A = vector.broadcast %broadcast_in_dim3A_137 : vector<128x1x64xf32> to vector<128x32x64xf32>
    %div3A_138 = arith.divf %exp3A, %div3A : vector<128x32x64xf32>
    %reshape3A_139 = vector.shape_cast %max3A_96 : vector<4096x64xf32> to vector<128x32x64xf32>
    %mul3A_140 = arith.mulf %div3A_138, %reshape3A_139 : vector<128x32x64xf32>
    %reduce_sum3A_141 = arith.constant dense<0.000000e+00> : vector<128x64xf32>
    %reduce_sum3A_142 = vector.multi_reduction <add>, %mul3A_140, %reduce_sum3A_141 [1] : vector<128x32x64xf32> to vector<128x64xf32>
    %swap3A = arith.constant 0 : index
    %swap3A_143 = arith.constant 0 : index
    %swap3A_144 = arith.constant 0 : index
    %swap3A_145 = vector.load %arg18[%swap3A, %swap3A_143, %swap3A_144] : memref<1x128x64xf32, #tpu.memory_space<vmem>>, vector<1x128x64xf32>
    %swap3A_146 = vector.shape_cast %swap3A_145 : vector<1x128x64xf32> to vector<128x64xf32>
    %swap3A_147 = vector.shape_cast %reduce_sum3A_142 : vector<128x64xf32> to vector<1x128x64xf32>
    tpu.vector_store %arg18[%swap3A, %swap3A_143, %swap3A_144], %swap3A_147 {strides = array<i32>} : memref<1x128x64xf32, #tpu.memory_space<vmem>>, vector<1x128x64xf32>,
    return
  }
  func.func @transform_0(%arg0: i32, %arg1: i32) -> (i32, i32, i32) {
    %c0_i32 = arith.constant 0 : i32
    %c0_i32_0 = arith.constant 0 : i32
    return %arg0, %c0_i32, %arg1 : i32, i32, i32
  }
  func.func @transform_1(%arg0: i32, %arg1: i32) -> (i32, i32, i32) {
    %c0_i32 = arith.constant 0 : i32
    %c0_i32_0 = arith.constant 0 : i32
    return %arg0, %c0_i32, %arg1 : i32, i32, i32
  }
  func.func @transform_2(%arg0: i32, %arg1: i32) -> (i32, i32) {
    %c0_i32 = arith.constant 0 : i32
    %c0_i32_0 = arith.constant 0 : i32
    %c0_i32_1 = arith.constant 0 : i32
    return %c0_i32, %c0_i32_0 : i32, i32
  }
  func.func @transform_3(%arg0: i32, %arg1: i32) -> (i32, i32) {
    %c0_i32 = arith.constant 0 : i32
    %c0_i32_0 = arith.constant 0 : i32
    %c0_i32_1 = arith.constant 0 : i32
    return %c0_i32, %c0_i32_0 : i32, i32
  }
  func.func @transform_4(%arg0: i32, %arg1: i32) -> (i32, i32) {
    %c0_i32 = arith.constant 0 : i32
    %c0_i32_0 = arith.constant 0 : i32
    %c0_i32_1 = arith.constant 0 : i32
    return %c0_i32, %c0_i32_0 : i32, i32
  }
  func.func @transform_5(%arg0: i32, %arg1: i32) -> (i32, i32) {
    %c0_i32 = arith.constant 0 : i32
    %c0_i32_0 = arith.constant 0 : i32
    %c0_i32_1 = arith.constant 0 : i32
    return %c0_i32, %c0_i32_0 : i32, i32
  }
  func.func @transform_6(%arg0: i32, %arg1: i32) -> (i32, i32) {
    %c0_i32 = arith.constant 0 : i32
    %c0_i32_0 = arith.constant 0 : i32
    %c0_i32_1 = arith.constant 0 : i32
    return %c0_i32, %c0_i32_0 : i32, i32
  }
  func.func @transform_7(%arg0: i32, %arg1: i32) -> (i32, i32) {
    %c0_i32 = arith.constant 0 : i32
    %c0_i32_0 = arith.constant 0 : i32
    %c0_i32_1 = arith.constant 0 : i32
    return %c0_i32, %c0_i32_0 : i32, i32
  }
  func.func @transform_8(%arg0: i32, %arg1: i32) -> (i32, i32) {
    %c0_i32 = arith.constant 0 : i32
    %c0_i32_0 = arith.constant 0 : i32
    %c0_i32_1 = arith.constant 0 : i32
    return %c0_i32, %c0_i32_0 : i32, i32
  }
  func.func @transform_9(%arg0: i32, %arg1: i32) -> (i32, i32) {
    %c0_i32 = arith.constant 0 : i32
    %c0_i32_0 = arith.constant 0 : i32
    %c0_i32_1 = arith.constant 0 : i32
    return %c0_i32, %c0_i32_0 : i32, i32
  }
  func.func @transform_10(%arg0: i32, %arg1: i32) -> (i32, i32) {
    %c0_i32 = arith.constant 0 : i32
    %c0_i32_0 = arith.constant 0 : i32
    %c0_i32_1 = arith.constant 0 : i32
    return %c0_i32, %c0_i32_0 : i32, i32
  }
  func.func @transform_11(%arg0: i32, %arg1: i32) -> (i32, i32) {
    %c0_i32 = arith.constant 0 : i32
    %c0_i32_0 = arith.constant 0 : i32
    %c0_i32_1 = arith.constant 0 : i32
    return %c0_i32, %c0_i32_0 : i32, i32
  }
  func.func @transform_12(%arg0: i32, %arg1: i32) -> (i32, i32) {
    %c0_i32 = arith.constant 0 : i32
    %c0_i32_0 = arith.constant 0 : i32
    %c0_i32_1 = arith.constant 0 : i32
    return %c0_i32, %c0_i32_0 : i32, i32
  }
  func.func @transform_13(%arg0: i32, %arg1: i32) -> (i32, i32) {
    %c0_i32 = arith.constant 0 : i32
    %c0_i32_0 = arith.constant 0 : i32
    %c0_i32_1 = arith.constant 0 : i32
    return %c0_i32, %c0_i32_0 : i32, i32
  }
  func.func @transform_14(%arg0: i32, %arg1: i32) -> (i32, i32) {
    %c0_i32 = arith.constant 0 : i32
    %c0_i32_0 = arith.constant 0 : i32
    %c0_i32_1 = arith.constant 0 : i32
    return %c0_i32, %c0_i32_0 : i32, i32
  }
  func.func @transform_15(%arg0: i32, %arg1: i32) -> (i32, i32) {
    %c0_i32 = arith.constant 0 : i32
    %c0_i32_0 = arith.constant 0 : i32
    %c0_i32_1 = arith.constant 0 : i32
    return %c0_i32, %c0_i32_0 : i32, i32
  }
  func.func @transform_16(%arg0: i32, %arg1: i32) -> (i32, i32, i32) {
    %c0_i32 = arith.constant 0 : i32
    %c0_i32_0 = arith.constant 0 : i32
    return %arg0, %arg1, %c0_i32 : i32, i32, i32
  }
}

</mosaic_0001>

<sc_bundles>
// kernel: kernel.10.cloned.1.call-start
scs
__scs_entry_jumppad:
0x0: {  	(pc) =	sbr.rel $0x88, $3  }
0x1: {  	(tag) =	ssettag $0x0;
	lr =	simm.s32 $0x1  }
0x2: {  	[smem:$0x3F91] =	sst lr;
	_ =	strace $0xD0000000  }
0x3: {  	_ = 	snop  }
0x4: {  	_ = 	snop  }
0x5: {  	_ = 	snop  }
0x6: {  	_ = 	snop  }
0x7: {  	_ = 	snop  }
__scs_overlays_trampoline_lowered:
0x8: {  	[smem:$0x3FA0] =	sst s0  }
0x9: {  	[smem:$0x3FA1] =	sst s1  }
0xa: {  	[smem:$0x3FA2] =	sst s2  }
0xb: {  	[smem:$0x3FA3] =	sst s3  }
0xc: {  	[smem:$0x3FA4] =	sst s4  }
0xd: {  	[smem:$0x3FA5] =	sst s5  }
0xe: {  	[smem:$0x3FA6] =	sst s6  }
0xf: {  	[smem:$0x3FA7] =	sst s7  }
0x10: {  	[smem:$0x3FA8] =	sst s8  }
0x11: {  	[smem:$0x3FA9] =	sst s9;
	s0 =	simm.s32 @!p0 $0x0  }
0x12: {  	s1 =	sld [smem:$0x3F8F];
	s0 =	simm.s32 @p0 $0x1  }
0x13: {  	[smem:$0x3FAA] =	sst s0;
	s0 =	simm.s32 @!p1 $0x0  }
0x14: {  	s2 =	sld [smem:$0x3F8E];
	s0 =	simm.s32 @p1 $0x1  }
0x15: {  	[smem:$0x3FAB] =	sst s0;
	s0 =	simm.s32 @!p2 $0x0  }
0x16: {  	s3 =	sld [smem:$0x3FDB];
	s0 =	simm.s32 @p2 $0x1  }
0x17: {  	s4 =	simm.s32 $0x1BF5;
	[smem:$0x3FAD] =	sst s0  }
0x18: {  	s0 =	sld [smem:$0x3F90];
	_ =	swait.ge [sflag:s4], $0x0  }
0x19: {  	s7 =	sld [smem:$0x3F91]  }
0x1a: {  	s8 =	sadd.s32 $0xFFFFE003, lr  }
0x1b: {  	s9 =	sadd.s32 $0xFFFFFEF7, lr;
	s5 =	simm.s32 $0xFFFFFFFF;
	p2 =	slt.u32 s8, $0xFFFFF086  }
0x1c: {  	p1 =	slt.u32 s9, $0xF7A;
	s5 =	simm.s32 @!p2 $0x0  }
0x1d: {  	s5 =	simm.s32 @p1 $0x1;
	p0 =	seq.s32 s7, s2  }
0x1e: {  	s7 =	smul.u32 @!p0 $0xF7A, s2;
	p2 =	seq.s32 @!p0 s5, $0x0  }
0x1f: {  	s9 =	smul.u32 $0xF7A, s1;
	s8 =	simm.s32 @!p0 $0x1BF5;
	p2 =	por !p2, p0  }
0x20: {  	[sflag:s8] =	ssyncset.s32 @!p0 $0xFFFFF086;
	s6 =	sadd.s32 @!p0 s3, s7;
	s7 =	simm.s32 @!p0 $0x108  }
0x21: {  	s3 =	sadd.s32 s3, s9;
	s6 =	sadd.s32 @!p0 $0x88, s6;
	s7 =	simm.s32 @p2 $0x1082  }
0x22: {  	[simem:s7], [sflag:s8] =	dma.local @!p0 [hbm:s6], $0xF7A  }
0x23: {  	s9 =	sor.u32 $0xD0000000, s2;
	s6 =	simm.s32 $0x108;
	_ =	swait.ge @!p0 [sflag:s8], $0x0  }
0x24: {  	s3 =	sadd.s32 $0x88, s3;
	s6 =	simm.s32 @!p1 $0x1082;
	[sflag:s4] =	ssyncset.s32 $0xFFFFF086  }
0x25: {  	[simem:s6], [sflag:s4] =	dma.local [hbm:s3], $0xF7A  }
0x26: {  	[smem:$0x3F91] =	sst s1;
	(tag) =	ssettag s2;
	_ =	strace s9  }
0x27: {  	s1 =	sld [smem:$0x3FA1]  }
0x28: {  	s2 =	sld [smem:$0x3FA2]  }
0x29: {  	s4 =	sld [smem:$0x3FA4]  }
0x2a: {  	p0 =	seq.s32 s5, $0x0;
	s5 =	sld [smem:$0x3FA5]  }
0x2b: {  	s6 =	sld [smem:$0x3FA6]  }
0x2c: {  	s7 =	sld [smem:$0x3FA7]  }
0x2d: {  	s3 =	simm.s32 $0x108;
	s8 =	sld [smem:$0x3FA8]  }
0x2e: {  	s3 =	simm.s32 @!p0 $0x1082;
	s9 =	sld [smem:$0x3FA9]  }
0x2f: {  	lr =	sadd.s32 s0, s3;
	s0 =	sld [smem:$0x3FA0]  }
0x30: {  	s3 =	sld [smem:$0x3FA3]  }
0x31: {  	[smem:$0x3FAC] =	sst s10  }
0x32: {  	s10 =	sld [smem:$0x3FAA];
	_ =	sdelay $0x3  }
0x33: {  	p0 =	seq.s32 s10, $0x1;
	s10 =	sld [smem:$0x3FAC];
	_ =	sdelay $0x3  }
0x34: {  	[smem:$0x3FAC] =	sst s10  }
0x35: {  	s10 =	sld [smem:$0x3FAB];
	_ =	sdelay $0x3  }
0x36: {  	p1 =	seq.s32 s10, $0x1;
	s10 =	sld [smem:$0x3FAC];
	_ =	sdelay $0x3  }
0x37: {  	[smem:$0x3FAC] =	sst s10  }
0x38: {  	s10 =	sld [smem:$0x3FAD]  }
0x39: {  	_ = 	snop;
	(pc) =	sbr.ind lr, $3  }
0x3a: {  	_ = 	snop  }
0x3b: {  	_ = 	snop  }
0x3c: {  	p2 =	seq.s32 s10, $0x1;
	s10 =	sld [smem:$0x3FAC]  }
0x3d: {  	_ =	shalt  }
0x3e: {  	_ =	shalt  }
0x3f: {  	_ =	shalt  }
0x40: {  	_ =	shalt  }
0x41: {  	_ =	shalt  }
0x42: {  	_ =	shalt  }
0x43: {  	_ =	shalt  }
0x44: {  	_ =	shalt  }
0x45: {  	_ =	shalt  }
0x46: {  	_ =	shalt  }
0x47: {  	_ =	shalt  }
0x48: {  	_ =	shalt  }
0x49: {  	_ =	shalt  }
0x4a: {  	_ =	shalt  }
0x4b: {  	_ =	shalt  }
0x4c: {  	_ =	shalt  }
0x4d: {  	_ =	shalt  }
0x4e: {  	_ =	shalt  }
0x4f: {  	_ =	shalt  }
0x50: {  	_ =	shalt  }
0x51: {  	_ =	shalt  }
0x52: {  	_ =	shalt  }
0x53: {  	_ =	shalt  }
0x54: {  	_ =	shalt  }
0x55: {  	_ =	shalt  }
0x56: {  	_ =	shalt  }
0x57: {  	_ =	shalt  }
0x58: {  	_ =	shalt  }
0x59: {  	_ =	shalt  }
0x5a: {  	_ =	shalt  }
0x5b: {  	_ =	shalt  }
0x5c: {  	_ =	shalt  }
0x5d: {  	_ =	shalt  }
0x5e: {  	_ =	shalt  }
0x5f: {  	_ =	shalt  }
0x60: {  	_ =	shalt  }
0x61: {  	_ =	shalt  }
0x62: {  	_ =	shalt  }
0x63: {  	_ =	shalt  }
0x64: {  	_ =	shalt  }
0x65: {  	_ =	shalt  }
0x66: {  	_ =	shalt  }
0x67: {  	_ =	shalt  }
0x68: {  	_ =	shalt  }
0x69: {  	_ =	shalt  }
0x6a: {  	_ =	shalt  }
0x6b: {  	_ =	shalt  }
0x6c: {  	_ =	shalt  }
0x6d: {  	_ =	shalt  }
0x6e: {  	_ =	shalt  }
0x6f: {  	_ =	shalt  }
0x70: {  	_ =	shalt  }
0x71: {  	_ =	shalt  }
0x72: {  	_ =	shalt  }
0x73: {  	_ =	shalt  }
0x74: {  	_ =	shalt  }
0x75: {  	_ =	shalt  }
0x76: {  	_ =	shalt  }
0x77: {  	_ =	shalt  }
0x78: {  	_ =	shalt  }
0x79: {  	_ =	shalt  }
0x7a: {  	_ =	shalt  }
0x7b: {  	_ =	shalt  }
0x7c: {  	_ =	shalt  }
0x7d: {  	_ =	shalt  }
0x7e: {  	_ =	shalt  }
0x7f: {  	_ =	shalt  }
0x80: {  	_ =	shalt  }
0x81: {  	_ =	shalt  }
0x82: {  	_ =	shalt  }
0x83: {  	_ =	shalt  }
0x84: {  	_ =	shalt  }
0x85: {  	_ =	shalt  }
0x86: {  	_ =	shalt  }
0x87: {  	_ =	shalt  }
.Lfunc_end0:
.L_simem_size_0:
called_computation.1_lowered:
.L_overlay_start_0:
0x88: {  	s2 =	sld [smem:$0x3FD9]  }
0x89: {  	s3 =	sld [smem:$0x3FFE];
	_ =	sdelay $0x1  }
0x8a: {  	s1 =	srdreg.scid  }
0x8b: {  	s0 =	sand.u32 $0x1, s1  }
0x8c: {  	s14 =	sshll.u32 s0, $0xA;
	s2 =	sadd.s32 s3, s2  }
0x8d: {  	s2 =	sadd.s32 s2, s14  }
0x8e: {  	[smem:$0x3FB8] =	sst s2  }
0x8f: {  	_ = 	snop  }
0x90: {  	s2 =	sld [smem:$0x3FD0];
	_ =	sdelay $0x2  }
0x91: {  	s15 =	simm.s32 $0xA;
	s4 =	simm.s32 $0x10  }
0x92: {  	[smem:s4], [sflag:s15] =	dma.local [hbm:s2], $0x1  }
0x93: {  	_ =	swait.eq [sflag:s15], $0x1  }
0x94: {  	[sflag:s15] =	ssyncset.done $0x0  }
0x95: {  	[sflag:s15] =	ssyncadd.s32 $0xFFFFFFFF  }
0x96: {  	s16 =	sld [smem:$0x11];
	(tm) =	ssettm $0x1  }
0x97: {  	s17 =	sld [smem:$0x3FFB];
	_ =	sdelay $0x3  }
0x98: {  	_ =	strace s17  }
0x99: {  	s3 =	sld [smem:$0x3FFC];
	_ =	sdelay $0x3  }
0x9a: {  	_ =	strace s3  }
0x9b: {  	s3 =	sld [smem:$0x3FFD];
	_ =	sdelay $0x3  }
0x9c: {  	_ =	strace s3  }
0x9d: {  	_ =	strace $0x8FFFFFFF  }
0x9e: {  	s18 =	sld [smem:$0x3FDB];
	_ =	sdelay $0x1  }
0x9f: {  	s19 =	simm.s32 $_scs_section_size  }
0xa0: {  	s5 =	simm.s32 $_size__tile_overlayer_lowered;
	s6 =	simm.s32 $_tile_overlayer_lowered  }
0xa1: {  	s22 =	simm.s32 $0x1BFF;
	s21 =	sshll.u32 s6, $0x1;
	s3 =	sadd.s32 s19, s18  }
0xa2: {  	s7 =	simm.s32 $0x0;
	s20 =	sshll.u32 s5, $0x1;
	s5 =	sadd.s32 s21, s3  }
0xa3: {  	[timem:s7], [sflag:s22] =	dma.local [hbm:s5], s20  }
0xa4: {  	_ =	swait.ge [sflag:s22], s20  }
0xa5: {  	s4 =	ssub.s32 $0x0, s20;
	[sflag:s22] =	ssyncset.done $0x0  }
0xa6: {  	[sflag:s22] =	ssyncadd.s32 s4;
	_ =	sdelay $0x1  }
0xa7: {  	s23 =	simm.s32 $0x1B8B  }
0xa8: {  	_ =	swait.ge [sflag:s23], $0x1  }
0xa9: {  	[sflag:s23] =	ssyncset.done $0x0  }
0xaa: {  	s25 =	simm.s32 $0x1B8E;
	s24 =	sld [smem:$0x3FFE];
	[sflag:s23] =	ssyncadd.s32 $0xFFFFFFFF  }
0xab: {  	s26 =	simm.s32 $execute0_lowered;
	[smem:$0x3FD2] =	sst s25  }
0xac: {  	s5 =	sshll.u32 s26, $0x1;
	_ =	strace $0x80000049;
	[dreg:$0x1] =	wrdreg $0xFFFFFFFF  }
0xad: {  	s28 =	simm.s32 $_size_execute0_lowered;
	s3 =	sadd.s32 s3, s5;
	[dreg:$0x0] =	wrdreg $0x0  }
0xae: {  	s5 =	sshll.u32 s28, $0x1;
	[dreg:$0x2] =	wrdreg s3  }
0xaf: {  	[dreg:$0x3] =	wrdreg s5  }
0xb0: {  	[dreg:$0x4] =	wrdreg $0xC0  }
0xb1: {  	_ =	task [dreg:s7], $0x5FFFF  }
0xb2: {  	[dreg:$0x1] =	wrdreg $0xFFFFFFFF  }
0xb3: {  	[dreg:$0x0] =	wrdreg $0x60  }
0xb4: {  	[dreg:$0x2] =	wrdreg s24  }
0xb5: {  	[dreg:$0x3] =	wrdreg s16  }
0xb6: {  	[dreg:$0x4] =	wrdreg $0x9  }
0xb7: {  	_ =	task.clear_ibuf [dreg:s7], $0x5FFFF;
	_ =	strace $0x90000049  }
0xb8: {  	s29 =	simm.s32 $0x9;
	_ =	strace $0x8000004B  }
0xb9: {  	_ =	swait.ge [sflag:s29], $0x1  }
0xba: {  	[sflag:s29] =	ssyncadd.s32 $0xFFFFFFFF  }
0xbb: {  	_ =	strace $0x9000004B  }
0xbc: {  	_ =	sfence  }
0xbd: {  	s30 =	sld [smem:$0x0];
	_ =	sdelay $0x2  }
0xbe: {  	s31 =	sshll.u32 s1, $0xD;
	s1 =	sshrl.u32 s1, $0x2  }
0xbf: {  	s3 =	sand.u32 $0x4000, s31;
	s1 =	sadd.s32 s1, s30  }
0xc0: {  	s0 =	sor.u32 s3, s0;
	s1 =	sshll.u32 s1, $0x11  }
0xc1: {  	s0 =	sor.u32 s1, s0  }
0xc2: {  	s0 =	sadd.s32 $0x8F2B, s0  }
0xc3: {  	[sflag:s0] =	ssyncadd.remote.s32 $0x1  }
0xc4: {  	_ =	sfence.sel $0xFFFF  }
0xc5: {  	[dreg:$0x0] =	wrdreg $0xFFFFFFFF;
	(pc) =	sbr.abs _section_cstart, $3  }
0xc6: {  	[dreg:$0x1] =	wrdreg $0xFFFFFFFF  }
0xc7: {  	_ =	task.clear_ibuf [dreg:s7], $0x2FFFF;
	_ =	strace $0x9FFFFFFF  }
0xc8: {  	(tm) =	ssettm $0x7FFFFFFF  }
0xc9: {  	_ =	shalt  }
tec
execute0_lowered:
.L_overlay_start_1:
0x0: {  	(tag) =	ssettag $0x1  }
0x1: {  	s3 =	srdreg.scid  }
0x2: {  	s8 =	stileid.u32;
	s3 =	sand.u32 $0x1, s3  }
0x3: {  	s4 =	sor.u32 s3, s8  }
0x4: {  	s0 =	rddreg [dreg:$0x0];
	p1 =	seq.s32 s3, $0x1;
	p0 =	seq.s32 s4, $0x0  }
0x5: {  	s1 =	rddreg [dreg:$0x1];
	s2 =	simm.s32 $0x0;
	p0 =	por !p0, !p1  }
0x6: {  	[smem:$0x7FF] =	sst s2;
	s4 =	simm.s32 $0x1;
	p0 =	por !p0, !p0  }
0x7: {  	s5 =	sadd.s32 $0x3400, s0;
	s6 =	sadd.s32 $0x10400, s0;
	s4 =	simm.s32 @!p0 $0x0  }
0x8: {  	s15 =	sadd.s32 $0x91C00, s0;
	_ =	strace $0x8000004A;
	s8 =	ssub.s32 s8, s4  }
0x9: {  	s7 =	ssub.s32 $0x2, s3;
	s3 =	sshll.u32 s3, $0x9;
	s10 =	smul.u32 $0x3, s8  }
0xa: {  	[dreg:$0x3] =	wrdreg s15;
	s9 =	sshrl.u32 s7, $0x1;
	s14 =	smul.u32 $0x3000, s8  }
0xb: {  	s4 =	sadd.s32 $0x111C00, s0;
	s0 =	ssub.s32 s7, s9;
	s13 =	smul.u32 $0x6000, s8  }
0xc: {  	s16 =	sshll.u32 s8, $0xA;
	s25 =	smul.u32 $0xC00, s8;
	s0 =	smax.u32 s0, $0x1  }
0xd: {  	s9 =	sor.u32 s3, s16;
	[dreg:$0x16] =	wrdreg s0;
	s0 =	simm.s32 $0x3  }
0xe: {  	s11 =	sadd.s32 $0x1, s10;
	s7 =	sshrl.u32 s14, $0x3;
	s10 =	sadd.s32 $0x2, s10  }
0xf: {  	s19 =	sshrl.u32 s13, $0x3;
	s14 =	sadd.s32 $0x2000, s13;
	s22 =	sadd.s32 $0x3000, s13  }
0x10: {  	s23 =	sadd.s32 $0x4000, s13;
	s24 =	sadd.s32 $0x5000, s13;
	s16 =	sshll.u32 s9, $0x5  }
0x11: {  	s12 =	sshll.u32 s11, $0x9;
	s7 =	sadd.s32 s5, s7;
	s18 =	sshll.u32 s10, $0x9  }
0x12: {  	v0 =	vimm.s32 $0x80000000;
	s20 =	sadd.s32 s1, s19;
	s21 =	sshrl.u32 s14, $0x3;
	[dreg:$0x4] =	wrdreg s7  }
0x13: {  	(xrf0) =	vmax.scan.msk.u32 $0xffff, v0;
	s19 =	sadd.s32 $0x7FFFF81, s3;
	s12 =	sand.u32 $0x1FFFFE00, s12;
	[dreg:$0x7] =	wrdreg s20  }
0x14: {  	s7 =	sand.u32 $0x1FFFFE00, s18;
	s18 =	smul.u32 $0x48000, s8;
	[dreg:$0x11] =	wrdreg s19  }
0x15: {  	s8 =	simm.s32 $0x9200;
	s17 =	sadd.s32 s5, s12;
	s5 =	sadd.s32 s5, s7  }
0x16: {  	s7 =	sadd.s32 $0x200, s20;
	s12 =	sshrl.u32 s24, $0x3;
	[dreg:$0x5] =	wrdreg s17  }
0x17: {  	s20 =	sshll.u32 s9, $0x8;
	s9 =	simm.s32 $0x5000;
	[dreg:$0x6] =	wrdreg s5  }
0x18: {  	[dreg:$0x8] =	wrdreg s7;
	s5 =	sadd.s32 s1, s21;
	s7 =	sshrl.u32 s23, $0x3  }
0x19: {  	v0, _, _ =	vpop (xrf0);
	[dreg:$0x12] =	wrdreg s20;
	s21 =	sadd.s32 $0x8000, s18;
	s24 =	sadd.s32 $0x18000, s18  }
0x1a: {  	(v2sf) =	vpush v0, $0xF;
	s29 =	sadd.s32 $0x30000, s18;
	s30 =	sadd.s32 $0x38000, s18;
	[dreg:$0x9] =	wrdreg s5  }
0x1b: {  	s28 =	smov.u32 s18;
	s31 =	sadd.s32 $0x40000, s18;
	[dreg:$0x13] =	wrdreg s21  }
0x1c: {  	s5 =	sshrl.u32 s22, $0x3;
	s26 =	sadd.s32 s1, s7;
	[dreg:$0x15] =	wrdreg s24  }
0x1d: {  	s7 =	sshll.u32 s11, $0xA;
	s22 =	sadd.s32 $0x10000, s18;
	[dreg:$0xb] =	wrdreg s26  }
0x1e: {  	s11 =	sshll.u32 s10, $0xA;
	s5 =	sadd.s32 s1, s5;
	[dreg:$0x14] =	wrdreg s22  }
0x1f: {  	s10 =	simm.s32 $0x6000;
	s1 =	sadd.s32 s1, s12;
	[dreg:$0xa] =	wrdreg s5  }
0x20: {  	v1 =	vimm.s32 $0x80402010;
	v0 =	vimm.s32 $0x8040201;
	s26 =	sadd.s32 $0x28000, s18;
	[dreg:$0xc] =	wrdreg s1;
	s5 =	sor.u32 s3, s25  }
0x21: {  	v1 =	vunpack.c.0.s8.s32 v1;
	v0 =	vunpack.c.0.s8.s32 v0;
	s25 =	sadd.s32 $0x20000, s18;
	[dreg:$0x18] =	wrdreg s26;
	s1 =	sshrl.u32 s5, $0x3  }
0x22: {  	vm0 =	vcmask $0xF00;
	s5 =	sor.u32 s3, s7;
	s7 =	sor.u32 s3, s11;
	[dreg:$0x17] =	wrdreg s25  }
0x23: {  	vm8 =	vcmask $0x1F10;
	v1 =	vand.u32 $0xFF, v1;
	v0 =	vnsel vm0, $0x8000, v0;
	s11 =	simm.s32 $0x7000;
	s25 =	simm.s32 $0x4;
	s1 =	sadd.s32 s6, s1  }
0x24: {  	vm9 =	vcmask $0x2320;
	v0 =	vsel vm8, v1, v0;
	s12 =	sshrl.u32 s5, $0x3;
	s13 =	sshrl.u32 s7, $0x3;
	s5 =	simm.s32 $0x2000  }
0x25: {  	vm10 =	vcmask $0x2724;
	v0 =	vsel vm9, $0x100, v0;
	s7 =	simm.s32 $0x4000;
	[dreg:$0xd] =	wrdreg s1;
	s1 =	sadd.s32 s6, s12  }
0x26: {  	vm11 =	vcmask $0x2B28;
	v0 =	vsel vm10, $0x200, v0;
	s14 =	sadd.s32 s6, s13;
	s6 =	simm.s32 $0x3000;
	s12 =	simm.s32 $0x8000  }
.Ltmp0:
0x27: {  	vm12 =	vcmask $0x2F2C;
	v0 =	vsel vm11, $0x400, v0;
	s13 =	simm.s32 $0x9000;
	[dreg:$0xe] =	wrdreg s1;
	(pc) =	sbr.rel .LBB2_1-.Ltmp0, $4  }
0x28: {  	vm13 =	vcmask $0x3330;
	v0 =	vsel vm12, $0x800, v0;
	[dreg:$0xf] =	wrdreg s14;
	s1 =	sand.u32 $0x1FFFC000, s16;
	s14 =	simm.s32 $0x9400  }
0x29: {  	vm14 =	vcmask $0x3734;
	v0 =	vsel vm13, $0x1000, v0;
	s16 =	simm.s32 $0x12600;
	s1 =	sadd.s32 s15, s1;
	s17 =	spop (v2sf)  }
0x2a: {  	vm15 =	vcmask $0x3B38;
	v1 =	vsel vm14, $0x2000, v0;
	v0 =	vlaneseq.u32;
	s15 =	simm.s32 $0x12700;
	[dreg:$0x10] =	wrdreg s1;
	s23 =	sxor.u32 $0x80000000, s17  }
0x2b: {  	v2 =	vimm.s32 $0x0;
	v1 =	vsel vm15, $0x4000, v1;
	v3 =	vor.u32 $0x10, v0;
	s1 =	simm.s32 $0x1000;
	s17 =	simm.s32 $0x0;
	p0 =	sgt.s32 s23, $0x1F  }
.LBB2_11:
0x2c: {  	s17 =	rddreg [dreg:$0x19]  }
0x2d: {  	s3 =	rddreg [dreg:$0x16];
	s17 =	sadd.s32 $0x1, s17  }
0x2e: {  	p1 =	sne.s32 s17, s3  }
.Ltmp1:
0x2f: {  	_ = 	snop;
	(pc) =	sbr.rel @!p1 .LBB2_12-.Ltmp1, $1  }
0x30: {  	_ =	sdelay $0x3  }
.LBB2_1:
0x31: {  	[dreg:$0x19] =	wrdreg s17  }
0x32: {  	s3 =	rddreg [dreg:$0x4]  }
0x33: {  	[tilespmem:s2], [sflag:$0x3] =	stream.linear.gather [hbm4b:s3+s2], $0x1000, $0x38;
	[tilespmem:$0x13700] =	vst v63  }
0x34: {  	_ =	swait.ge [sflag:s0], $0x1000  }
0x35: {  	[sflag:s0] =	ssyncset.done $0x0  }
0x36: {  	s21 =	rddreg [dreg:$0x5];
	[sflag:s0] =	ssyncadd.s32 $0xFFFFF000  }
0x37: {  	[tilespmem:s1], [sflag:$0x3] =	stream.linear.gather [hbm4b:s21+s2], $0x1000, $0x38;
	[tilespmem:$0x13700] =	vst v63  }
0x38: {  	_ =	swait.ge [sflag:s0], $0x1000  }
0x39: {  	[sflag:s0] =	ssyncset.done $0x0  }
0x3a: {  	s22 =	rddreg [dreg:$0x6];
	[sflag:s0] =	ssyncadd.s32 $0xFFFFF000  }
0x3b: {  	[tilespmem:s5], [sflag:$0x3] =	stream.linear.gather [hbm4b:s22+s2], $0x1000, $0x38;
	[tilespmem:$0x13700] =	vst v63  }
0x3c: {  	_ =	swait.ge [sflag:s0], $0x1000  }
0x3d: {  	[sflag:s0] =	ssyncset.done $0x0  }
0x3e: {  	s24 =	rddreg [dreg:$0x7];
	[sflag:s0] =	ssyncadd.s32 $0xFFFFF000  }
0x3f: {  	[tilespmem:s6], [sflag:$0x3] =	stream.linear.gather [hbm4b:s24+s2], $0x1000, $0x38;
	[tilespmem:$0x13700] =	vst v63  }
0x40: {  	_ =	swait.ge [sflag:s0], $0x1000  }
0x41: {  	[sflag:s0] =	ssyncset.done $0x0  }
0x42: {  	s26 =	rddreg [dreg:$0x8];
	[sflag:s0] =	ssyncadd.s32 $0xFFFFF000  }
0x43: {  	[tilespmem:s7], [sflag:$0x3] =	stream.linear.gather [hbm4b:s26+s2], $0x1000, $0x38;
	[tilespmem:$0x13700] =	vst v63  }
0x44: {  	_ =	swait.ge [sflag:s0], $0x1000  }
0x45: {  	[sflag:s0] =	ssyncset.done $0x0  }
0x46: {  	s17 =	rddreg [dreg:$0x9];
	[sflag:s0] =	ssyncadd.s32 $0xFFFFF000  }
0x47: {  	[tilespmem:s9], [sflag:$0x3] =	stream.linear.gather [hbm4b:s17+s2], $0x1000, $0x38;
	[tilespmem:$0x13700] =	vst v63  }
0x48: {  	_ =	swait.ge [sflag:s0], $0x1000  }
0x49: {  	[sflag:s0] =	ssyncset.done $0x0  }
0x4a: {  	s18 =	rddreg [dreg:$0xa];
	[sflag:s0] =	ssyncadd.s32 $0xFFFFF000  }
0x4b: {  	[tilespmem:s10], [sflag:$0x3] =	stream.linear.gather [hbm4b:s18+s2], $0x1000, $0x38;
	[tilespmem:$0x13700] =	vst v63  }
0x4c: {  	_ =	swait.ge [sflag:s0], $0x1000  }
0x4d: {  	[sflag:s0] =	ssyncset.done $0x0  }
0x4e: {  	s19 =	rddreg [dreg:$0xb];
	[sflag:s0] =	ssyncadd.s32 $0xFFFFF000  }
0x4f: {  	[tilespmem:s11], [sflag:$0x3] =	stream.linear.gather [hbm4b:s19+s2], $0x1000, $0x38;
	[tilespmem:$0x13700] =	vst v63  }
0x50: {  	_ =	swait.ge [sflag:s0], $0x1000  }
0x51: {  	[sflag:s0] =	ssyncset.done $0x0  }
0x52: {  	s20 =	rddreg [dreg:$0xc];
	[sflag:s0] =	ssyncadd.s32 $0xFFFFF000  }
0x53: {  	[tilespmem:s12], [sflag:$0x3] =	stream.linear.gather [hbm4b:s20+s2], $0x1000, $0x38;
	[tilespmem:$0x13700] =	vst v63  }
0x54: {  	_ =	swait.ge [sflag:s0], $0x1000  }
0x55: {  	[sflag:s0] =	ssyncset.done $0x0  }
0x56: {  	s21 =	rddreg [dreg:$0xd];
	[sflag:s0] =	ssyncadd.s32 $0xFFFFF000  }
0x57: {  	[tilespmem:s13], [sflag:$0x3] =	stream.linear.gather [hbm4b:s21+s2], $0x200, $0x38;
	[tilespmem:$0x13700] =	vst v63  }
0x58: {  	_ =	swait.ge [sflag:s0], $0x200  }
0x59: {  	[sflag:s0] =	ssyncset.done $0x0  }
0x5a: {  	s22 =	rddreg [dreg:$0xe];
	[sflag:s0] =	ssyncadd.s32 $0xFFFFFE00  }
0x5b: {  	[tilespmem:s8], [sflag:$0x3] =	stream.linear.gather [hbm4b:s22+s2], $0x200, $0x38;
	[tilespmem:$0x13700] =	vst v63  }
0x5c: {  	_ =	swait.ge [sflag:s0], $0x200  }
0x5d: {  	[sflag:s0] =	ssyncset.done $0x0  }
0x5e: {  	s24 =	rddreg [dreg:$0xf];
	[sflag:s0] =	ssyncadd.s32 $0xFFFFFE00  }
0x5f: {  	[tilespmem:s14], [sflag:$0x3] =	stream.linear.gather [hbm4b:s24+s2], $0x200, $0x38;
	[tilespmem:$0x13700] =	vst v63  }
.Ltmp2:
0x60: {  	_ = 	snop;
	(pc) =	sbr.rel .LBB2_3-.Ltmp2, $4  }
0x61: {  	_ =	swait.ge [sflag:s0], $0x200  }
0x62: {  	p1 =	por $0x0, $0x0;
	[sflag:s0] =	ssyncset.done $0x0  }
0x63: {  	s3 =	simm.s32 $0x0;
	s26 =	rddreg [dreg:$0x10];
	[sflag:s0] =	ssyncadd.s32 $0xFFFFFE00  }
0x64: {  	[tilespmem:s15], [sflag:$0x1] =	stream.linear.gather [hbm4b:s26+s2], $0x800, $0x38;
	[tilespmem:$0x13700] =	vst v63  }
.LBB2_2:
0x65: {  	s3 =	rddreg [dreg:$0x1a]  }
0x66: {  	p2 =	seq.s32 s3, $0x40  }
.Ltmp3:
0x67: {  	_ = 	snop;
	(pc) =	sbr.rel @p2 .LBB2_11-.Ltmp3, $2  }
0x68: {  	_ =	sdelay $0x2  }
0x69: {  	p1 =	por !p1, !p1  }
.LBB2_3:
0x6a: {  	s18 =	sadd.s32 $0x1, s3;
	p2 =	seq.s32 s3, $0x3F;
	s21 =	rddreg [dreg:$0x12]  }
0x6b: {  	s19 =	simm.s32 $0x1;
	s26 =	sand.u32 $0x1, s3;
	s22 =	rddreg [dreg:$0x3]  }
0x6c: {  	s17 =	sand.u32 @!p2 $0x1, s18;
	[dreg:$0x1a] =	wrdreg s18;
	s18 =	sshll.u32 @!p2 s18, $0xB  }
0x6d: {  	s24 =	sadd.s32 $0x1, s26;
	s20 =	sshll.u32 @!p2 s17, $0xB;
	s18 =	sadd.s32 @!p2 s21, s18  }
0x6e: {  	s17 =	sadd.s32 @!p2 $0x1, s17;
	s20 =	sor.u32 @!p2 $0x12700, s20;
	s18 =	sshrl.u32 @!p2 s18, $0x3  }
.Ltmp4:
0x6f: {  	s18 =	sadd.s32 @!p2 s22, s18;
	s22 =	simm.s32 @!p2 $0x0;
	(pc) =	sbr.rel .LBB2_4-.Ltmp4, $4  }
0x70: {  	[tilespmem:s20], [sflag:s17] =	stream.linear.gather @!p2 [hbm4b:s18+s22], $0x800, $0x38;
	[tilespmem:$0x13700] =	vst v63  }
0x71: {  	s19 =	simm.s32 @!p1 $0x0;
	_ =	swait.ge [sflag:s24], $0x800  }
0x72: {  	s3 =	sshll.u32 s3, $0x3;
	s26 =	sshll.u32 s19, $0xB;
	[sflag:s24] =	ssyncset.done $0x0  }
0x73: {  	s21 =	simm.s32 $0x0;
	s20 =	sor.u32 $0x7, s26;
	[sflag:s24] =	ssyncadd.s32 $0xFFFFF800  }
.LBB2_10:
0x74: {  	s21 =	sadd.s32 $0x1, s21  }
0x75: {  	p2 =	seq.s32 s21, $0x8  }
.Ltmp5:
0x76: {  	_ = 	snop;
	(pc) =	sbr.rel @p2 .LBB2_2-.Ltmp5, $2  }
0x77: {  	_ =	sdelay $0x2  }
0x78: {  	s20 =	sadd.s32 $0x100, s20  }
.LBB2_4:
.Ltmp6:
0x79: {  	(pc) =	sbr.rel @p0 .LBB2_8-.Ltmp6, $2  }
0x7a: {  	_ =	sdelay $0x2  }
0x7b: {  	s19 =	smov.u32 s23  }
0x7c: {  	v4 =	vimm.s32 $0x0;
	s17 =	simm.s32 $0x70;
	s18 =	smov.u32 s20;
	s22 =	simm.s32 $0x0  }
.LBB2_6:
0x7d: {  	s19 =	sadd.s32 $0xFFFFFFF9, s18  }
0x7e: {  	v5 =	vmov s19  }
0x7f: {  	v5 =	vand.u32 $0xFFFFFFF8, v5  }
0x80: {  	s24 =	sadd.s32 $0xFFFFFFFA, s18;
	s26 =	sadd.s32 $0xFFFFFFFB, s18;
	v5 =	vbroadcast v5, $0x0  }
0x81: {  	v6 =	vmov s24;
	v7 =	vmov s26;
	s26 =	sadd.s32 $0xFFFFFFFD, s18  }
0x82: {  	v6 =	vand.u32 $0xFFFFFFF9, v6;
	v9 =	vmov s26;
	s26 =	sadd.s32 $0xFFFFFFFF, s18  }
0x83: {  	s24 =	sadd.s32 $0xFFFFFFFC, s18;
	v7 =	vand.u32 $0xFFFFFFFA, v7;
	v6 =	vbroadcast v6, $0x0;
	v11 =	vmov s26  }
0x84: {  	v8 =	vmov s24;
	v7 =	vbroadcast v7, $0x0;
	v11 =	vand.u32 $0xFFFFFFFE, v11  }
0x85: {  	v8 =	vand.u32 $0xFFFFFFFB, v8;
	v11 =	vbroadcast v11, $0x0  }
0x86: {  	v8 =	vbroadcast v8, $0x0;
	v5 =	vld.idx.msk [tilespmem:v5+s15+$0x0], $0xffff  }
0x87: {  	v9 =	vand.u32 $0xFFFFFFFC, v9  }
0x88: {  	v9 =	vbroadcast v9, $0x0  }
0x89: {  	v6 =	vld.idx.msk [tilespmem:v6+s15+$0x0], $0xffff  }
0x8a: {  	s24 =	sadd.s32 $0xFFFFFFFE, s18;
	v7 =	vld.idx.msk [tilespmem:v7+s15+$0x0], $0xffff  }
0x8b: {  	v10 =	vmov s24;
	v11 =	vld.idx.msk [tilespmem:v11+s15+$0x0], $0xffff;
	v5 =	vtrunc.f32 v5  }
0x8c: {  	v10 =	vand.u32 $0xFFFFFFFD, v10;
	v8 =	vld.idx.msk [tilespmem:v8+s15+$0x0], $0xffff;
	v5 =	vcvt.f32.s32 v5  }
0x8d: {  	v10 =	vbroadcast v10, $0x0  }
0x8e: {  	v9 =	vld.idx.msk [tilespmem:v9+s15+$0x0], $0xffff;
	v6 =	vtrunc.f32 v6;
	v5 =	vand.u32 v1, v5  }
0x8f: {  	vm0 =	vne.s32 v5, $0x0;
	v5 =	vcvt.f32.s32 v6  }
0x90: {  	v12 =	vmov s18;
	v7 =	vtrunc.f32 v7;
	v11 =	vtrunc.f32 v11  }
0x91: {  	v8 =	vtrunc.f32 v8;
	v11 =	vcvt.f32.s32 v11;
	v5 =	vand.u32 v1, v5  }
0x92: {  	v6 =	vcvt.f32.s32 v7;
	vm3 =	vne.s32 v5, $0x0;
	v5 =	vcvt.f32.s32 v8  }
0x93: {  	v9 =	vtrunc.f32 v9;
	v7 =	vld.idx.msk [tilespmem:v10+s15+$0x0], $0xffff;
	v44 =	vmpcnt.ones.xlane vm0  }
0x94: {  	v11 =	vand.u32 v1, v11;
	v6 =	vand.u32 v1, v6;
	v5 =	vand.u32 v1, v5  }
0x95: {  	v46 =	vld.idx.msk [tilespmem:v12+s15+$0x0], $0xffff;
	vm5 =	vne.s32 v11, $0x0;
	vm2 =	vne.s32 v5, $0x0;
	v5 =	vcvt.f32.s32 v9  }
0x96: {  	vm1 =	vne.s32 v6, $0x0;
	v48 =	vadd.s32 v4, v44;
	v11 =	vmpcnt.ones.xlane vm5  }
0x97: {  	v6 =	vmpcnt.ones.xlane vm3;
	v45 =	vmpcnt.ones.xlane vm1;
	v5 =	vand.u32 v1, v5  }
0x98: {  	v7 =	vtrunc.f32 v7;
	vm6 =	vne.s32 v5, $0x0;
	v5 =	vsel vm0, $0x1, v2  }
0x99: {  	v49 =	vsel vm3, $0x1, v2;
	v50 =	vsel vm1, $0x1, v2;
	v7 =	vcvt.f32.s32 v7;
	(xrf0) =	vadd.scan.msk.s32 $0xffff, v5  }
0x9a: {  	v6 =	vadd.s32 v48, v6;
	v47 =	vmpcnt.ones.xlane vm2;
	v5 =	vtrunc.f32 v46  }
0x9b: {  	v8 =	vadd.s32 v6, v45;
	v7 =	vand.u32 v1, v7;
	v5 =	vcvt.f32.s32 v5  }
0x9c: {  	v51 =	vsel vm2, $0x1, v2;
	vm4 =	vne.s32 v7, $0x0;
	v7 =	vmpcnt.ones.xlane vm6;
	(xrf0) =	vadd.scan.msk.s32 $0xffff, v49  }
0x9d: {  	v12 =	vadd.s32 v8, v47;
	v13 =	vmpcnt.ones.xlane vm4;
	(xrf0) =	vadd.scan.msk.s32 $0xffff, v50;
	v5 =	vand.u32 v1, v5  }
0x9e: {  	v7 =	vadd.s32 v12, v7;
	(xrf0) =	vadd.scan.msk.s32 $0xffff, v51;
	vm7 =	vne.s32 v5, $0x0;
	v5 =	vsel vm6, $0x1, v2  }
0x9f: {  	v13 =	vadd.s32 v7, v13;
	v52 =	vmpcnt.ones.xlane vm7;
	v14, _, _ =	vpop (xrf0);
	(xrf0) =	vadd.scan.msk.s32 $0xffff, v5;
	v5 =	vsel vm4, $0x1, v2  }
0xa0: {  	v14 =	vadd.s32 v14, v4;
	(xrf0) =	vadd.scan.msk.s32 $0xffff, v5;
	v4 =	vsel vm5, $0x1, v2;
	v5 =	vadd.s32 v13, v11  }
0xa1: {  	v53 =	vsel vm7, $0x1, v2;
	(xrf0) =	vadd.scan.msk.s32 $0xffff, v4;
	v4 =	vadd.s32 v5, v52  }
0xa2: {  	v54, _, _ =	vpop (xrf0);
	(xrf0) =	vadd.scan.msk.s32 $0xffff, v53;
	v55 =	vxor.u32 $0x80000000, v4  }
0xa3: {  	v15, _, _ =	vpop (xrf0);
	(xrf0) =	vmax.scan.msk.u32 $0xffff, v55  }
0xa4: {  	v56, _, _ =	vpop (xrf0)  }
0xa5: {  	v16, _, _ =	vpop (xrf0)  }
0xa6: {  	v17, _, _ =	vpop (xrf0)  }
0xa7: {  	v18, _, _ =	vpop (xrf0)  }
0xa8: {  	v19, _, _ =	vpop (xrf0)  }
0xa9: {  	v20, _, _ =	vpop (xrf0)  }
0xaa: {  	(v2sf) =	vpush v20, $0xF;
	_ =	sdelay $0x6  }
0xab: {  	v9 =	vadd.s32 v54, v48;
	v57 =	vadd.s32 $0xFFFFFFFF, v14  }
0xac: {  	v6 =	vadd.s32 v15, v6;
	v9 =	vadd.s32 $0xFFFFFFFF, v9  }
0xad: {  	v8 =	vadd.s32 v56, v8;
	v6 =	vadd.s32 $0xFFFFFFFF, v6  }
0xae: {  	s24 =	sadd.s32 $0xFFFFFF90, s17;
	v8 =	vadd.s32 $0xFFFFFFFF, v8  }
0xaf: {  	s26 =	sadd.s32 $0xFFFFFFA0, s17;
	v59 =	vor.u32 s24, v0  }
0xb0: {  	v60 =	vor.u32 s26, v0;
	s24 =	sadd.s32 $0xFFFFFFB0, s17;
	[tilespmem:v57+s16+$0x0] =	vst.idx.msk vm0, v59  }
0xb1: {  	s26 =	sadd.s32 $0xFFFFFFC0, s17;
	v62 =	vor.u32 s24, v0;
	[tilespmem:v9+s16+$0x0] =	vst.idx.msk vm3, v60  }
0xb2: {  	s24 =	sadd.s32 $0xFFFFFFD0, s17;
	v58 =	vadd.s32 v16, v12;
	[tilespmem:v6+s16+$0x0] =	vst.idx.msk vm1, v62;
	v6 =	vor.u32 s26, v0  }
0xb3: {  	v7 =	vadd.s32 v17, v7;
	v11 =	vadd.s32 $0xFFFFFFFF, v58;
	[tilespmem:v8+s16+$0x0] =	vst.idx.msk vm2, v6;
	v6 =	vor.u32 s24, v0;
	s24 =	spop (v2sf)  }
0xb4: {  	p2 =	sgt.u32 s22, $0x1E;
	v7 =	vadd.s32 $0xFFFFFFFF, v7;
	v61 =	vadd.s32 v18, v13;
	s19 =	sxor.u32 $0x80000000, s24  }
0xb5: {  	v63 =	vadd.s32 $0xFFFFFFFF, v61;
	v5 =	vadd.s32 v19, v5;
	p3 =	slt.s32 @!p2 s19, $0x20  }
0xb6: {  	v5 =	vadd.s32 $0xFFFFFFFF, v5;
	p3 =	por p2, !p3  }
.Ltmp7:
0xb7: {  	s26 =	sadd.s32 $0xFFFFFFE0, s17;
	(pc) =	sbr.rel @!p3 .LBB2_6-.Ltmp7, $4  }
0xb8: {  	[tilespmem:v11+s16+$0x0] =	vst.idx.msk vm6, v6;
	v6 =	vor.u32 s26, v0;
	s26 =	sadd.s32 $0xFFFFFFF0, s17  }
0xb9: {  	[tilespmem:v7+s16+$0x0] =	vst.idx.msk vm4, v6;
	v6 =	vor.u32 s26, v0  }
0xba: {  	[tilespmem:v63+s16+$0x0] =	vst.idx.msk vm5, v6;
	v6 =	vor.u32 s17, v0  }
0xbb: {  	s22 =	sadd.s32 $0x1, s22;
	s18 =	sadd.s32 $0x8, s18;
	s17 =	sadd.s32 $0x80, s17;
	[tilespmem:v5+s16+$0x0] =	vst.idx.msk vm7, v6  }
0xbc: {  	s19 =	smov.u32 @p2 s19  }
.LBB2_8:
0xbd: {  	v4 =	vld [tilespmem:$0x12600];
	_ =	sdelay $0x4  }
0xbe: {  	s17 =	sadd.s32 s3, s21;
	v6 =	vmov s19;
	v5 =	vbroadcast v4, $0x0  }
0xbf: {  	vm0 =	vgt.s32 v6, v0;
	v7 =	vmov s17  }
0xc0: {  	v4 =	vsel vm0, v4, v5;
	_ =	sdelay $0x3  }
0xc1: {  	v8 =	vld.idx.msk [tilespmem:v7+s13+$0x0], $0xffff  }
0xc2: {  	v9 =	vld.idx.msk [tilespmem:v4+s2+$0x0], $0xffff;
	_ =	sdelay $0x4  }
0xc3: {  	v10 =	vld [tilespmem:$0x12610];
	s18 =	sand.u32 $0x7F, s17;
	v9 =	vsub.f32 v9, v8  }
0xc4: {  	s26 =	sshll.u32 s18, $0x5;
	v11 =	vld.idx.msk [tilespmem:v7+s8+$0x0], $0xffff  }
0xc5: {  	v7 =	vld.idx.msk [tilespmem:v7+s14+$0x0], $0xffff;
	[tilespmem:s26+$0x9600] =	vst v9  }
0xc6: {  	v9 =	vld.idx.msk [tilespmem:v4+s1+$0x0], $0xffff;
	_ =	sdelay $0x4  }
0xc7: {  	v9 =	vsub.f32 v9, v11;
	_ =	sdelay $0x1  }
0xc8: {  	[tilespmem:s26+$0xA600] =	vst v9  }
0xc9: {  	v9 =	vld.idx.msk [tilespmem:v4+s5+$0x0], $0xffff;
	_ =	sdelay $0x4  }
0xca: {  	v9 =	vsub.f32 v9, v7;
	_ =	sdelay $0x1  }
0xcb: {  	[tilespmem:s26+$0xB600] =	vst v9  }
0xcc: {  	v9 =	vld.idx.msk [tilespmem:v4+s6+$0x0], $0xffff;
	_ =	sdelay $0x4  }
0xcd: {  	[tilespmem:s26+$0xC600] =	vst v9  }
0xce: {  	v9 =	vld.idx.msk [tilespmem:v4+s7+$0x0], $0xffff;
	_ =	sdelay $0x4  }
0xcf: {  	[tilespmem:s26+$0xD600] =	vst v9  }
0xd0: {  	v9 =	vld.idx.msk [tilespmem:v4+s9+$0x0], $0xffff;
	_ =	sdelay $0x4  }
0xd1: {  	[tilespmem:s26+$0xE600] =	vst v9  }
0xd2: {  	v9 =	vld.idx.msk [tilespmem:v4+s10+$0x0], $0xffff;
	_ =	sdelay $0x4  }
0xd3: {  	[tilespmem:s26+$0xF600] =	vst v9  }
0xd4: {  	v9 =	vld.idx.msk [tilespmem:v4+s11+$0x0], $0xffff;
	_ =	sdelay $0x4  }
0xd5: {  	[tilespmem:s26+$0x10600] =	vst v9  }
0xd6: {  	vm15 =	vgt.s32 v6, v3;
	v4 =	vld.idx.msk [tilespmem:v4+s12+$0x0], $0xffff  }
0xd7: {  	v5 =	vsel vm15, v10, v5;
	_ =	sdelay $0x3  }
0xd8: {  	[tilespmem:s26+$0x11600] =	vst v4  }
0xd9: {  	v4 =	vld.idx.msk [tilespmem:v5+s2+$0x0], $0xffff;
	_ =	sdelay $0x4  }
0xda: {  	v4 =	vsub.f32 v4, v8;
	_ =	sdelay $0x1  }
0xdb: {  	[tilespmem:s26+$0x9610] =	vst v4  }
0xdc: {  	v4 =	vld.idx.msk [tilespmem:v5+s1+$0x0], $0xffff;
	_ =	sdelay $0x4  }
0xdd: {  	v4 =	vsub.f32 v4, v11;
	_ =	sdelay $0x1  }
0xde: {  	[tilespmem:s26+$0xA610] =	vst v4  }
0xdf: {  	v4 =	vld.idx.msk [tilespmem:v5+s5+$0x0], $0xffff;
	_ =	sdelay $0x4  }
0xe0: {  	v4 =	vsub.f32 v4, v7;
	_ =	sdelay $0x1  }
0xe1: {  	[tilespmem:s26+$0xB610] =	vst v4  }
0xe2: {  	v4 =	vld.idx.msk [tilespmem:v5+s6+$0x0], $0xffff;
	_ =	sdelay $0x4  }
0xe3: {  	[tilespmem:s26+$0xC610] =	vst v4  }
0xe4: {  	v4 =	vld.idx.msk [tilespmem:v5+s7+$0x0], $0xffff;
	_ =	sdelay $0x4  }
0xe5: {  	[tilespmem:s26+$0xD610] =	vst v4  }
0xe6: {  	v4 =	vld.idx.msk [tilespmem:v5+s9+$0x0], $0xffff;
	_ =	sdelay $0x4  }
0xe7: {  	[tilespmem:s26+$0xE610] =	vst v4  }
0xe8: {  	v4 =	vld.idx.msk [tilespmem:v5+s10+$0x0], $0xffff;
	_ =	sdelay $0x4  }
0xe9: {  	[tilespmem:s26+$0xF610] =	vst v4  }
0xea: {  	v4 =	vld.idx.msk [tilespmem:v5+s11+$0x0], $0xffff;
	_ =	sdelay $0x4  }
0xeb: {  	[tilespmem:s26+$0x10610] =	vst v4  }
0xec: {  	p2 =	sne.s32 s18, $0x7F;
	v4 =	vld.idx.msk [tilespmem:v5+s12+$0x0], $0xffff  }
.Ltmp8:
0xed: {  	_ = 	snop;
	(pc) =	sbr.rel @p2 .LBB2_10-.Ltmp8, $2  }
0xee: {  	_ =	sdelay $0x2  }
0xef: {  	[tilespmem:s26+$0x11610] =	vst v4  }
0xf0: {  	s18 =	rddreg [dreg:$0x11]  }
0xf1: {  	s17 =	sadd.s32 s18, s17  }
0xf2: {  	s17 =	sshll.u32 s17, $0x5  }
0xf3: {  	s26 =	sor.u32 s28, s17  }
0xf4: {  	s18 =	sshrl.u32 s26, $0x3  }
0xf5: {  	s19 =	simm.s32 $0x9600;
	s18 =	sadd.s32 s4, s18  }
0xf6: {  	[hbm4b:s18+s2] =	stream.linear.scatter [tilespmem:s19], [sflag:$0x4], $0x1000, $0x38;
	[tilespmem:$0x13700] =	vst v63  }
0xf7: {  	_ =	swait.ge [sflag:s25], $0x1000  }
0xf8: {  	s19 =	rddreg [dreg:$0x13]  }
0xf9: {  	s18 =	sadd.s32 s19, s17  }
0xfa: {  	[sflag:s25] =	ssyncset.done $0x0;
	s18 =	sshrl.u32 s18, $0x3  }
0xfb: {  	s22 =	simm.s32 $0xA600;
	[sflag:s25] =	ssyncadd.s32 $0xFFFFF000;
	s18 =	sadd.s32 s4, s18  }
0xfc: {  	[hbm4b:s18+s2] =	stream.linear.scatter [tilespmem:s22], [sflag:$0x4], $0x1000, $0x38;
	[tilespmem:$0x13700] =	vst v63  }
0xfd: {  	_ =	swait.ge [sflag:s25], $0x1000  }
0xfe: {  	s24 =	rddreg [dreg:$0x14]  }
0xff: {  	s18 =	sadd.s32 s24, s17  }
0x100: {  	[sflag:s25] =	ssyncset.done $0x0;
	s18 =	sshrl.u32 s18, $0x3  }
0x101: {  	s26 =	simm.s32 $0xB600;
	[sflag:s25] =	ssyncadd.s32 $0xFFFFF000;
	s18 =	sadd.s32 s4, s18  }
0x102: {  	[hbm4b:s18+s2] =	stream.linear.scatter [tilespmem:s26], [sflag:$0x4], $0x1000, $0x38;
	[tilespmem:$0x13700] =	vst v63  }
0x103: {  	_ =	swait.ge [sflag:s25], $0x1000  }
0x104: {  	s19 =	rddreg [dreg:$0x15]  }
0x105: {  	s18 =	sadd.s32 s19, s17  }
0x106: {  	[sflag:s25] =	ssyncset.done $0x0;
	s18 =	sshrl.u32 s18, $0x3  }
0x107: {  	s22 =	simm.s32 $0xC600;
	[sflag:s25] =	ssyncadd.s32 $0xFFFFF000;
	s18 =	sadd.s32 s4, s18  }
0x108: {  	[hbm4b:s18+s2] =	stream.linear.scatter [tilespmem:s22], [sflag:$0x4], $0x1000, $0x38;
	[tilespmem:$0x13700] =	vst v63  }
0x109: {  	_ =	swait.ge [sflag:s25], $0x1000  }
0x10a: {  	s24 =	rddreg [dreg:$0x17]  }
0x10b: {  	s18 =	sadd.s32 s24, s17  }
0x10c: {  	[sflag:s25] =	ssyncset.done $0x0;
	s18 =	sshrl.u32 s18, $0x3  }
0x10d: {  	s26 =	simm.s32 $0xD600;
	[sflag:s25] =	ssyncadd.s32 $0xFFFFF000;
	s18 =	sadd.s32 s4, s18  }
0x10e: {  	[hbm4b:s18+s2] =	stream.linear.scatter [tilespmem:s26], [sflag:$0x4], $0x1000, $0x38;
	[tilespmem:$0x13700] =	vst v63  }
0x10f: {  	_ =	swait.ge [sflag:s25], $0x1000  }
0x110: {  	s19 =	rddreg [dreg:$0x18]  }
0x111: {  	s18 =	sadd.s32 s19, s17  }
0x112: {  	[sflag:s25] =	ssyncset.done $0x0;
	s18 =	sshrl.u32 s18, $0x3  }
0x113: {  	s22 =	simm.s32 $0xE600;
	[sflag:s25] =	ssyncadd.s32 $0xFFFFF000;
	s18 =	sadd.s32 s4, s18  }
0x114: {  	[hbm4b:s18+s2] =	stream.linear.scatter [tilespmem:s22], [sflag:$0x4], $0x1000, $0x38;
	[tilespmem:$0x13700] =	vst v63  }
0x115: {  	s24 =	sadd.s32 s29, s17;
	_ =	swait.ge [sflag:s25], $0x1000  }
0x116: {  	s18 =	sshrl.u32 s24, $0x3;
	[sflag:s25] =	ssyncset.done $0x0  }
0x117: {  	s26 =	simm.s32 $0xF600;
	s18 =	sadd.s32 s4, s18;
	[sflag:s25] =	ssyncadd.s32 $0xFFFFF000  }
0x118: {  	[hbm4b:s18+s2] =	stream.linear.scatter [tilespmem:s26], [sflag:$0x4], $0x1000, $0x38;
	[tilespmem:$0x13700] =	vst v63  }
0x119: {  	s22 =	sadd.s32 s30, s17;
	_ =	swait.ge [sflag:s25], $0x1000  }
0x11a: {  	s24 =	simm.s32 $0x10600;
	s18 =	sshrl.u32 s22, $0x3;
	[sflag:s25] =	ssyncset.done $0x0  }
0x11b: {  	s17 =	sadd.s32 s31, s17;
	s18 =	sadd.s32 s4, s18;
	[sflag:s25] =	ssyncadd.s32 $0xFFFFF000  }
0x11c: {  	[hbm4b:s18+s2] =	stream.linear.scatter [tilespmem:s24], [sflag:$0x4], $0x1000, $0x38;
	[tilespmem:$0x13700] =	vst v63  }
0x11d: {  	s17 =	sshrl.u32 s17, $0x3;
	_ =	swait.ge [sflag:s25], $0x1000  }
0x11e: {  	s17 =	sadd.s32 s4, s17;
	[sflag:s25] =	ssyncset.done $0x0  }
.Ltmp9:
0x11f: {  	s26 =	simm.s32 $0x11600;
	[sflag:s25] =	ssyncadd.s32 $0xFFFFF000;
	(pc) =	sbr.rel .LBB2_10-.Ltmp9, $4  }
0x120: {  	[hbm4b:s17+s2] =	stream.linear.scatter [tilespmem:s26], [sflag:$0x3], $0x1000, $0x38;
	[tilespmem:$0x13700] =	vst v63  }
0x121: {  	_ =	swait.ge [sflag:s0], $0x1000  }
0x122: {  	[sflag:s0] =	ssyncset.done $0x0  }
0x123: {  	[sflag:s0] =	ssyncadd.s32 $0xFFFFF000  }
.LBB2_12:
0x124: {  	_ =	sfence.sel $0x180000  }
0x125: {  	[bflag:$0x0] =	sbarrier.arrive $0xFFFF  }
0x126: {  	_ =	strace $0x9000004A  }
0x127: {  	s0 =	stileid.u32;
	[bflag:$0x2] =	sbarrier.arrive $0xFFFF  }
0x128: {  	p0 =	sne.s32 s0, $0x0;
	s0 =	rddreg [dreg:$0x2]  }
0x129: {  	s0 =	sadd.s32 @!p0 $0x100000, s0  }
0x12a: {  	[sflag:s0] =	ssyncadd.tile.s32 @!p0 $0x1;
	_ =	shalt  }
.Lfunc_end2:
_tile_overlayer_lowered:
.L_overlay_start_2:
0x12b: {  	(tag) =	ssettag $0x2  }
0x12c: {  	s0 =	rddreg [dreg:$0x0];
	s2 =	stileid.u32  }
0x12d: {  	s1 =	rddreg [dreg:$0x1];
	p0 =	sne.s32 s2, $0x0  }
0x12e: {  	s3 =	rddreg [dreg:$0x2];
	[bflag:$0x3] =	sbarrier.arrive $0xFFFF;
	s2 =	simm.s32 @!p0 $0x1C03  }
0x12f: {  	[timem:s3], [sflag:s2] =	dma.local @!p0 [hbm:s0], s1  }
0x130: {  	s0 =	simm.s32 @!p0 $0x3  }
0x131: {  	_ =	swait.ge @!p0 [sflag:s0], s1  }
0x132: {  	s1 =	ssub.s32 @!p0 $0x0, s1;
	[sflag:s0] =	ssyncset.done @!p0 $0x0  }
0x133: {  	[sflag:s0] =	ssyncadd.s32 @!p0 s1  }
0x134: {  	[bflag:$0x3] =	sbarrier.arrive $0xFFFF  }
0x135: {  	_ =	shalt  }

// kernel: kernel.7.cloned.1.call-start
scs
__scs_entry_jumppad:
0x0: {  	(pc) =	sbr.rel $0x88, $3  }
0x1: {  	(tag) =	ssettag $0x0;
	lr =	simm.s32 $0x1  }
0x2: {  	[smem:$0x3F91] =	sst lr;
	_ =	strace $0xD0000000  }
0x3: {  	_ = 	snop  }
0x4: {  	_ = 	snop  }
0x5: {  	_ = 	snop  }
0x6: {  	_ = 	snop  }
0x7: {  	_ = 	snop  }
__scs_overlays_trampoline_lowered:
0x8: {  	[smem:$0x3FA0] =	sst s0  }
0x9: {  	[smem:$0x3FA1] =	sst s1  }
0xa: {  	[smem:$0x3FA2] =	sst s2  }
0xb: {  	[smem:$0x3FA3] =	sst s3  }
0xc: {  	[smem:$0x3FA4] =	sst s4  }
0xd: {  	[smem:$0x3FA5] =	sst s5  }
0xe: {  	[smem:$0x3FA6] =	sst s6  }
0xf: {  	[smem:$0x3FA7] =	sst s7  }
0x10: {  	[smem:$0x3FA8] =	sst s8  }
0x11: {  	[smem:$0x3FA9] =	sst s9;
	s0 =	simm.s32 @!p0 $0x0  }
0x12: {  	s1 =	sld [smem:$0x3F8F];
	s0 =	simm.s32 @p0 $0x1  }
0x13: {  	[smem:$0x3FAA] =	sst s0;
	s0 =	simm.s32 @!p1 $0x0  }
0x14: {  	s2 =	sld [smem:$0x3F8E];
	s0 =	simm.s32 @p1 $0x1  }
0x15: {  	[smem:$0x3FAB] =	sst s0;
	s0 =	simm.s32 @!p2 $0x0  }
0x16: {  	s3 =	sld [smem:$0x3FDB];
	s0 =	simm.s32 @p2 $0x1  }
0x17: {  	s4 =	simm.s32 $0x1BF5;
	[smem:$0x3FAD] =	sst s0  }
0x18: {  	s0 =	sld [smem:$0x3F90];
	_ =	swait.ge [sflag:s4], $0x0  }
0x19: {  	s7 =	sld [smem:$0x3F91]  }
0x1a: {  	s8 =	sadd.s32 $0xFFFFE003, lr  }
0x1b: {  	s9 =	sadd.s32 $0xFFFFFEF7, lr;
	s5 =	simm.s32 $0xFFFFFFFF;
	p2 =	slt.u32 s8, $0xFFFFF086  }
0x1c: {  	p1 =	slt.u32 s9, $0xF7A;
	s5 =	simm.s32 @!p2 $0x0  }
0x1d: {  	s5 =	simm.s32 @p1 $0x1;
	p0 =	seq.s32 s7, s2  }
0x1e: {  	s7 =	smul.u32 @!p0 $0xF7A, s2;
	p2 =	seq.s32 @!p0 s5, $0x0  }
0x1f: {  	s9 =	smul.u32 $0xF7A, s1;
	s8 =	simm.s32 @!p0 $0x1BF5;
	p2 =	por !p2, p0  }
0x20: {  	[sflag:s8] =	ssyncset.s32 @!p0 $0xFFFFF086;
	s6 =	sadd.s32 @!p0 s3, s7;
	s7 =	simm.s32 @!p0 $0x108  }
0x21: {  	s3 =	sadd.s32 s3, s9;
	s6 =	sadd.s32 @!p0 $0x88, s6;
	s7 =	simm.s32 @p2 $0x1082  }
0x22: {  	[simem:s7], [sflag:s8] =	dma.local @!p0 [hbm:s6], $0xF7A  }
0x23: {  	s9 =	sor.u32 $0xD0000000, s2;
	s6 =	simm.s32 $0x108;
	_ =	swait.ge @!p0 [sflag:s8], $0x0  }
0x24: {  	s3 =	sadd.s32 $0x88, s3;
	s6 =	simm.s32 @!p1 $0x1082;
	[sflag:s4] =	ssyncset.s32 $0xFFFFF086  }
0x25: {  	[simem:s6], [sflag:s4] =	dma.local [hbm:s3], $0xF7A  }
0x26: {  	[smem:$0x3F91] =	sst s1;
	(tag) =	ssettag s2;
	_ =	strace s9  }
0x27: {  	s1 =	sld [smem:$0x3FA1]  }
0x28: {  	s2 =	sld [smem:$0x3FA2]  }
0x29: {  	s4 =	sld [smem:$0x3FA4]  }
0x2a: {  	p0 =	seq.s32 s5, $0x0;
	s5 =	sld [smem:$0x3FA5]  }
0x2b: {  	s6 =	sld [smem:$0x3FA6]  }
0x2c: {  	s7 =	sld [smem:$0x3FA7]  }
0x2d: {  	s3 =	simm.s32 $0x108;
	s8 =	sld [smem:$0x3FA8]  }
0x2e: {  	s3 =	simm.s32 @!p0 $0x1082;
	s9 =	sld [smem:$0x3FA9]  }
0x2f: {  	lr =	sadd.s32 s0, s3;
	s0 =	sld [smem:$0x3FA0]  }
0x30: {  	s3 =	sld [smem:$0x3FA3]  }
0x31: {  	[smem:$0x3FAC] =	sst s10  }
0x32: {  	s10 =	sld [smem:$0x3FAA];
	_ =	sdelay $0x3  }
0x33: {  	p0 =	seq.s32 s10, $0x1;
	s10 =	sld [smem:$0x3FAC];
	_ =	sdelay $0x3  }
0x34: {  	[smem:$0x3FAC] =	sst s10  }
0x35: {  	s10 =	sld [smem:$0x3FAB];
	_ =	sdelay $0x3  }
0x36: {  	p1 =	seq.s32 s10, $0x1;
	s10 =	sld [smem:$0x3FAC];
	_ =	sdelay $0x3  }
0x37: {  	[smem:$0x3FAC] =	sst s10  }
0x38: {  	s10 =	sld [smem:$0x3FAD]  }
0x39: {  	_ = 	snop;
	(pc) =	sbr.ind lr, $3  }
0x3a: {  	_ = 	snop  }
0x3b: {  	_ = 	snop  }
0x3c: {  	p2 =	seq.s32 s10, $0x1;
	s10 =	sld [smem:$0x3FAC]  }
0x3d: {  	_ =	shalt  }
0x3e: {  	_ =	shalt  }
0x3f: {  	_ =	shalt  }
0x40: {  	_ =	shalt  }
0x41: {  	_ =	shalt  }
0x42: {  	_ =	shalt  }
0x43: {  	_ =	shalt  }
0x44: {  	_ =	shalt  }
0x45: {  	_ =	shalt  }
0x46: {  	_ =	shalt  }
0x47: {  	_ =	shalt  }
0x48: {  	_ =	shalt  }
0x49: {  	_ =	shalt  }
0x4a: {  	_ =	shalt  }
0x4b: {  	_ =	shalt  }
0x4c: {  	_ =	shalt  }
0x4d: {  	_ =	shalt  }
0x4e: {  	_ =	shalt  }
0x4f: {  	_ =	shalt  }
0x50: {  	_ =	shalt  }
0x51: {  	_ =	shalt  }
0x52: {  	_ =	shalt  }
0x53: {  	_ =	shalt  }
0x54: {  	_ =	shalt  }
0x55: {  	_ =	shalt  }
0x56: {  	_ =	shalt  }
0x57: {  	_ =	shalt  }
0x58: {  	_ =	shalt  }
0x59: {  	_ =	shalt  }
0x5a: {  	_ =	shalt  }
0x5b: {  	_ =	shalt  }
0x5c: {  	_ =	shalt  }
0x5d: {  	_ =	shalt  }
0x5e: {  	_ =	shalt  }
0x5f: {  	_ =	shalt  }
0x60: {  	_ =	shalt  }
0x61: {  	_ =	shalt  }
0x62: {  	_ =	shalt  }
0x63: {  	_ =	shalt  }
0x64: {  	_ =	shalt  }
0x65: {  	_ =	shalt  }
0x66: {  	_ =	shalt  }
0x67: {  	_ =	shalt  }
0x68: {  	_ =	shalt  }
0x69: {  	_ =	shalt  }
0x6a: {  	_ =	shalt  }
0x6b: {  	_ =	shalt  }
0x6c: {  	_ =	shalt  }
0x6d: {  	_ =	shalt  }
0x6e: {  	_ =	shalt  }
0x6f: {  	_ =	shalt  }
0x70: {  	_ =	shalt  }
0x71: {  	_ =	shalt  }
0x72: {  	_ =	shalt  }
0x73: {  	_ =	shalt  }
0x74: {  	_ =	shalt  }
0x75: {  	_ =	shalt  }
0x76: {  	_ =	shalt  }
0x77: {  	_ =	shalt  }
0x78: {  	_ =	shalt  }
0x79: {  	_ =	shalt  }
0x7a: {  	_ =	shalt  }
0x7b: {  	_ =	shalt  }
0x7c: {  	_ =	shalt  }
0x7d: {  	_ =	shalt  }
0x7e: {  	_ =	shalt  }
0x7f: {  	_ =	shalt  }
0x80: {  	_ =	shalt  }
0x81: {  	_ =	shalt  }
0x82: {  	_ =	shalt  }
0x83: {  	_ =	shalt  }
0x84: {  	_ =	shalt  }
0x85: {  	_ =	shalt  }
0x86: {  	_ =	shalt  }
0x87: {  	_ =	shalt  }
.Lfunc_end0:
.L_simem_size_0:
called_computation_lowered:
.L_overlay_start_0:
0x88: {  	s2 =	sld [smem:$0x3FD9]  }
0x89: {  	s3 =	sld [smem:$0x3FFE];
	_ =	sdelay $0x1  }
0x8a: {  	s1 =	srdreg.scid  }
0x8b: {  	s0 =	sand.u32 $0x1, s1  }
0x8c: {  	s14 =	sshll.u32 s0, $0xA;
	s2 =	sadd.s32 s3, s2  }
0x8d: {  	s2 =	sadd.s32 s2, s14  }
0x8e: {  	[smem:$0x3FB8] =	sst s2  }
0x8f: {  	_ = 	snop  }
0x90: {  	s2 =	sld [smem:$0x3FD0];
	_ =	sdelay $0x2  }
0x91: {  	s15 =	simm.s32 $0xA;
	s4 =	simm.s32 $0x10  }
0x92: {  	[smem:s4], [sflag:s15] =	dma.local [hbm:s2], $0x1  }
0x93: {  	_ =	swait.eq [sflag:s15], $0x1  }
0x94: {  	[sflag:s15] =	ssyncset.done $0x0  }
0x95: {  	s16 =	sld [smem:$0x11];
	[sflag:s15] =	ssyncadd.s32 $0xFFFFFFFF  }
0x96: {  	s17 =	sld [smem:$0x12];
	(tm) =	ssettm $0x1  }
0x97: {  	s18 =	sld [smem:$0x3FFB];
	_ =	sdelay $0x3  }
0x98: {  	_ =	strace s18  }
0x99: {  	s4 =	sld [smem:$0x3FFC];
	_ =	sdelay $0x3  }
0x9a: {  	_ =	strace s4  }
0x9b: {  	s4 =	sld [smem:$0x3FFD];
	_ =	sdelay $0x3  }
0x9c: {  	_ =	strace s4  }
0x9d: {  	_ =	strace $0x8FFFFFFF  }
0x9e: {  	s19 =	sld [smem:$0x3FDB];
	_ =	sdelay $0x1  }
0x9f: {  	s5 =	simm.s32 $_scs_section_size  }
0xa0: {  	s6 =	simm.s32 $_size__tile_overlayer_lowered;
	s7 =	simm.s32 $_tile_overlayer_lowered  }
0xa1: {  	s22 =	simm.s32 $0x1BFF;
	s21 =	sshll.u32 s7, $0x1;
	s4 =	sadd.s32 s5, s19  }
0xa2: {  	s8 =	simm.s32 $0x0;
	s20 =	sshll.u32 s6, $0x1;
	s6 =	sadd.s32 s21, s4  }
0xa3: {  	[timem:s8], [sflag:s22] =	dma.local [hbm:s6], s20  }
0xa4: {  	_ =	swait.ge [sflag:s22], s20  }
0xa5: {  	s5 =	ssub.s32 $0x0, s20;
	[sflag:s22] =	ssyncset.done $0x0  }
0xa6: {  	[sflag:s22] =	ssyncadd.s32 s5;
	_ =	sdelay $0x1  }
0xa7: {  	s23 =	simm.s32 $0x1B8B  }
0xa8: {  	_ =	swait.ge [sflag:s23], $0x1  }
0xa9: {  	[sflag:s23] =	ssyncset.done $0x0  }
0xaa: {  	s25 =	simm.s32 $0x1B8E;
	s24 =	sld [smem:$0x3FFE];
	[sflag:s23] =	ssyncadd.s32 $0xFFFFFFFF  }
0xab: {  	s26 =	simm.s32 $execute0_lowered;
	[smem:$0x3FD2] =	sst s25  }
0xac: {  	s6 =	sshll.u32 s26, $0x1;
	_ =	strace $0x80000046;
	[dreg:$0x1] =	wrdreg $0xFFFFFFFF  }
0xad: {  	s28 =	simm.s32 $_size_execute0_lowered;
	s4 =	sadd.s32 s4, s6;
	[dreg:$0x0] =	wrdreg $0x0  }
0xae: {  	s6 =	sshll.u32 s28, $0x1;
	[dreg:$0x2] =	wrdreg s4  }
0xaf: {  	[dreg:$0x3] =	wrdreg s6  }
0xb0: {  	[dreg:$0x4] =	wrdreg $0xC0  }
0xb1: {  	_ =	task [dreg:s8], $0x5FFFF  }
0xb2: {  	[dreg:$0x1] =	wrdreg $0xFFFFFFFF  }
0xb3: {  	[dreg:$0x0] =	wrdreg $0x60  }
0xb4: {  	[dreg:$0x2] =	wrdreg s24  }
0xb5: {  	[dreg:$0x3] =	wrdreg s16  }
0xb6: {  	[dreg:$0x4] =	wrdreg s17  }
0xb7: {  	[dreg:$0x5] =	wrdreg $0x9  }
0xb8: {  	_ =	task.clear_ibuf [dreg:s8], $0x6FFFF;
	_ =	strace $0x90000046  }
0xb9: {  	s29 =	simm.s32 $0x9;
	_ =	strace $0x80000048  }
0xba: {  	_ =	swait.ge [sflag:s29], $0x1  }
0xbb: {  	[sflag:s29] =	ssyncadd.s32 $0xFFFFFFFF  }
0xbc: {  	_ =	strace $0x90000048  }
0xbd: {  	_ =	sfence  }
0xbe: {  	s30 =	sld [smem:$0x0];
	_ =	sdelay $0x2  }
0xbf: {  	s31 =	sshll.u32 s1, $0xD;
	s1 =	sshrl.u32 s1, $0x2  }
0xc0: {  	s3 =	sand.u32 $0x4000, s31;
	s1 =	sadd.s32 s1, s30  }
0xc1: {  	s0 =	sor.u32 s3, s0;
	s1 =	sshll.u32 s1, $0x11  }
0xc2: {  	s0 =	sor.u32 s1, s0  }
0xc3: {  	s0 =	sadd.s32 $0x8F2B, s0  }
0xc4: {  	[sflag:s0] =	ssyncadd.remote.s32 $0x1  }
0xc5: {  	_ =	sfence.sel $0xFFFF  }
0xc6: {  	[dreg:$0x0] =	wrdreg $0xFFFFFFFF;
	(pc) =	sbr.abs _section_cstart, $3  }
0xc7: {  	[dreg:$0x1] =	wrdreg $0xFFFFFFFF  }
0xc8: {  	_ =	task.clear_ibuf [dreg:s8], $0x2FFFF;
	_ =	strace $0x9FFFFFFF  }
0xc9: {  	(tm) =	ssettm $0x7FFFFFFF  }
tec
execute0_lowered:
.L_overlay_start_1:
0x0: {  	(tag) =	ssettag $0x1  }
0x1: {  	s0 =	srdreg.scid  }
0x2: {  	s1 =	stileid.u32;
	s2 =	sand.u32 $0x1, s0  }
0x3: {  	s3 =	rddreg [dreg:$0x0];
	s0 =	sor.u32 s2, s1  }
0x4: {  	s6 =	rddreg [dreg:$0x1];
	p1 =	seq.s32 s2, $0x1;
	p0 =	seq.s32 s0, $0x0  }
0x5: {  	s7 =	rddreg [dreg:$0x2];
	s28 =	simm.s32 $0x1;
	p0 =	por !p0, !p1  }
0x6: {  	s30 =	simm.s32 $0x1000;
	s0 =	simm.s32 $0x1;
	p0 =	por !p0, !p0  }
0x7: {  	s31 =	simm.s32 $0x2000;
	s8 =	sadd.s32 $0x3400, s3;
	s0 =	simm.s32 @!p0 $0x0  }
0x8: {  	s9 =	sadd.s32 $0x10400, s3;
	s11 =	ssub.s32 $0x2, s2;
	s5 =	ssub.s32 s1, s0  }
0x9: {  	s10 =	sshll.u32 s2, $0x9;
	s14 =	sshrl.u32 s11, $0x1;
	s12 =	smul.u32 $0x3000, s5  }
0xa: {  	s1 =	simm.s32 $0x0;
	s0 =	sshll.u32 s5, $0x9;
	s15 =	smul.u32 $0x3, s5  }
0xb: {  	[smem:$0x7FF] =	sst s1;
	s4 =	sshll.u32 s5, $0xA;
	s17 =	smul.u32 $0x6000, s5  }
0xc: {  	s18 =	smul.u32 $0xC00, s5;
	s0 =	sand.u32 $0x1FFFFE00, s0;
	s4 =	sor.u32 s10, s4  }
0xd: {  	s5 =	smul.u32 $0x2400, s5;
	s0 =	sadd.s32 s0, s3;
	s13 =	sshrl.u32 s4, $0x3  }
0xe: {  	s4 =	sadd.s32 $0xB400, s3;
	s20 =	sshrl.u32 s12, $0x3;
	s12 =	sadd.s32 $0x1, s15  }
0xf: {  	s24 =	sadd.s32 $0x2000, s17;
	s25 =	sshrl.u32 s17, $0x3;
	s26 =	sadd.s32 $0x3000, s17  }
0x10: {  	s5 =	sor.u32 s10, s5;
	s2 =	sadd.s32 s13, s3;
	s3 =	ssub.s32 s11, s14  }
0x11: {  	s14 =	sadd.s32 $0x2, s15;
	s21 =	sshll.u32 s12, $0x9;
	s11 =	sadd.s32 s8, s20  }
0x12: {  	s20 =	sadd.s32 s6, s25;
	s15 =	sshrl.u32 s26, $0x3;
	s7 =	sadd.s32 s7, s13  }
0x13: {  	s16 =	sshll.u32 s14, $0x9;
	[dreg:$0x4] =	wrdreg s11;
	s22 =	sand.u32 $0x1FFFFE00, s21  }
0x14: {  	[dreg:$0xb] =	wrdreg s7;
	s29 =	sadd.s32 $0x200, s20;
	s23 =	sand.u32 $0x1FFFFE00, s16  }
0x15: {  	s11 =	sadd.s32 s8, s22;
	s16 =	sadd.s32 $0x4000, s17;
	s17 =	sadd.s32 $0x5000, s17  }
0x16: {  	s22 =	sor.u32 s10, s18;
	s18 =	sadd.s32 $0x1000, s5;
	[dreg:$0x5] =	wrdreg s11  }
0x17: {  	s8 =	sadd.s32 s8, s23;
	s19 =	sshrl.u32 s16, $0x3;
	s21 =	sshrl.u32 s17, $0x3  }
0x18: {  	s23 =	sshll.u32 s12, $0xA;
	s11 =	sshrl.u32 s5, $0x3;
	s12 =	sadd.s32 $0x400, s5  }
0x19: {  	s16 =	sadd.s32 $0xC00, s5;
	[dreg:$0x6] =	wrdreg s8;
	s8 =	sshrl.u32 s24, $0x3  }
0x1a: {  	s7 =	sor.u32 s10, s23;
	s24 =	sshll.u32 s14, $0xA;
	s13 =	sshrl.u32 s12, $0x3  }
0x1b: {  	s14 =	sadd.s32 $0x800, s5;
	s17 =	sshrl.u32 s16, $0x3;
	s23 =	sadd.s32 $0x1800, s5  }
0x1c: {  	s8 =	sadd.s32 s6, s8;
	s25 =	sshrl.u32 s7, $0x3;
	s26 =	sor.u32 s10, s24  }
0x1d: {  	s24 =	sshrl.u32 s23, $0x3;
	s7 =	simm.s32 $0x9000;
	s10 =	simm.s32 $0xA200  }
0x1e: {  	[dreg:$0x7] =	wrdreg s8;
	s8 =	sadd.s32 s6, s15;
	s15 =	sshrl.u32 s14, $0x3  }
0x1f: {  	[dreg:$0x8] =	wrdreg s8;
	s8 =	sadd.s32 s6, s19;
	s6 =	sadd.s32 s6, s21  }
0x20: {  	s19 =	sshrl.u32 s18, $0x3;
	s21 =	sadd.s32 $0x1400, s5;
	[dreg:$0x9] =	wrdreg s8  }
0x21: {  	[dreg:$0xa] =	wrdreg s6;
	s6 =	sshrl.u32 s22, $0x3;
	s8 =	sshrl.u32 s26, $0x3  }
0x22: {  	s18 =	sadd.s32 s4, s19;
	s22 =	sshrl.u32 s21, $0x3;
	s21 =	sadd.s32 s4, s24  }
0x23: {  	s24 =	sadd.s32 $0x9400, s0;
	s0 =	simm.s32 $0x4000;
	s6 =	sadd.s32 s9, s6  }
0x24: {  	s19 =	sadd.s32 s4, s22;
	[dreg:$0xc] =	wrdreg s6;
	s6 =	sadd.s32 s9, s25  }
0x25: {  	s25 =	sadd.s32 $0x1C00, s5;
	s5 =	sadd.s32 $0x2000, s5;
	[dreg:$0xd] =	wrdreg s6  }
0x26: {  	s6 =	sadd.s32 s9, s8;
	s26 =	sshrl.u32 s25, $0x3;
	s5 =	sshrl.u32 s5, $0x3  }
0x27: {  	s25 =	sadd.s32 $0xFC00, s2;
	s2 =	simm.s32 $0x5000;
	s8 =	simm.s32 $0xA400  }
0x28: {  	s9 =	simm.s32 $0xA800;
	[dreg:$0xe] =	wrdreg s6;
	s6 =	sadd.s32 s4, s11  }
0x29: {  	s22 =	sadd.s32 s4, s26;
	s23 =	sadd.s32 s4, s5;
	s26 =	smax.u32 s3, $0x1  }
0x2a: {  	s3 =	simm.s32 $0x6000;
	[dreg:$0xf] =	wrdreg s6;
	s6 =	sadd.s32 s4, s13  }
0x2b: {  	s5 =	simm.s32 $0xA600;
	[dreg:$0x10] =	wrdreg s6;
	s6 =	sadd.s32 s4, s15  }
0x2c: {  	s11 =	simm.s32 $0x0;
	[dreg:$0x11] =	wrdreg s6;
	s6 =	sadd.s32 s4, s17  }
0x2d: {  	s17 =	smov.u32 s20;
	s20 =	simm.s32 $0x3000;
	[dreg:$0x12] =	wrdreg s6  }
0x2e: {  	s4 =	simm.s32 $0x7000;
	s6 =	simm.s32 $0x8000;
	_ =	strace $0x80000047  }
.LBB2_1:
0x2f: {  	s12 =	rddreg [dreg:$0x4]  }
0x30: {  	[tilespmem:s1], [sflag:$0x1] =	stream.linear.gather [hbm4b:s12+s1], $0x1000, $0x38;
	[tilespmem:$0xB600] =	vst v63  }
0x31: {  	_ =	swait.ge [sflag:s28], $0x1000  }
0x32: {  	[sflag:s28] =	ssyncset.done $0x0  }
0x33: {  	s15 =	rddreg [dreg:$0x5];
	[sflag:s28] =	ssyncadd.s32 $0xFFFFF000  }
0x34: {  	[tilespmem:s30], [sflag:$0x1] =	stream.linear.gather [hbm4b:s15+s1], $0x1000, $0x38;
	[tilespmem:$0xB600] =	vst v63  }
0x35: {  	_ =	swait.ge [sflag:s28], $0x1000  }
0x36: {  	[sflag:s28] =	ssyncset.done $0x0  }
0x37: {  	s16 =	rddreg [dreg:$0x6];
	[sflag:s28] =	ssyncadd.s32 $0xFFFFF000  }
0x38: {  	[tilespmem:s31], [sflag:$0x1] =	stream.linear.gather [hbm4b:s16+s1], $0x1000, $0x38;
	[tilespmem:$0xB600] =	vst v63  }
0x39: {  	_ =	swait.ge [sflag:s28], $0x1000  }
0x3a: {  	[sflag:s28] =	ssyncset.done $0x0  }
0x3b: {  	[sflag:s28] =	ssyncadd.s32 $0xFFFFF000  }
0x3c: {  	[tilespmem:s20], [sflag:$0x1] =	stream.linear.gather [hbm4b:s17+s1], $0x1000, $0x38;
	[tilespmem:$0xB600] =	vst v63  }
0x3d: {  	_ =	swait.ge [sflag:s28], $0x1000  }
0x3e: {  	[sflag:s28] =	ssyncset.done $0x0  }
0x3f: {  	[sflag:s28] =	ssyncadd.s32 $0xFFFFF000  }
0x40: {  	[tilespmem:s0], [sflag:$0x1] =	stream.linear.gather [hbm4b:s29+s1], $0x1000, $0x38;
	[tilespmem:$0xB600] =	vst v63  }
0x41: {  	_ =	swait.ge [sflag:s28], $0x1000  }
0x42: {  	[sflag:s28] =	ssyncset.done $0x0  }
0x43: {  	s13 =	rddreg [dreg:$0x7];
	[sflag:s28] =	ssyncadd.s32 $0xFFFFF000  }
0x44: {  	[tilespmem:s2], [sflag:$0x1] =	stream.linear.gather [hbm4b:s13+s1], $0x1000, $0x38;
	[tilespmem:$0xB600] =	vst v63  }
0x45: {  	_ =	swait.ge [sflag:s28], $0x1000  }
0x46: {  	[sflag:s28] =	ssyncset.done $0x0  }
0x47: {  	s14 =	rddreg [dreg:$0x8];
	[sflag:s28] =	ssyncadd.s32 $0xFFFFF000  }
0x48: {  	[tilespmem:s3], [sflag:$0x1] =	stream.linear.gather [hbm4b:s14+s1], $0x1000, $0x38;
	[tilespmem:$0xB600] =	vst v63  }
0x49: {  	_ =	swait.ge [sflag:s28], $0x1000  }
0x4a: {  	[sflag:s28] =	ssyncset.done $0x0  }
0x4b: {  	s15 =	rddreg [dreg:$0x9];
	[sflag:s28] =	ssyncadd.s32 $0xFFFFF000  }
0x4c: {  	[tilespmem:s4], [sflag:$0x1] =	stream.linear.gather [hbm4b:s15+s1], $0x1000, $0x38;
	[tilespmem:$0xB600] =	vst v63  }
0x4d: {  	_ =	swait.ge [sflag:s28], $0x1000  }
0x4e: {  	[sflag:s28] =	ssyncset.done $0x0  }
0x4f: {  	s16 =	rddreg [dreg:$0xa];
	[sflag:s28] =	ssyncadd.s32 $0xFFFFF000  }
0x50: {  	[tilespmem:s6], [sflag:$0x1] =	stream.linear.gather [hbm4b:s16+s1], $0x1000, $0x38;
	[tilespmem:$0xB600] =	vst v63  }
0x51: {  	_ =	swait.ge [sflag:s28], $0x1000  }
0x52: {  	[sflag:s28] =	ssyncset.done $0x0  }
0x53: {  	[sflag:s28] =	ssyncadd.s32 $0xFFFFF000  }
0x54: {  	[tilespmem:s7], [sflag:$0x1] =	stream.linear.gather [hbm4b:s24+s1], $0x1000, $0x38;
	[tilespmem:$0xB600] =	vst v63  }
0x55: {  	_ =	swait.ge [sflag:s28], $0x1000  }
0x56: {  	[sflag:s28] =	ssyncset.done $0x0  }
0x57: {  	s12 =	simm.s32 $0xA000;
	s13 =	rddreg [dreg:$0xb];
	[sflag:s28] =	ssyncadd.s32 $0xFFFFF000  }
0x58: {  	[tilespmem:s12], [sflag:$0x1] =	stream.linear.gather [hbm4b:s13+s1], $0x200, $0x38;
	[tilespmem:$0xB600] =	vst v63  }
0x59: {  	_ =	swait.ge [sflag:s28], $0x200  }
0x5a: {  	[sflag:s28] =	ssyncset.done $0x0  }
0x5b: {  	[sflag:s28] =	ssyncadd.s32 $0xFFFFFE00  }
0x5c: {  	v0 =	vld [tilespmem:s12+$0x0];
	_ =	sdelay $0x7  }
0x5d: {  	v1 =	vld.idx.msk [tilespmem:v0+s1+$0x0], $0xffff;
	_ =	sdelay $0x4  }
0x5e: {  	[tilespmem:s8+$0x0] =	vst v1  }
0x5f: {  	v1 =	vld.idx.msk [tilespmem:v0+s30+$0x0], $0xffff;
	_ =	sdelay $0x3  }
0x60: {  	s16 =	sand.u32 $0x1F0, s1  }
0x61: {  	[tilespmem:s16+$0xA600] =	vst v1  }
0x62: {  	v1 =	vld.idx.msk [tilespmem:v0+s31+$0x0], $0xffff;
	_ =	sdelay $0x4  }
0x63: {  	[tilespmem:s16+$0xA800] =	vst v1  }
0x64: {  	v1 =	vld.idx.msk [tilespmem:v0+s7+$0x0], $0xffff;
	_ =	sdelay $0x4  }
0x65: {  	[tilespmem:s10+$0x0] =	vst v1  }
0x66: {  	v1 =	vld.idx.msk [tilespmem:v0+s20+$0x0], $0xffff;
	_ =	sdelay $0x4  }
0x67: {  	[tilespmem:s16+$0xAA00] =	vst v1  }
0x68: {  	v1 =	vld.idx.msk [tilespmem:v0+s0+$0x0], $0xffff;
	_ =	sdelay $0x4  }
0x69: {  	[tilespmem:s16+$0xAC00] =	vst v1  }
0x6a: {  	v1 =	vld.idx.msk [tilespmem:v0+s2+$0x0], $0xffff;
	_ =	sdelay $0x4  }
0x6b: {  	[tilespmem:s16+$0xAE00] =	vst v1  }
0x6c: {  	v1 =	vld.idx.msk [tilespmem:v0+s3+$0x0], $0xffff;
	_ =	sdelay $0x4  }
0x6d: {  	[tilespmem:s16+$0xB000] =	vst v1  }
0x6e: {  	v1 =	vld.idx.msk [tilespmem:v0+s4+$0x0], $0xffff;
	_ =	sdelay $0x4  }
0x6f: {  	[tilespmem:s16+$0xB200] =	vst v1  }
0x70: {  	s14 =	simm.s32 $0xA400;
	s15 =	simm.s32 $0xA200;
	s13 =	simm.s32 $0x10;
	v0 =	vld.idx.msk [tilespmem:v0+s6+$0x0], $0xffff  }
.LBB2_2:
0x71: {  	_ =	sdelay $0x3  }
0x72: {  	s12 =	sadd.s32 $0x10, s12;
	s14 =	sadd.s32 $0x10, s14;
	s15 =	sadd.s32 $0x10, s15;
	[tilespmem:s16+$0xB400] =	vst v0  }
0x73: {  	p0 =	sne.s32 s13, $0x1F0;
	s16 =	smov.u32 s13;
	s13 =	sadd.s32 $0x10, s13;
	v0 =	vld [tilespmem:s12+$0x0]  }
0x74: {  	_ =	sdelay $0x6  }
0x75: {  	v1 =	vld.idx.msk [tilespmem:v0+s1+$0x0], $0xffff;
	_ =	sdelay $0x5  }
0x76: {  	[tilespmem:s14+$0x0] =	vst v1  }
0x77: {  	v1 =	vld.idx.msk [tilespmem:v0+s30+$0x0], $0xffff;
	_ =	sdelay $0x4  }
0x78: {  	s16 =	sand.u32 $0x1F0, s16  }
0x79: {  	[tilespmem:s16+$0xA600] =	vst v1  }
0x7a: {  	v1 =	vld.idx.msk [tilespmem:v0+s31+$0x0], $0xffff;
	_ =	sdelay $0x5  }
0x7b: {  	[tilespmem:s16+$0xA800] =	vst v1  }
0x7c: {  	v1 =	vld.idx.msk [tilespmem:v0+s7+$0x0], $0xffff;
	_ =	sdelay $0x5  }
0x7d: {  	[tilespmem:s15+$0x0] =	vst v1  }
0x7e: {  	v1 =	vld.idx.msk [tilespmem:v0+s20+$0x0], $0xffff;
	_ =	sdelay $0x5  }
0x7f: {  	[tilespmem:s16+$0xAA00] =	vst v1  }
0x80: {  	v1 =	vld.idx.msk [tilespmem:v0+s0+$0x0], $0xffff;
	_ =	sdelay $0x5  }
0x81: {  	[tilespmem:s16+$0xAC00] =	vst v1  }
0x82: {  	v1 =	vld.idx.msk [tilespmem:v0+s2+$0x0], $0xffff;
	_ =	sdelay $0x5  }
0x83: {  	[tilespmem:s16+$0xAE00] =	vst v1  }
0x84: {  	v1 =	vld.idx.msk [tilespmem:v0+s3+$0x0], $0xffff;
	_ =	sdelay $0x5  }
0x85: {  	[tilespmem:s16+$0xB000] =	vst v1  }
0x86: {  	v1 =	vld.idx.msk [tilespmem:v0+s4+$0x0], $0xffff;
	_ =	sdelay $0x2  }
.Ltmp0:
0x87: {  	(pc) =	sbr.rel @p0 .LBB2_2-.Ltmp0, $3  }
0x88: {  	_ =	sdelay $0x1  }
0x89: {  	[tilespmem:s16+$0xB200] =	vst v1  }
0x8a: {  	v0 =	vld.idx.msk [tilespmem:v0+s6+$0x0], $0xffff  }
0x8b: {  	_ =	sdelay $0x3  }
0x8c: {  	s12 =	rddreg [dreg:$0xc];
	[tilespmem:s16+$0xB400] =	vst v0  }
0x8d: {  	[hbm4b:s12+s1] =	stream.linear.scatter [tilespmem:s8], [sflag:$0x1], $0x200, $0x38;
	[tilespmem:$0xB600] =	vst v63  }
0x8e: {  	_ =	swait.ge [sflag:s28], $0x200  }
0x8f: {  	[sflag:s28] =	ssyncset.done $0x0  }
0x90: {  	s14 =	rddreg [dreg:$0xd];
	[sflag:s28] =	ssyncadd.s32 $0xFFFFFE00  }
0x91: {  	[hbm4b:s14+s1] =	stream.linear.scatter [tilespmem:s5], [sflag:$0x1], $0x200, $0x38;
	[tilespmem:$0xB600] =	vst v63  }
0x92: {  	_ =	swait.ge [sflag:s28], $0x200  }
0x93: {  	[sflag:s28] =	ssyncset.done $0x0  }
0x94: {  	s15 =	rddreg [dreg:$0xe];
	[sflag:s28] =	ssyncadd.s32 $0xFFFFFE00  }
0x95: {  	[hbm4b:s15+s1] =	stream.linear.scatter [tilespmem:s9], [sflag:$0x1], $0x200, $0x38;
	[tilespmem:$0xB600] =	vst v63  }
0x96: {  	_ =	swait.ge [sflag:s28], $0x200  }
0x97: {  	[sflag:s28] =	ssyncset.done $0x0  }
0x98: {  	[sflag:s28] =	ssyncadd.s32 $0xFFFFFE00  }
0x99: {  	[hbm4b:s25+s1] =	stream.linear.scatter [tilespmem:s10], [sflag:$0x1], $0x200, $0x38;
	[tilespmem:$0xB600] =	vst v63  }
0x9a: {  	_ =	swait.ge [sflag:s28], $0x200  }
0x9b: {  	[sflag:s28] =	ssyncset.done $0x0  }
0x9c: {  	s16 =	rddreg [dreg:$0xf];
	[sflag:s28] =	ssyncadd.s32 $0xFFFFFE00  }
0x9d: {  	[hbm4b:s16+s1] =	stream.linear.scatter [tilespmem:s8], [sflag:$0x1], $0x200, $0x38;
	[tilespmem:$0xB600] =	vst v63  }
0x9e: {  	_ =	swait.ge [sflag:s28], $0x200  }
0x9f: {  	[sflag:s28] =	ssyncset.done $0x0  }
0xa0: {  	s13 =	rddreg [dreg:$0x10];
	[sflag:s28] =	ssyncadd.s32 $0xFFFFFE00  }
0xa1: {  	[hbm4b:s13+s1] =	stream.linear.scatter [tilespmem:s5], [sflag:$0x1], $0x200, $0x38;
	[tilespmem:$0xB600] =	vst v63  }
0xa2: {  	_ =	swait.ge [sflag:s28], $0x200  }
0xa3: {  	[sflag:s28] =	ssyncset.done $0x0  }
0xa4: {  	s14 =	rddreg [dreg:$0x11];
	[sflag:s28] =	ssyncadd.s32 $0xFFFFFE00  }
0xa5: {  	[hbm4b:s14+s1] =	stream.linear.scatter [tilespmem:s9], [sflag:$0x1], $0x200, $0x38;
	[tilespmem:$0xB600] =	vst v63  }
0xa6: {  	_ =	swait.ge [sflag:s28], $0x200  }
0xa7: {  	[sflag:s28] =	ssyncset.done $0x0  }
0xa8: {  	s13 =	simm.s32 $0xAA00;
	s15 =	rddreg [dreg:$0x12];
	[sflag:s28] =	ssyncadd.s32 $0xFFFFFE00  }
0xa9: {  	[hbm4b:s15+s1] =	stream.linear.scatter [tilespmem:s13], [sflag:$0x1], $0x200, $0x38;
	[tilespmem:$0xB600] =	vst v63  }
0xaa: {  	_ =	swait.ge [sflag:s28], $0x200  }
0xab: {  	[sflag:s28] =	ssyncset.done $0x0  }
0xac: {  	s16 =	simm.s32 $0xAC00;
	[sflag:s28] =	ssyncadd.s32 $0xFFFFFE00  }
0xad: {  	[hbm4b:s18+s1] =	stream.linear.scatter [tilespmem:s16], [sflag:$0x1], $0x200, $0x38;
	[tilespmem:$0xB600] =	vst v63  }
0xae: {  	_ =	swait.ge [sflag:s28], $0x200  }
0xaf: {  	[sflag:s28] =	ssyncset.done $0x0  }
0xb0: {  	s13 =	simm.s32 $0xAE00;
	[sflag:s28] =	ssyncadd.s32 $0xFFFFFE00  }
0xb1: {  	[hbm4b:s19+s1] =	stream.linear.scatter [tilespmem:s13], [sflag:$0x1], $0x200, $0x38;
	[tilespmem:$0xB600] =	vst v63  }
0xb2: {  	_ =	swait.ge [sflag:s28], $0x200  }
0xb3: {  	[sflag:s28] =	ssyncset.done $0x0  }
0xb4: {  	s14 =	simm.s32 $0xB000;
	[sflag:s28] =	ssyncadd.s32 $0xFFFFFE00  }
0xb5: {  	[hbm4b:s21+s1] =	stream.linear.scatter [tilespmem:s14], [sflag:$0x1], $0x200, $0x38;
	[tilespmem:$0xB600] =	vst v63  }
0xb6: {  	_ =	swait.ge [sflag:s28], $0x200  }
0xb7: {  	[sflag:s28] =	ssyncset.done $0x0  }
0xb8: {  	s15 =	simm.s32 $0xB200;
	[sflag:s28] =	ssyncadd.s32 $0xFFFFFE00  }
0xb9: {  	[hbm4b:s22+s1] =	stream.linear.scatter [tilespmem:s15], [sflag:$0x1], $0x200, $0x38;
	[tilespmem:$0xB600] =	vst v63  }
0xba: {  	s11 =	sadd.s32 $0x1, s11;
	_ =	swait.ge [sflag:s28], $0x200  }
0xbb: {  	p0 =	sne.s32 s11, s26;
	[sflag:s28] =	ssyncset.done $0x0  }
.Ltmp1:
0xbc: {  	s16 =	simm.s32 $0xB400;
	[sflag:s28] =	ssyncadd.s32 $0xFFFFFE00;
	(pc) =	sbr.rel @p0 .LBB2_1-.Ltmp1, $4  }
0xbd: {  	[hbm4b:s23+s1] =	stream.linear.scatter [tilespmem:s16], [sflag:$0x1], $0x200, $0x38;
	[tilespmem:$0xB600] =	vst v63  }
0xbe: {  	_ =	swait.ge [sflag:s28], $0x200  }
0xbf: {  	[sflag:s28] =	ssyncset.done $0x0  }
0xc0: {  	[sflag:s28] =	ssyncadd.s32 $0xFFFFFE00  }
0xc1: {  	_ =	sfence.sel $0x180000  }
0xc2: {  	[bflag:$0x0] =	sbarrier.arrive $0xFFFF  }
0xc3: {  	_ =	strace $0x90000047  }
0xc4: {  	s0 =	stileid.u32;
	[bflag:$0x2] =	sbarrier.arrive $0xFFFF  }
0xc5: {  	p0 =	sne.s32 s0, $0x0;
	s0 =	rddreg [dreg:$0x3]  }
0xc6: {  	s0 =	sadd.s32 @!p0 $0x100000, s0  }
0xc7: {  	[sflag:s0] =	ssyncadd.tile.s32 @!p0 $0x1;
	_ =	shalt  }
.Lfunc_end2:
_tile_overlayer_lowered:
.L_overlay_start_2:
0xc8: {  	(tag) =	ssettag $0x2  }
0xc9: {  	s0 =	rddreg [dreg:$0x0];
	s2 =	stileid.u32  }
0xca: {  	s1 =	rddreg [dreg:$0x1];
	p0 =	sne.s32 s2, $0x0  }
0xcb: {  	s3 =	rddreg [dreg:$0x2];
	[bflag:$0x3] =	sbarrier.arrive $0xFFFF;
	s2 =	simm.s32 @!p0 $0x1C01  }
0xcc: {  	[timem:s3], [sflag:s2] =	dma.local @!p0 [hbm:s0], s1  }
0xcd: {  	s0 =	simm.s32 @!p0 $0x1  }
0xce: {  	_ =	swait.ge @!p0 [sflag:s0], s1  }
0xcf: {  	s1 =	ssub.s32 @!p0 $0x0, s1;
	[sflag:s0] =	ssyncset.done @!p0 $0x0  }
0xd0: {  	[sflag:s0] =	ssyncadd.s32 @!p0 s1  }
0xd1: {  	[bflag:$0x3] =	sbarrier.arrive $0xFFFF  }
0xd2: {  	_ =	shalt  }

</sc_bundles>
